<compile_context>
chip_gen: v7x
topology: tpu7x:2x2x1
jax: 0.10.2.dev20260603
libtpu: 0.0.44.dev20260713+nightly
codegen_flags: <defaults>
</compile_context>

<pallas_src>
import functools

import jax
import jax.numpy as jnp
from jax import lax
from jax.experimental import pallas as pl
from jax.experimental.pallas import tpu as pltpu
from jax.experimental.pallas import tpu_sc as plsc

N = 10000
E = 320000
D = 128
OUT = 128
DH = D // 2

NC = 2
NS = 16
EPT = E // NS
K = 80
NCHUNK = EPT // K
NB = 6
GD = 4
ROWS_PT = N // NS
CW = 16


def _sc_body(x2_hbm, ei_hbm, z16_hbm, ones16_hbm, agg_out,
             agg_sp, cnt_sp, src_v, dst_v,
             rows_0, rows_1, rows_2, rows_3, rows_4, rows_5, ones_v,
             gsem_0, gsem_1, gsem_2, gsem_3, gsem_4, gsem_5,
             ssem_0, ssem_1, ssem_2, ssem_3, ssem_4, ssem_5):
    c = lax.axis_index("c")
    s = lax.axis_index("s")
    bufs = [rows_0, rows_1, rows_2, rows_3, rows_4, rows_5]
    gsems = [gsem_0, gsem_1, gsem_2, gsem_3, gsem_4, gsem_5]
    ssems = [ssem_0, ssem_1, ssem_2, ssem_3, ssem_4, ssem_5]

    @pl.loop(0, K)
    def _zero_stage(r):
        for j in range(DH // 16):
            rows_0[r, pl.ds(j * 16, 16)] = jnp.zeros((16,), jnp.float32)

    row0 = s * ROWS_PT
    for i in range(ROWS_PT // K):
        pltpu.sync_copy(rows_0, agg_sp.at[pl.ds(row0 + i * K, K)])
    _TAIL = ROWS_PT - (ROWS_PT // K) * K
    if _TAIL:
        pltpu.sync_copy(rows_0.at[pl.ds(0, _TAIL)],
                        agg_sp.at[pl.ds(row0 + ROWS_PT - _TAIL, _TAIL)])
    pltpu.sync_copy(z16_hbm, cnt_sp.at[pl.ds(row0, ROWS_PT)])
    pltpu.sync_copy(ones16_hbm, ones_v)

    e0 = s * EPT
    pltpu.sync_copy(ei_hbm.at[0, pl.ds(e0, EPT)], src_v)
    pltpu.sync_copy(ei_hbm.at[1, pl.ds(e0, EPT)], dst_v)

    @pl.loop(0, EPT // 16)
    def _xform(i):
        v = src_v[pl.ds(i * 16, 16)]
        src_v[pl.ds(i * 16, 16)] = v * 2 + c

    plsc.subcore_barrier()

    def _idx(ref, ch):
        return ref.at[pl.ds(pl.multiple_of(ch * K, K), K)]

    def _gather(ch, j):
        pltpu.async_copy(x2_hbm.at[_idx(src_v, ch)], bufs[j], gsems[j])

    def _wait_gather(ch, j):
        pltpu.make_async_copy(x2_hbm.at[_idx(src_v, ch)], bufs[j],
                              gsems[j]).wait()

    def _scatter(ch, j):
        pltpu.async_copy(bufs[j], agg_sp.at[_idx(dst_v, ch)], ssems[j],
                         add=True)
        pltpu.async_copy(ones_v, cnt_sp.at[_idx(dst_v, ch)], ssems[j],
                         add=True)

    def _wait_scatter(ch, j):
        pltpu.make_async_copy(bufs[j], agg_sp.at[_idx(dst_v, ch)],
                              ssems[j]).wait()
        pltpu.make_async_copy(ones_v, cnt_sp.at[_idx(dst_v, ch)],
                              ssems[j]).wait()

    def _step(ch, u):
        _wait_gather(ch, u)
        _scatter(ch, u)
        tgt = ch + GD
        k = (u + GD) % NB
        if isinstance(ch, int) and tgt < NB:
            _gather(tgt, k)
        else:
            _wait_scatter(ch - (NB - GD), k)
            _gather(tgt, k)

    for ch in range(GD):
        _gather(ch, ch)
    for ch in range(NB):
        _step(ch, ch)

    _ROUNDS = (NCHUNK - NB) // NB

    @pl.loop(0, _ROUNDS)
    def _round(g):
        ch0 = NB + g * NB
        for u in range(NB):
            _step(ch0 + u, u)

    for ch in range(NB + _ROUNDS * NB, NCHUNK):
        u = ch % NB
        _wait_gather(ch, u)
        _scatter(ch, u)
    for ch in range(NCHUNK - NB, NCHUNK):
        _wait_scatter(ch, ch % NB)

    plsc.subcore_barrier()

    def _div_block(boff, L, bref):
        pltpu.sync_copy(agg_sp.at[pl.ds(boff, L)], bref.at[pl.ds(0, L)])
        pltpu.sync_copy(cnt_sp.at[pl.ds(boff, L)], ones_v.at[pl.ds(0, L)])

        @pl.loop(0, L)
        def _div_row(r):
            cntv = ones_v[r, :]
            m = jnp.maximum(cntv, jnp.ones((CW,), jnp.float32))
            for j in range(DH // 16):
                bref[r, pl.ds(j * 16, 16)] = (
                    bref[r, pl.ds(j * 16, 16)] / m[:16])

        pltpu.sync_copy(bref.at[pl.ds(0, L)],
                        agg_out.at[pl.ds(boff, L),
                                   pl.ds(pl.multiple_of(c * DH, DH), DH)])

    for i in range(ROWS_PT // K):
        _div_block(row0 + i * K, K, bufs[i % 2])
    if _TAIL:
        _div_block(row0 + ROWS_PT - _TAIL, _TAIL, bufs[2])


def _sc_aggregate(*args):
    return functools.partial(
        pl.kernel,
        out_type=jax.ShapeDtypeStruct((N, D), jnp.float32),
        mesh=plsc.VectorSubcoreMesh(core_axis_name="c", subcore_axis_name="s"),
    scratch_types=[
        pltpu.VMEM_SHARED((N, DH), jnp.float32),
        pltpu.VMEM_SHARED((N, CW), jnp.float32),
        pltpu.VMEM((EPT,), jnp.int32),
        pltpu.VMEM((EPT,), jnp.int32),
        pltpu.VMEM((K, DH), jnp.float32),
        pltpu.VMEM((K, DH), jnp.float32),
        pltpu.VMEM((K, DH), jnp.float32),
        pltpu.VMEM((K, DH), jnp.float32),
        pltpu.VMEM((K, DH), jnp.float32),
        pltpu.VMEM((K, DH), jnp.float32),
        pltpu.VMEM((K, CW), jnp.float32),
        pltpu.SemaphoreType.DMA,
        pltpu.SemaphoreType.DMA,
        pltpu.SemaphoreType.DMA,
        pltpu.SemaphoreType.DMA,
        pltpu.SemaphoreType.DMA,
        pltpu.SemaphoreType.DMA,
        pltpu.SemaphoreType.DMA,
        pltpu.SemaphoreType.DMA,
        pltpu.SemaphoreType.DMA,
        pltpu.SemaphoreType.DMA,
        pltpu.SemaphoreType.DMA,
        pltpu.SemaphoreType.DMA,
    ],
    compiler_params=pltpu.CompilerParams(use_tc_tiling_on_sc=False),
    )(_sc_body)(*args)


def _tc_body(x_ref, agg_ref, w_ref, b_ref, o_ref):
    wl = w_ref[:, :D]
    wr = w_ref[:, D:]
    dn = (((1,), (1,)), ((), ()))
    y = (lax.dot_general(x_ref[...], wl, dn, preferred_element_type=jnp.float32)
         + lax.dot_general(agg_ref[...], wr, dn,
                           preferred_element_type=jnp.float32)
         + b_ref[...])
    y = jnp.maximum(y, 0.0)
    un = jnp.sum(y * y, axis=1, keepdims=True) - 1.0
    f1 = y / jnp.sqrt(jnp.clip(un, 1e-8, None))
    zero = jnp.all(f1 == 0.0, axis=1, keepdims=True)
    f2 = jnp.where(zero, 1.0, f1)
    n2 = jnp.sqrt(jnp.sum(f2 * f2, axis=1, keepdims=True))
    nf = f2 / jnp.clip(n2, 1e-8, None)
    o_ref[...] = jnp.concatenate(
        [nf, jnp.ones((nf.shape[0], 1), jnp.float32)], axis=1)


_R = 1000


def _tc_project(x, agg, W, b2):
    return pl.pallas_call(
        _tc_body,
        grid=(N // _R,),
        in_specs=[
            pl.BlockSpec((_R, D), lambda i: (i, 0)),
            pl.BlockSpec((_R, D), lambda i: (i, 0)),
            pl.BlockSpec((OUT, 2 * D), lambda i: (0, 0)),
            pl.BlockSpec((1, OUT), lambda i: (0, 0)),
        ],
        out_specs=pl.BlockSpec((_R, OUT + 1), lambda i: (i, 0)),
        out_shape=jax.ShapeDtypeStruct((N, OUT + 1), jnp.float32),
    )(x, agg, W, b2)


def kernel(x, edge_index, W, b):
    x2 = x.reshape(N * NC, DH)
    z16 = jnp.zeros((ROWS_PT, CW), jnp.float32)
    ones16 = jnp.ones((K, CW), jnp.float32)
    agg = _sc_aggregate(x2, edge_index, z16, ones16)
    b2 = b.reshape(1, OUT)
    return _tc_project(x, agg, W, b2)

# --- scband reference (transcript-rebuilt; emitter-appended) ---
"""Pipeline reference for scband-uhgsageconv-59322088292912 (READ-ONLY COPY).

The authoritative reference and input builder live on the scoring server;
editing this copy changes nothing except your own understanding.
"""

import jax, jax.numpy as jnp
import numpy as np

N = 10000
E = 320000
D = 128
OUT = 128


def setup_inputs(seed: int = 0) -> dict:
    key = jax.random.key(seed)
    k1, k2, k3 = jax.random.split(key, 3)
    x = jax.random.normal(k1, (N, D), dtype=jnp.float32)
    edge_index = jax.random.randint(k2, (2, E), 0, N, dtype=jnp.int32)
    # Linear(in_channels*2 -> out_channels): weight [OUT, 2*D], bias [OUT]
    W = jax.random.normal(k3, (OUT, 2 * D), dtype=jnp.float32) / jnp.sqrt(2.0 * D)
    W = W / jnp.clip(jnp.linalg.norm(W, axis=1, keepdims=True), 1e-8, None)
    b = jnp.zeros((OUT,), dtype=jnp.float32)
    return {"x": x, "edge_index": edge_index, "W": W, "b": b}


def _scatter_mean(src, index, dim_size):
    out = jnp.zeros((dim_size, src.shape[1]), dtype=src.dtype).at[index].add(src)
    count = jnp.zeros((dim_size, 1), dtype=src.dtype).at[index].add(jnp.ones((src.shape[0], 1), dtype=src.dtype))
    count = jnp.where(count == 0, jnp.ones_like(count), count)
    return out / count


def _uhg_normalize(x):
    feats = x[..., :-1]
    hom = x[..., -1:]
    un = jnp.sum(feats ** 2, axis=-1) - x[..., -1] ** 2
    norm = jnp.sqrt(jnp.clip(un, 1e-8, None))
    feats = feats / norm[..., None]
    hom = jnp.sign(hom) * jnp.ones_like(hom)
    return jnp.concatenate([feats, hom], axis=-1)


def _normalize_points(points):
    feats = points[..., :-1]
    hom = points[..., -1:]
    zero_mask = jnp.all(feats == 0, axis=-1, keepdims=True)
    feats = jnp.where(zero_mask, jnp.ones_like(feats), feats)
    norm = jnp.linalg.norm(feats, axis=-1, keepdims=True)
    nf = feats / jnp.clip(norm, 1e-8, None)
    normalized = jnp.concatenate([nf, hom], axis=-1)
    sign = jnp.sign(normalized[..., -1:])
    sign = jnp.where(sign == 0, jnp.ones_like(sign), sign)
    return normalized * sign


def reference(x, edge_index, W, b):
    src = edge_index[0]
    dst = edge_index[1]
    source_features = jnp.take(x, src, axis=0)
    agg = _scatter_mean(source_features, dst, x.shape[0])
    out = jnp.concatenate([x, agg], axis=1)
    out = out @ W.T + b
    out = jax.nn.relu(out)
    ones = jnp.ones((out.shape[0], 1), dtype=out.dtype)
    out = jnp.concatenate([out, ones], axis=1)
    out = _uhg_normalize(out)
    out = _normalize_points(out)
    return out

if __name__ == "__main__":
    import jax
    _d = setup_inputs()
    print(jax.jit(kernel)(*tuple(_d.values())))

</pallas_src>

<mosaic_0001>
#map = affine_map<(d0, d1) -> (0, 0)>
module attributes {stable_mosaic.version = 14 : i64} {
  func.func @_sc_body(%arg0: i32, %arg1: i32, %arg2: memref<20000x64xf32, #tpu.memory_space<hbm>>, %arg3: memref<2x320000xi32, #tpu.memory_space<hbm>>, %arg4: memref<625x16xf32, #tpu.memory_space<hbm>>, %arg5: memref<80x16xf32, #tpu.memory_space<hbm>>, %arg6: memref<10000x128xf32, #tpu.memory_space<hbm>>, %arg7: memref<10000x64xf32, #tpu.memory_space<vmem_shared>>, %arg8: memref<10000x16xf32, #tpu.memory_space<vmem_shared>>, %arg9: memref<20000xi32, #tpu.memory_space<vmem>>, %arg10: memref<20000xi32, #tpu.memory_space<vmem>>, %arg11: memref<80x64xf32, #tpu.memory_space<vmem>>, %arg12: memref<80x64xf32, #tpu.memory_space<vmem>>, %arg13: memref<80x64xf32, #tpu.memory_space<vmem>>, %arg14: memref<80x64xf32, #tpu.memory_space<vmem>>, %arg15: memref<80x64xf32, #tpu.memory_space<vmem>>, %arg16: memref<80x64xf32, #tpu.memory_space<vmem>>, %arg17: memref<80x16xf32, #tpu.memory_space<vmem>>, %arg18: memref<!tpu.dma_semaphore, #tpu.memory_space<semaphore_mem>>, %arg19: memref<!tpu.dma_semaphore, #tpu.memory_space<semaphore_mem>>, %arg20: memref<!tpu.dma_semaphore, #tpu.memory_space<semaphore_mem>>, %arg21: memref<!tpu.dma_semaphore, #tpu.memory_space<semaphore_mem>>, %arg22: memref<!tpu.dma_semaphore, #tpu.memory_space<semaphore_mem>>, %arg23: memref<!tpu.dma_semaphore, #tpu.memory_space<semaphore_mem>>, %arg24: memref<!tpu.dma_semaphore, #tpu.memory_space<semaphore_mem>>, %arg25: memref<!tpu.dma_semaphore, #tpu.memory_space<semaphore_mem>>, %arg26: memref<!tpu.dma_semaphore, #tpu.memory_space<semaphore_mem>>, %arg27: memref<!tpu.dma_semaphore, #tpu.memory_space<semaphore_mem>>, %arg28: memref<!tpu.dma_semaphore, #tpu.memory_space<semaphore_mem>>, %arg29: memref<!tpu.dma_semaphore, #tpu.memory_space<semaphore_mem>>) attributes {dimension_semantics = [#tpu.dimension_semantics<core_parallel>, #tpu.dimension_semantics<subcore_parallel>], iteration_bounds = array<i64: 2, 16>, scalar_prefetch = 0 : i64, scratch_operands = 23 : i64, tpu.core_type = #tpu.core_type<sc_vector_subcore>, window_params = [{transform_indices = #map}, {transform_indices = #map}, {transform_indices = #map}, {transform_indices = #map}, {transform_indices = #map}]} {
    %scan3A = arith.constant 0 : i32
    %scan3A_0 = arith.constant 80 : i32
    %scan3A_1 = arith.addi %scan3A, %scan3A_0 : i32
    %scan3A_2 = arith.constant 1 : i32
    scf.for %scan3A_474 = %scan3A to %scan3A_1 step %scan3A_2  : i32 {
      %mul3A_475 = arith.constant 1 : i32
      %mul3A_476 = arith.muli %scan3A_474, %mul3A_475 : i32
      %add3A_477 = arith.constant 0 : i32
      %add3A_478 = arith.addi %add3A_477, %mul3A_476 : i32
      %broadcast_in_dim3A = arith.constant 0.000000e+00 : f32
      %broadcast_in_dim3A_479 = vector.broadcast %broadcast_in_dim3A : f32 to vector<16xf32>
      %swap3A = arith.index_cast %add3A_478 : i32 to index
      %swap3A_480 = arith.constant 0 : index
      %swap3A_481 = tpu.vector_load %arg11[%swap3A, %swap3A_480] {strides = array<i32>} : memref<80x64xf32, #tpu.memory_space<vmem>>, vector<1x16xf32>,
      %swap3A_482 = vector.shape_cast %swap3A_481 : vector<1x16xf32> to vector<16xf32>
      %swap3A_483 = vector.shape_cast %broadcast_in_dim3A_479 : vector<16xf32> to vector<1x16xf32>
      tpu.vector_store %arg11[%swap3A, %swap3A_480], %swap3A_483 {strides = array<i32>} : memref<80x64xf32, #tpu.memory_space<vmem>>, vector<1x16xf32>,
      %broadcast_in_dim3A_484 = arith.constant 0.000000e+00 : f32
      %broadcast_in_dim3A_485 = vector.broadcast %broadcast_in_dim3A_484 : f32 to vector<16xf32>
      %swap3A_486 = arith.index_cast %add3A_478 : i32 to index
      %swap3A_487 = arith.constant 16 : index
      %swap3A_488 = tpu.vector_load %arg11[%swap3A_486, %swap3A_487] {strides = array<i32>} : memref<80x64xf32, #tpu.memory_space<vmem>>, vector<1x16xf32>,
      %swap3A_489 = vector.shape_cast %swap3A_488 : vector<1x16xf32> to vector<16xf32>
      %swap3A_490 = vector.shape_cast %broadcast_in_dim3A_485 : vector<16xf32> to vector<1x16xf32>
      tpu.vector_store %arg11[%swap3A_486, %swap3A_487], %swap3A_490 {strides = array<i32>} : memref<80x64xf32, #tpu.memory_space<vmem>>, vector<1x16xf32>,
      %broadcast_in_dim3A_491 = arith.constant 0.000000e+00 : f32
      %broadcast_in_dim3A_492 = vector.broadcast %broadcast_in_dim3A_491 : f32 to vector<16xf32>
      %swap3A_493 = arith.index_cast %add3A_478 : i32 to index
      %swap3A_494 = arith.constant 32 : index
      %swap3A_495 = tpu.vector_load %arg11[%swap3A_493, %swap3A_494] {strides = array<i32>} : memref<80x64xf32, #tpu.memory_space<vmem>>, vector<1x16xf32>,
      %swap3A_496 = vector.shape_cast %swap3A_495 : vector<1x16xf32> to vector<16xf32>
      %swap3A_497 = vector.shape_cast %broadcast_in_dim3A_492 : vector<16xf32> to vector<1x16xf32>
      tpu.vector_store %arg11[%swap3A_493, %swap3A_494], %swap3A_497 {strides = array<i32>} : memref<80x64xf32, #tpu.memory_space<vmem>>, vector<1x16xf32>,
      %broadcast_in_dim3A_498 = arith.constant 0.000000e+00 : f32
      %broadcast_in_dim3A_499 = vector.broadcast %broadcast_in_dim3A_498 : f32 to vector<16xf32>
      %swap3A_500 = arith.index_cast %add3A_478 : i32 to index
      %swap3A_501 = arith.constant 48 : index
      %swap3A_502 = tpu.vector_load %arg11[%swap3A_500, %swap3A_501] {strides = array<i32>} : memref<80x64xf32, #tpu.memory_space<vmem>>, vector<1x16xf32>,
      %swap3A_503 = vector.shape_cast %swap3A_502 : vector<1x16xf32> to vector<16xf32>
      %swap3A_504 = vector.shape_cast %broadcast_in_dim3A_499 : vector<16xf32> to vector<1x16xf32>
      tpu.vector_store %arg11[%swap3A_500, %swap3A_501], %swap3A_504 {strides = array<i32>} : memref<80x64xf32, #tpu.memory_space<vmem>>, vector<1x16xf32>,
    }
    %scan3A_3 = arith.constant 80 : i32
    %mul3A = arith.constant 625 : i32
    %mul3A_4 = arith.muli %arg1, %mul3A : i32
    %add3A = arith.constant 0 : i32
    %add3A_5 = arith.addi %mul3A_4, %add3A : i32
    "tpu.region"() ({
      %run_scoped3A_474 = tpu.sem_alloc : memref<!tpu.dma_semaphore, #tpu.memory_space<semaphore_mem>>
      %dma_start3A_475 = arith.constant 0 : i32
      %dma_start3A_476 = tpu.memref_slice %arg7[%add3A_5, %dma_start3A_475] : memref<10000x64xf32, #tpu.memory_space<vmem_shared>> -> memref<80x64xf32, #tpu.memory_space<vmem_shared>>
      %dma_start3A_477 = arith.constant 0 : i32
      %dma_start3A_478 = tpu.memref_slice %arg7[%add3A_5, %dma_start3A_477] : memref<10000x64xf32, #tpu.memory_space<vmem_shared>> -> memref<80x64xf32, #tpu.memory_space<vmem_shared>>
      tpu.enqueue_dma source(%arg11 : memref<80x64xf32, #tpu.memory_space<vmem>>) target(%dma_start3A_478 : memref<80x64xf32, #tpu.memory_space<vmem_shared>>) target_semaphore(%run_scoped3A_474 : memref<!tpu.dma_semaphore, #tpu.memory_space<semaphore_mem>>)
      %dma_wait3A_479 = arith.constant 0 : i32
      %dma_wait3A_480 = tpu.memref_slice %arg7[%add3A_5, %dma_wait3A_479] : memref<10000x64xf32, #tpu.memory_space<vmem_shared>> -> memref<80x64xf32, #tpu.memory_space<vmem_shared>>
      %dma_wait3A_481 = arith.constant 0 : i32
      %dma_wait3A_482 = tpu.memref_slice %arg7[%add3A_5, %dma_wait3A_481] : memref<10000x64xf32, #tpu.memory_space<vmem_shared>> -> memref<80x64xf32, #tpu.memory_space<vmem_shared>>
      tpu.wait_dma2 semaphore(%run_scoped3A_474 : memref<!tpu.dma_semaphore, #tpu.memory_space<semaphore_mem>>) src(%arg11 : memref<80x64xf32, #tpu.memory_space<vmem>>) dst(%dma_wait3A_482 : memref<80x64xf32, #tpu.memory_space<vmem_shared>>)
      tpu.yield
    }) : () -> ()
    %add3A_6 = arith.constant 80 : i32
    %add3A_7 = arith.addi %mul3A_4, %add3A_6 : i32
    "tpu.region"() ({
      %run_scoped3A_474 = tpu.sem_alloc : memref<!tpu.dma_semaphore, #tpu.memory_space<semaphore_mem>>
      %dma_start3A_475 = arith.constant 0 : i32
      %dma_start3A_476 = tpu.memref_slice %arg7[%add3A_7, %dma_start3A_475] : memref<10000x64xf32, #tpu.memory_space<vmem_shared>> -> memref<80x64xf32, #tpu.memory_space<vmem_shared>>
      %dma_start3A_477 = arith.constant 0 : i32
      %dma_start3A_478 = tpu.memref_slice %arg7[%add3A_7, %dma_start3A_477] : memref<10000x64xf32, #tpu.memory_space<vmem_shared>> -> memref<80x64xf32, #tpu.memory_space<vmem_shared>>
      tpu.enqueue_dma source(%arg11 : memref<80x64xf32, #tpu.memory_space<vmem>>) target(%dma_start3A_478 : memref<80x64xf32, #tpu.memory_space<vmem_shared>>) target_semaphore(%run_scoped3A_474 : memref<!tpu.dma_semaphore, #tpu.memory_space<semaphore_mem>>)
      %dma_wait3A_479 = arith.constant 0 : i32
      %dma_wait3A_480 = tpu.memref_slice %arg7[%add3A_7, %dma_wait3A_479] : memref<10000x64xf32, #tpu.memory_space<vmem_shared>> -> memref<80x64xf32, #tpu.memory_space<vmem_shared>>
      %dma_wait3A_481 = arith.constant 0 : i32
      %dma_wait3A_482 = tpu.memref_slice %arg7[%add3A_7, %dma_wait3A_481] : memref<10000x64xf32, #tpu.memory_space<vmem_shared>> -> memref<80x64xf32, #tpu.memory_space<vmem_shared>>
      tpu.wait_dma2 semaphore(%run_scoped3A_474 : memref<!tpu.dma_semaphore, #tpu.memory_space<semaphore_mem>>) src(%arg11 : memref<80x64xf32, #tpu.memory_space<vmem>>) dst(%dma_wait3A_482 : memref<80x64xf32, #tpu.memory_space<vmem_shared>>)
      tpu.yield
    }) : () -> ()
    %add3A_8 = arith.constant 160 : i32
    %add3A_9 = arith.addi %mul3A_4, %add3A_8 : i32
    "tpu.region"() ({
      %run_scoped3A_474 = tpu.sem_alloc : memref<!tpu.dma_semaphore, #tpu.memory_space<semaphore_mem>>
      %dma_start3A_475 = arith.constant 0 : i32
      %dma_start3A_476 = tpu.memref_slice %arg7[%add3A_9, %dma_start3A_475] : memref<10000x64xf32, #tpu.memory_space<vmem_shared>> -> memref<80x64xf32, #tpu.memory_space<vmem_shared>>
      %dma_start3A_477 = arith.constant 0 : i32
      %dma_start3A_478 = tpu.memref_slice %arg7[%add3A_9, %dma_start3A_477] : memref<10000x64xf32, #tpu.memory_space<vmem_shared>> -> memref<80x64xf32, #tpu.memory_space<vmem_shared>>
      tpu.enqueue_dma source(%arg11 : memref<80x64xf32, #tpu.memory_space<vmem>>) target(%dma_start3A_478 : memref<80x64xf32, #tpu.memory_space<vmem_shared>>) target_semaphore(%run_scoped3A_474 : memref<!tpu.dma_semaphore, #tpu.memory_space<semaphore_mem>>)
      %dma_wait3A_479 = arith.constant 0 : i32
      %dma_wait3A_480 = tpu.memref_slice %arg7[%add3A_9, %dma_wait3A_479] : memref<10000x64xf32, #tpu.memory_space<vmem_shared>> -> memref<80x64xf32, #tpu.memory_space<vmem_shared>>
      %dma_wait3A_481 = arith.constant 0 : i32
      %dma_wait3A_482 = tpu.memref_slice %arg7[%add3A_9, %dma_wait3A_481] : memref<10000x64xf32, #tpu.memory_space<vmem_shared>> -> memref<80x64xf32, #tpu.memory_space<vmem_shared>>
      tpu.wait_dma2 semaphore(%run_scoped3A_474 : memref<!tpu.dma_semaphore, #tpu.memory_space<semaphore_mem>>) src(%arg11 : memref<80x64xf32, #tpu.memory_space<vmem>>) dst(%dma_wait3A_482 : memref<80x64xf32, #tpu.memory_space<vmem_shared>>)
      tpu.yield
    }) : () -> ()
    %add3A_10 = arith.constant 240 : i32
    %add3A_11 = arith.addi %mul3A_4, %add3A_10 : i32
    "tpu.region"() ({
      %run_scoped3A_474 = tpu.sem_alloc : memref<!tpu.dma_semaphore, #tpu.memory_space<semaphore_mem>>
      %dma_start3A_475 = arith.constant 0 : i32
      %dma_start3A_476 = tpu.memref_slice %arg7[%add3A_11, %dma_start3A_475] : memref<10000x64xf32, #tpu.memory_space<vmem_shared>> -> memref<80x64xf32, #tpu.memory_space<vmem_shared>>
      %dma_start3A_477 = arith.constant 0 : i32
      %dma_start3A_478 = tpu.memref_slice %arg7[%add3A_11, %dma_start3A_477] : memref<10000x64xf32, #tpu.memory_space<vmem_shared>> -> memref<80x64xf32, #tpu.memory_space<vmem_shared>>
      tpu.enqueue_dma source(%arg11 : memref<80x64xf32, #tpu.memory_space<vmem>>) target(%dma_start3A_478 : memref<80x64xf32, #tpu.memory_space<vmem_shared>>) target_semaphore(%run_scoped3A_474 : memref<!tpu.dma_semaphore, #tpu.memory_space<semaphore_mem>>)
      %dma_wait3A_479 = arith.constant 0 : i32
      %dma_wait3A_480 = tpu.memref_slice %arg7[%add3A_11, %dma_wait3A_479] : memref<10000x64xf32, #tpu.memory_space<vmem_shared>> -> memref<80x64xf32, #tpu.memory_space<vmem_shared>>
      %dma_wait3A_481 = arith.constant 0 : i32
      %dma_wait3A_482 = tpu.memref_slice %arg7[%add3A_11, %dma_wait3A_481] : memref<10000x64xf32, #tpu.memory_space<vmem_shared>> -> memref<80x64xf32, #tpu.memory_space<vmem_shared>>
      tpu.wait_dma2 semaphore(%run_scoped3A_474 : memref<!tpu.dma_semaphore, #tpu.memory_space<semaphore_mem>>) src(%arg11 : memref<80x64xf32, #tpu.memory_space<vmem>>) dst(%dma_wait3A_482 : memref<80x64xf32, #tpu.memory_space<vmem_shared>>)
      tpu.yield
    }) : () -> ()
    %add3A_12 = arith.constant 320 : i32
    %add3A_13 = arith.addi %mul3A_4, %add3A_12 : i32
    "tpu.region"() ({
      %run_scoped3A_474 = tpu.sem_alloc : memref<!tpu.dma_semaphore, #tpu.memory_space<semaphore_mem>>
      %dma_start3A_475 = arith.constant 0 : i32
      %dma_start3A_476 = tpu.memref_slice %arg7[%add3A_13, %dma_start3A_475] : memref<10000x64xf32, #tpu.memory_space<vmem_shared>> -> memref<80x64xf32, #tpu.memory_space<vmem_shared>>
      %dma_start3A_477 = arith.constant 0 : i32
      %dma_start3A_478 = tpu.memref_slice %arg7[%add3A_13, %dma_start3A_477] : memref<10000x64xf32, #tpu.memory_space<vmem_shared>> -> memref<80x64xf32, #tpu.memory_space<vmem_shared>>
      tpu.enqueue_dma source(%arg11 : memref<80x64xf32, #tpu.memory_space<vmem>>) target(%dma_start3A_478 : memref<80x64xf32, #tpu.memory_space<vmem_shared>>) target_semaphore(%run_scoped3A_474 : memref<!tpu.dma_semaphore, #tpu.memory_space<semaphore_mem>>)
      %dma_wait3A_479 = arith.constant 0 : i32
      %dma_wait3A_480 = tpu.memref_slice %arg7[%add3A_13, %dma_wait3A_479] : memref<10000x64xf32, #tpu.memory_space<vmem_shared>> -> memref<80x64xf32, #tpu.memory_space<vmem_shared>>
      %dma_wait3A_481 = arith.constant 0 : i32
      %dma_wait3A_482 = tpu.memref_slice %arg7[%add3A_13, %dma_wait3A_481] : memref<10000x64xf32, #tpu.memory_space<vmem_shared>> -> memref<80x64xf32, #tpu.memory_space<vmem_shared>>
      tpu.wait_dma2 semaphore(%run_scoped3A_474 : memref<!tpu.dma_semaphore, #tpu.memory_space<semaphore_mem>>) src(%arg11 : memref<80x64xf32, #tpu.memory_space<vmem>>) dst(%dma_wait3A_482 : memref<80x64xf32, #tpu.memory_space<vmem_shared>>)
      tpu.yield
    }) : () -> ()
    %add3A_14 = arith.constant 400 : i32
    %add3A_15 = arith.addi %mul3A_4, %add3A_14 : i32
    "tpu.region"() ({
      %run_scoped3A_474 = tpu.sem_alloc : memref<!tpu.dma_semaphore, #tpu.memory_space<semaphore_mem>>
      %dma_start3A_475 = arith.constant 0 : i32
      %dma_start3A_476 = tpu.memref_slice %arg7[%add3A_15, %dma_start3A_475] : memref<10000x64xf32, #tpu.memory_space<vmem_shared>> -> memref<80x64xf32, #tpu.memory_space<vmem_shared>>
      %dma_start3A_477 = arith.constant 0 : i32
      %dma_start3A_478 = tpu.memref_slice %arg7[%add3A_15, %dma_start3A_477] : memref<10000x64xf32, #tpu.memory_space<vmem_shared>> -> memref<80x64xf32, #tpu.memory_space<vmem_shared>>
      tpu.enqueue_dma source(%arg11 : memref<80x64xf32, #tpu.memory_space<vmem>>) target(%dma_start3A_478 : memref<80x64xf32, #tpu.memory_space<vmem_shared>>) target_semaphore(%run_scoped3A_474 : memref<!tpu.dma_semaphore, #tpu.memory_space<semaphore_mem>>)
      %dma_wait3A_479 = arith.constant 0 : i32
      %dma_wait3A_480 = tpu.memref_slice %arg7[%add3A_15, %dma_wait3A_479] : memref<10000x64xf32, #tpu.memory_space<vmem_shared>> -> memref<80x64xf32, #tpu.memory_space<vmem_shared>>
      %dma_wait3A_481 = arith.constant 0 : i32
      %dma_wait3A_482 = tpu.memref_slice %arg7[%add3A_15, %dma_wait3A_481] : memref<10000x64xf32, #tpu.memory_space<vmem_shared>> -> memref<80x64xf32, #tpu.memory_space<vmem_shared>>
      tpu.wait_dma2 semaphore(%run_scoped3A_474 : memref<!tpu.dma_semaphore, #tpu.memory_space<semaphore_mem>>) src(%arg11 : memref<80x64xf32, #tpu.memory_space<vmem>>) dst(%dma_wait3A_482 : memref<80x64xf32, #tpu.memory_space<vmem_shared>>)
      tpu.yield
    }) : () -> ()
    %add3A_16 = arith.constant 480 : i32
    %add3A_17 = arith.addi %mul3A_4, %add3A_16 : i32
    "tpu.region"() ({
      %run_scoped3A_474 = tpu.sem_alloc : memref<!tpu.dma_semaphore, #tpu.memory_space<semaphore_mem>>
      %dma_start3A_475 = arith.constant 0 : i32
      %dma_start3A_476 = tpu.memref_slice %arg7[%add3A_17, %dma_start3A_475] : memref<10000x64xf32, #tpu.memory_space<vmem_shared>> -> memref<80x64xf32, #tpu.memory_space<vmem_shared>>
      %dma_start3A_477 = arith.constant 0 : i32
      %dma_start3A_478 = tpu.memref_slice %arg7[%add3A_17, %dma_start3A_477] : memref<10000x64xf32, #tpu.memory_space<vmem_shared>> -> memref<80x64xf32, #tpu.memory_space<vmem_shared>>
      tpu.enqueue_dma source(%arg11 : memref<80x64xf32, #tpu.memory_space<vmem>>) target(%dma_start3A_478 : memref<80x64xf32, #tpu.memory_space<vmem_shared>>) target_semaphore(%run_scoped3A_474 : memref<!tpu.dma_semaphore, #tpu.memory_space<semaphore_mem>>)
      %dma_wait3A_479 = arith.constant 0 : i32
      %dma_wait3A_480 = tpu.memref_slice %arg7[%add3A_17, %dma_wait3A_479] : memref<10000x64xf32, #tpu.memory_space<vmem_shared>> -> memref<80x64xf32, #tpu.memory_space<vmem_shared>>
      %dma_wait3A_481 = arith.constant 0 : i32
      %dma_wait3A_482 = tpu.memref_slice %arg7[%add3A_17, %dma_wait3A_481] : memref<10000x64xf32, #tpu.memory_space<vmem_shared>> -> memref<80x64xf32, #tpu.memory_space<vmem_shared>>
      tpu.wait_dma2 semaphore(%run_scoped3A_474 : memref<!tpu.dma_semaphore, #tpu.memory_space<semaphore_mem>>) src(%arg11 : memref<80x64xf32, #tpu.memory_space<vmem>>) dst(%dma_wait3A_482 : memref<80x64xf32, #tpu.memory_space<vmem_shared>>)
      tpu.yield
    }) : () -> ()
    %add3A_18 = arith.constant 625 : i32
    %add3A_19 = arith.addi %mul3A_4, %add3A_18 : i32
    %sub3A = arith.constant 65 : i32
    %sub3A_20 = arith.subi %add3A_19, %sub3A : i32
    "tpu.region"() ({
      %run_scoped3A_474 = tpu.sem_alloc : memref<!tpu.dma_semaphore, #tpu.memory_space<semaphore_mem>>
      %dma_start3A_475 = arith.constant 0 : i32
      %dma_start3A_476 = arith.constant 0 : i32
      %dma_start3A_477 = tpu.memref_slice %arg11[%dma_start3A_475, %dma_start3A_476] : memref<80x64xf32, #tpu.memory_space<vmem>> -> memref<65x64xf32, #tpu.memory_space<vmem>>
      %dma_start3A_478 = arith.constant 0 : i32
      %dma_start3A_479 = tpu.memref_slice %arg7[%sub3A_20, %dma_start3A_478] : memref<10000x64xf32, #tpu.memory_space<vmem_shared>> -> memref<65x64xf32, #tpu.memory_space<vmem_shared>>
      %dma_start3A_480 = arith.constant 0 : i32
      %dma_start3A_481 = tpu.memref_slice %arg7[%sub3A_20, %dma_start3A_480] : memref<10000x64xf32, #tpu.memory_space<vmem_shared>> -> memref<65x64xf32, #tpu.memory_space<vmem_shared>>
      %dma_start3A_482 = arith.constant 0 : i32
      %dma_start3A_483 = arith.constant 0 : i32
      %dma_start3A_484 = tpu.memref_slice %arg11[%dma_start3A_482, %dma_start3A_483] : memref<80x64xf32, #tpu.memory_space<vmem>> -> memref<65x64xf32, #tpu.memory_space<vmem>>
      tpu.enqueue_dma source(%dma_start3A_484 : memref<65x64xf32, #tpu.memory_space<vmem>>) target(%dma_start3A_481 : memref<65x64xf32, #tpu.memory_space<vmem_shared>>) target_semaphore(%run_scoped3A_474 : memref<!tpu.dma_semaphore, #tpu.memory_space<semaphore_mem>>)
      %dma_wait3A_485 = arith.constant 0 : i32
      %dma_wait3A_486 = arith.constant 0 : i32
      %dma_wait3A_487 = tpu.memref_slice %arg11[%dma_wait3A_485, %dma_wait3A_486] : memref<80x64xf32, #tpu.memory_space<vmem>> -> memref<65x64xf32, #tpu.memory_space<vmem>>
      %dma_wait3A_488 = arith.constant 0 : i32
      %dma_wait3A_489 = tpu.memref_slice %arg7[%sub3A_20, %dma_wait3A_488] : memref<10000x64xf32, #tpu.memory_space<vmem_shared>> -> memref<65x64xf32, #tpu.memory_space<vmem_shared>>
      %dma_wait3A_490 = arith.constant 0 : i32
      %dma_wait3A_491 = tpu.memref_slice %arg7[%sub3A_20, %dma_wait3A_490] : memref<10000x64xf32, #tpu.memory_space<vmem_shared>> -> memref<65x64xf32, #tpu.memory_space<vmem_shared>>
      %dma_wait3A_492 = arith.constant 0 : i32
      %dma_wait3A_493 = arith.constant 0 : i32
      %dma_wait3A_494 = tpu.memref_slice %arg11[%dma_wait3A_492, %dma_wait3A_493] : memref<80x64xf32, #tpu.memory_space<vmem>> -> memref<65x64xf32, #tpu.memory_space<vmem>>
      tpu.wait_dma2 semaphore(%run_scoped3A_474 : memref<!tpu.dma_semaphore, #tpu.memory_space<semaphore_mem>>) src(%dma_wait3A_494 : memref<65x64xf32, #tpu.memory_space<vmem>>) dst(%dma_wait3A_491 : memref<65x64xf32, #tpu.memory_space<vmem_shared>>)
      tpu.yield
    }) : () -> ()
    "tpu.region"() ({
      %run_scoped3A_474 = tpu.sem_alloc : memref<!tpu.dma_semaphore, #tpu.memory_space<semaphore_mem>>
      %dma_start3A_475 = arith.constant 0 : i32
      %dma_start3A_476 = tpu.memref_slice %arg8[%mul3A_4, %dma_start3A_475] : memref<10000x16xf32, #tpu.memory_space<vmem_shared>> -> memref<625x16xf32, #tpu.memory_space<vmem_shared>>
      tpu.enqueue_dma source(%arg4 : memref<625x16xf32, #tpu.memory_space<hbm>>) target(%dma_start3A_476 : memref<625x16xf32, #tpu.memory_space<vmem_shared>>) target_semaphore(%run_scoped3A_474 : memref<!tpu.dma_semaphore, #tpu.memory_space<semaphore_mem>>)
      %dma_wait3A_477 = arith.constant 0 : i32
      %dma_wait3A_478 = tpu.memref_slice %arg8[%mul3A_4, %dma_wait3A_477] : memref<10000x16xf32, #tpu.memory_space<vmem_shared>> -> memref<625x16xf32, #tpu.memory_space<vmem_shared>>
      tpu.wait_dma2 semaphore(%run_scoped3A_474 : memref<!tpu.dma_semaphore, #tpu.memory_space<semaphore_mem>>) src(%arg4 : memref<625x16xf32, #tpu.memory_space<hbm>>) dst(%dma_wait3A_478 : memref<625x16xf32, #tpu.memory_space<vmem_shared>>)
      tpu.yield
    }) : () -> ()
    "tpu.region"() ({
      %run_scoped3A_474 = tpu.sem_alloc : memref<!tpu.dma_semaphore, #tpu.memory_space<semaphore_mem>>
      tpu.enqueue_dma source(%arg5 : memref<80x16xf32, #tpu.memory_space<hbm>>) target(%arg17 : memref<80x16xf32, #tpu.memory_space<vmem>>) target_semaphore(%run_scoped3A_474 : memref<!tpu.dma_semaphore, #tpu.memory_space<semaphore_mem>>)
      tpu.wait_dma2 semaphore(%run_scoped3A_474 : memref<!tpu.dma_semaphore, #tpu.memory_space<semaphore_mem>>) src(%arg5 : memref<80x16xf32, #tpu.memory_space<hbm>>) dst(%arg17 : memref<80x16xf32, #tpu.memory_space<vmem>>)
      tpu.yield
    }) : () -> ()
    %mul3A_21 = arith.constant 20000 : i32
    %mul3A_22 = arith.muli %arg1, %mul3A_21 : i32
    %run_scoped3A = arith.constant 0 : i32
    "tpu.region"() ({
      %run_scoped3A_474 = tpu.sem_alloc : memref<!tpu.dma_semaphore, #tpu.memory_space<semaphore_mem>>
      %dma_start3A_475 = tpu.memref_slice %arg3[%run_scoped3A, %mul3A_22] : memref<2x320000xi32, #tpu.memory_space<hbm>> -> memref<1x20000xi32, #tpu.memory_space<hbm>>
      %dma_start3A_476 = tpu.memref_squeeze %dma_start3A_475 : memref<1x20000xi32, #tpu.memory_space<hbm>> -> memref<20000xi32, #tpu.memory_space<hbm>>
      %dma_start3A_477 = tpu.memref_slice %arg3[%run_scoped3A, %mul3A_22] : memref<2x320000xi32, #tpu.memory_space<hbm>> -> memref<1x20000xi32, #tpu.memory_space<hbm>>
      %dma_start3A_478 = tpu.memref_squeeze %dma_start3A_477 : memref<1x20000xi32, #tpu.memory_space<hbm>> -> memref<20000xi32, #tpu.memory_space<hbm>>
      tpu.enqueue_dma source(%dma_start3A_478 : memref<20000xi32, #tpu.memory_space<hbm>>) target(%arg9 : memref<20000xi32, #tpu.memory_space<vmem>>) target_semaphore(%run_scoped3A_474 : memref<!tpu.dma_semaphore, #tpu.memory_space<semaphore_mem>>)
      %dma_wait3A_479 = tpu.memref_slice %arg3[%run_scoped3A, %mul3A_22] : memref<2x320000xi32, #tpu.memory_space<hbm>> -> memref<1x20000xi32, #tpu.memory_space<hbm>>
      %dma_wait3A_480 = tpu.memref_squeeze %dma_wait3A_479 : memref<1x20000xi32, #tpu.memory_space<hbm>> -> memref<20000xi32, #tpu.memory_space<hbm>>
      %dma_wait3A_481 = tpu.memref_slice %arg3[%run_scoped3A, %mul3A_22] : memref<2x320000xi32, #tpu.memory_space<hbm>> -> memref<1x20000xi32, #tpu.memory_space<hbm>>
      %dma_wait3A_482 = tpu.memref_squeeze %dma_wait3A_481 : memref<1x20000xi32, #tpu.memory_space<hbm>> -> memref<20000xi32, #tpu.memory_space<hbm>>
      tpu.wait_dma2 semaphore(%run_scoped3A_474 : memref<!tpu.dma_semaphore, #tpu.memory_space<semaphore_mem>>) src(%dma_wait3A_482 : memref<20000xi32, #tpu.memory_space<hbm>>) dst(%arg9 : memref<20000xi32, #tpu.memory_space<vmem>>)
      tpu.yield
    }) : () -> ()
    %run_scoped3A_23 = arith.constant 1 : i32
    "tpu.region"() ({
      %run_scoped3A_474 = tpu.sem_alloc : memref<!tpu.dma_semaphore, #tpu.memory_space<semaphore_mem>>
      %dma_start3A_475 = tpu.memref_slice %arg3[%run_scoped3A_23, %mul3A_22] : memref<2x320000xi32, #tpu.memory_space<hbm>> -> memref<1x20000xi32, #tpu.memory_space<hbm>>
      %dma_start3A_476 = tpu.memref_squeeze %dma_start3A_475 : memref<1x20000xi32, #tpu.memory_space<hbm>> -> memref<20000xi32, #tpu.memory_space<hbm>>
      %dma_start3A_477 = tpu.memref_slice %arg3[%run_scoped3A_23, %mul3A_22] : memref<2x320000xi32, #tpu.memory_space<hbm>> -> memref<1x20000xi32, #tpu.memory_space<hbm>>
      %dma_start3A_478 = tpu.memref_squeeze %dma_start3A_477 : memref<1x20000xi32, #tpu.memory_space<hbm>> -> memref<20000xi32, #tpu.memory_space<hbm>>
      tpu.enqueue_dma source(%dma_start3A_478 : memref<20000xi32, #tpu.memory_space<hbm>>) target(%arg10 : memref<20000xi32, #tpu.memory_space<vmem>>) target_semaphore(%run_scoped3A_474 : memref<!tpu.dma_semaphore, #tpu.memory_space<semaphore_mem>>)
      %dma_wait3A_479 = tpu.memref_slice %arg3[%run_scoped3A_23, %mul3A_22] : memref<2x320000xi32, #tpu.memory_space<hbm>> -> memref<1x20000xi32, #tpu.memory_space<hbm>>
      %dma_wait3A_480 = tpu.memref_squeeze %dma_wait3A_479 : memref<1x20000xi32, #tpu.memory_space<hbm>> -> memref<20000xi32, #tpu.memory_space<hbm>>
      %dma_wait3A_481 = tpu.memref_slice %arg3[%run_scoped3A_23, %mul3A_22] : memref<2x320000xi32, #tpu.memory_space<hbm>> -> memref<1x20000xi32, #tpu.memory_space<hbm>>
      %dma_wait3A_482 = tpu.memref_squeeze %dma_wait3A_481 : memref<1x20000xi32, #tpu.memory_space<hbm>> -> memref<20000xi32, #tpu.memory_space<hbm>>
      tpu.wait_dma2 semaphore(%run_scoped3A_474 : memref<!tpu.dma_semaphore, #tpu.memory_space<semaphore_mem>>) src(%dma_wait3A_482 : memref<20000xi32, #tpu.memory_space<hbm>>) dst(%arg10 : memref<20000xi32, #tpu.memory_space<vmem>>)
      tpu.yield
    }) : () -> ()
    %scan3A_24 = arith.constant 0 : i32
    %scan3A_25 = arith.constant 1250 : i32
    %scan3A_26 = arith.addi %scan3A_24, %scan3A_25 : i32
    %scan3A_27 = arith.constant 1 : i32
    scf.for %scan3A_474 = %scan3A_24 to %scan3A_26 step %scan3A_27  : i32 {
      %mul3A_475 = arith.constant 1 : i32
      %mul3A_476 = arith.muli %scan3A_474, %mul3A_475 : i32
      %add3A_477 = arith.constant 0 : i32
      %add3A_478 = arith.addi %add3A_477, %mul3A_476 : i32
      %mul3A_479 = arith.constant 16 : i32
      %mul3A_480 = arith.muli %add3A_478, %mul3A_479 : i32
      %get3A = arith.index_cast %mul3A_480 : i32 to index
      %get3A_481 = tpu.vector_load %arg9[%get3A] {strides = array<i32>} : memref<20000xi32, #tpu.memory_space<vmem>>, vector<16xi32>,
      %get3A_482 = vector.shape_cast %get3A_481 : vector<16xi32> to vector<16xi32>
      %mul3A_483 = arith.constant 2 : i32
      %mul3A_484 = vector.broadcast %mul3A_483 : i32 to vector<16xi32>
      %mul3A_485 = arith.muli %get3A_482, %mul3A_484 : vector<16xi32>
      %add3A_486 = vector.broadcast %arg0 : i32 to vector<16xi32>
      %add3A_487 = arith.addi %mul3A_485, %add3A_486 : vector<16xi32>
      %mul3A_488 = arith.constant 16 : i32
      %mul3A_489 = arith.muli %add3A_478, %mul3A_488 : i32
      %swap3A = arith.index_cast %mul3A_489 : i32 to index
      %swap3A_490 = tpu.vector_load %arg9[%swap3A] {strides = array<i32>} : memref<20000xi32, #tpu.memory_space<vmem>>, vector<16xi32>,
      %swap3A_491 = vector.shape_cast %swap3A_490 : vector<16xi32> to vector<16xi32>
      %swap3A_492 = vector.shape_cast %add3A_487 : vector<16xi32> to vector<16xi32>
      tpu.vector_store %arg9[%swap3A], %swap3A_492 {strides = array<i32>} : memref<20000xi32, #tpu.memory_space<vmem>>, vector<16xi32>,
    }
    %scan3A_28 = arith.constant 1250 : i32
    %barrier3A = arith.constant 0 : index
    tpu.barrier barrier_id(%barrier3A)
    %multiple_of3A = arith.constant 0 : i32
    %multiple_of3A_29 = tpu.assume_multiple %multiple_of3A, 80 : i32
    %dma_start3A = tpu.memref_slice %arg9[%multiple_of3A_29] : memref<20000xi32, #tpu.memory_space<vmem>> -> memref<80xi32, #tpu.memory_space<vmem>>
    %dma_start3A_30 = arith.constant 0 : i32
    %dma_start3A_31 = arith.constant 0 : i32
    %dma_start3A_32 = tpu.memref_slice %arg2[%dma_start3A_30, %dma_start3A_31] : memref<20000x64xf32, #tpu.memory_space<hbm>> -> memref<20000x64xf32, #tpu.memory_space<hbm>>
    tpu.enqueue_indirect_dma source(%dma_start3A_32 : memref<20000x64xf32, #tpu.memory_space<hbm>>) target(%arg11 : memref<80x64xf32, #tpu.memory_space<vmem>>) offsets(%dma_start3A : memref<80xi32, #tpu.memory_space<vmem>>) semaphore(%arg18 : memref<!tpu.dma_semaphore, #tpu.memory_space<semaphore_mem>>)
    %multiple_of3A_33 = arith.constant 80 : i32
    %multiple_of3A_34 = tpu.assume_multiple %multiple_of3A_33, 80 : i32
    %dma_start3A_35 = tpu.memref_slice %arg9[%multiple_of3A_34] : memref<20000xi32, #tpu.memory_space<vmem>> -> memref<80xi32, #tpu.memory_space<vmem>>
    %dma_start3A_36 = arith.constant 0 : i32
    %dma_start3A_37 = arith.constant 0 : i32
    %dma_start3A_38 = tpu.memref_slice %arg2[%dma_start3A_36, %dma_start3A_37] : memref<20000x64xf32, #tpu.memory_space<hbm>> -> memref<20000x64xf32, #tpu.memory_space<hbm>>
    tpu.enqueue_indirect_dma source(%dma_start3A_38 : memref<20000x64xf32, #tpu.memory_space<hbm>>) target(%arg12 : memref<80x64xf32, #tpu.memory_space<vmem>>) offsets(%dma_start3A_35 : memref<80xi32, #tpu.memory_space<vmem>>) semaphore(%arg19 : memref<!tpu.dma_semaphore, #tpu.memory_space<semaphore_mem>>)
    %multiple_of3A_39 = arith.constant 160 : i32
    %multiple_of3A_40 = tpu.assume_multiple %multiple_of3A_39, 80 : i32
    %dma_start3A_41 = tpu.memref_slice %arg9[%multiple_of3A_40] : memref<20000xi32, #tpu.memory_space<vmem>> -> memref<80xi32, #tpu.memory_space<vmem>>
    %dma_start3A_42 = arith.constant 0 : i32
    %dma_start3A_43 = arith.constant 0 : i32
    %dma_start3A_44 = tpu.memref_slice %arg2[%dma_start3A_42, %dma_start3A_43] : memref<20000x64xf32, #tpu.memory_space<hbm>> -> memref<20000x64xf32, #tpu.memory_space<hbm>>
    tpu.enqueue_indirect_dma source(%dma_start3A_44 : memref<20000x64xf32, #tpu.memory_space<hbm>>) target(%arg13 : memref<80x64xf32, #tpu.memory_space<vmem>>) offsets(%dma_start3A_41 : memref<80xi32, #tpu.memory_space<vmem>>) semaphore(%arg20 : memref<!tpu.dma_semaphore, #tpu.memory_space<semaphore_mem>>)
    %multiple_of3A_45 = arith.constant 240 : i32
    %multiple_of3A_46 = tpu.assume_multiple %multiple_of3A_45, 80 : i32
    %dma_start3A_47 = tpu.memref_slice %arg9[%multiple_of3A_46] : memref<20000xi32, #tpu.memory_space<vmem>> -> memref<80xi32, #tpu.memory_space<vmem>>
    %dma_start3A_48 = arith.constant 0 : i32
    %dma_start3A_49 = arith.constant 0 : i32
    %dma_start3A_50 = tpu.memref_slice %arg2[%dma_start3A_48, %dma_start3A_49] : memref<20000x64xf32, #tpu.memory_space<hbm>> -> memref<20000x64xf32, #tpu.memory_space<hbm>>
    tpu.enqueue_indirect_dma source(%dma_start3A_50 : memref<20000x64xf32, #tpu.memory_space<hbm>>) target(%arg14 : memref<80x64xf32, #tpu.memory_space<vmem>>) offsets(%dma_start3A_47 : memref<80xi32, #tpu.memory_space<vmem>>) semaphore(%arg21 : memref<!tpu.dma_semaphore, #tpu.memory_space<semaphore_mem>>)
    %multiple_of3A_51 = arith.constant 0 : i32
    %multiple_of3A_52 = tpu.assume_multiple %multiple_of3A_51, 80 : i32
    %dma_wait3A = tpu.memref_slice %arg9[%multiple_of3A_52] : memref<20000xi32, #tpu.memory_space<vmem>> -> memref<80xi32, #tpu.memory_space<vmem>>
    %dma_wait3A_53 = arith.constant 0 : i32
    %dma_wait3A_54 = arith.constant 0 : i32
    %dma_wait3A_55 = tpu.memref_slice %arg2[%dma_wait3A_53, %dma_wait3A_54] : memref<20000x64xf32, #tpu.memory_space<hbm>> -> memref<20000x64xf32, #tpu.memory_space<hbm>>
    tpu.wait_indirect_dma semaphore(%arg18 : memref<!tpu.dma_semaphore, #tpu.memory_space<semaphore_mem>>) src(%dma_wait3A_55 : memref<20000x64xf32, #tpu.memory_space<hbm>>) dst(%arg11 : memref<80x64xf32, #tpu.memory_space<vmem>>)
    %multiple_of3A_56 = arith.constant 0 : i32
    %multiple_of3A_57 = tpu.assume_multiple %multiple_of3A_56, 80 : i32
    %dma_start3A_58 = tpu.memref_slice %arg10[%multiple_of3A_57] : memref<20000xi32, #tpu.memory_space<vmem>> -> memref<80xi32, #tpu.memory_space<vmem>>
    %dma_start3A_59 = arith.constant 0 : i32
    %dma_start3A_60 = arith.constant 0 : i32
    %dma_start3A_61 = tpu.memref_slice %arg7[%dma_start3A_59, %dma_start3A_60] : memref<10000x64xf32, #tpu.memory_space<vmem_shared>> -> memref<10000x64xf32, #tpu.memory_space<vmem_shared>>
    tpu.enqueue_indirect_dma source(%arg11 : memref<80x64xf32, #tpu.memory_space<vmem>>) target(%dma_start3A_61 : memref<10000x64xf32, #tpu.memory_space<vmem_shared>>) offsets(%dma_start3A_58 : memref<80xi32, #tpu.memory_space<vmem>>) semaphore(%arg24 : memref<!tpu.dma_semaphore, #tpu.memory_space<semaphore_mem>>) {add = true}
    %multiple_of3A_62 = arith.constant 0 : i32
    %multiple_of3A_63 = tpu.assume_multiple %multiple_of3A_62, 80 : i32
    %dma_start3A_64 = tpu.memref_slice %arg10[%multiple_of3A_63] : memref<20000xi32, #tpu.memory_space<vmem>> -> memref<80xi32, #tpu.memory_space<vmem>>
    %dma_start3A_65 = arith.constant 0 : i32
    %dma_start3A_66 = arith.constant 0 : i32
    %dma_start3A_67 = tpu.memref_slice %arg8[%dma_start3A_65, %dma_start3A_66] : memref<10000x16xf32, #tpu.memory_space<vmem_shared>> -> memref<10000x16xf32, #tpu.memory_space<vmem_shared>>
    tpu.enqueue_indirect_dma source(%arg17 : memref<80x16xf32, #tpu.memory_space<vmem>>) target(%dma_start3A_67 : memref<10000x16xf32, #tpu.memory_space<vmem_shared>>) offsets(%dma_start3A_64 : memref<80xi32, #tpu.memory_space<vmem>>) semaphore(%arg24 : memref<!tpu.dma_semaphore, #tpu.memory_space<semaphore_mem>>) {add = true}
    %multiple_of3A_68 = arith.constant 320 : i32
    %multiple_of3A_69 = tpu.assume_multiple %multiple_of3A_68, 80 : i32
    %dma_start3A_70 = tpu.memref_slice %arg9[%multiple_of3A_69] : memref<20000xi32, #tpu.memory_space<vmem>> -> memref<80xi32, #tpu.memory_space<vmem>>
    %dma_start3A_71 = arith.constant 0 : i32
    %dma_start3A_72 = arith.constant 0 : i32
    %dma_start3A_73 = tpu.memref_slice %arg2[%dma_start3A_71, %dma_start3A_72] : memref<20000x64xf32, #tpu.memory_space<hbm>> -> memref<20000x64xf32, #tpu.memory_space<hbm>>
    tpu.enqueue_indirect_dma source(%dma_start3A_73 : memref<20000x64xf32, #tpu.memory_space<hbm>>) target(%arg15 : memref<80x64xf32, #tpu.memory_space<vmem>>) offsets(%dma_start3A_70 : memref<80xi32, #tpu.memory_space<vmem>>) semaphore(%arg22 : memref<!tpu.dma_semaphore, #tpu.memory_space<semaphore_mem>>)
    %multiple_of3A_74 = arith.constant 80 : i32
    %multiple_of3A_75 = tpu.assume_multiple %multiple_of3A_74, 80 : i32
    %dma_wait3A_76 = tpu.memref_slice %arg9[%multiple_of3A_75] : memref<20000xi32, #tpu.memory_space<vmem>> -> memref<80xi32, #tpu.memory_space<vmem>>
    %dma_wait3A_77 = arith.constant 0 : i32
    %dma_wait3A_78 = arith.constant 0 : i32
    %dma_wait3A_79 = tpu.memref_slice %arg2[%dma_wait3A_77, %dma_wait3A_78] : memref<20000x64xf32, #tpu.memory_space<hbm>> -> memref<20000x64xf32, #tpu.memory_space<hbm>>
    tpu.wait_indirect_dma semaphore(%arg19 : memref<!tpu.dma_semaphore, #tpu.memory_space<semaphore_mem>>) src(%dma_wait3A_79 : memref<20000x64xf32, #tpu.memory_space<hbm>>) dst(%arg12 : memref<80x64xf32, #tpu.memory_space<vmem>>)
    %multiple_of3A_80 = arith.constant 80 : i32
    %multiple_of3A_81 = tpu.assume_multiple %multiple_of3A_80, 80 : i32
    %dma_start3A_82 = tpu.memref_slice %arg10[%multiple_of3A_81] : memref<20000xi32, #tpu.memory_space<vmem>> -> memref<80xi32, #tpu.memory_space<vmem>>
    %dma_start3A_83 = arith.constant 0 : i32
    %dma_start3A_84 = arith.constant 0 : i32
    %dma_start3A_85 = tpu.memref_slice %arg7[%dma_start3A_83, %dma_start3A_84] : memref<10000x64xf32, #tpu.memory_space<vmem_shared>> -> memref<10000x64xf32, #tpu.memory_space<vmem_shared>>
    tpu.enqueue_indirect_dma source(%arg12 : memref<80x64xf32, #tpu.memory_space<vmem>>) target(%dma_start3A_85 : memref<10000x64xf32, #tpu.memory_space<vmem_shared>>) offsets(%dma_start3A_82 : memref<80xi32, #tpu.memory_space<vmem>>) semaphore(%arg25 : memref<!tpu.dma_semaphore, #tpu.memory_space<semaphore_mem>>) {add = true}
    %multiple_of3A_86 = arith.constant 80 : i32
    %multiple_of3A_87 = tpu.assume_multiple %multiple_of3A_86, 80 : i32
    %dma_start3A_88 = tpu.memref_slice %arg10[%multiple_of3A_87] : memref<20000xi32, #tpu.memory_space<vmem>> -> memref<80xi32, #tpu.memory_space<vmem>>
    %dma_start3A_89 = arith.constant 0 : i32
    %dma_start3A_90 = arith.constant 0 : i32
    %dma_start3A_91 = tpu.memref_slice %arg8[%dma_start3A_89, %dma_start3A_90] : memref<10000x16xf32, #tpu.memory_space<vmem_shared>> -> memref<10000x16xf32, #tpu.memory_space<vmem_shared>>
    tpu.enqueue_indirect_dma source(%arg17 : memref<80x16xf32, #tpu.memory_space<vmem>>) target(%dma_start3A_91 : memref<10000x16xf32, #tpu.memory_space<vmem_shared>>) offsets(%dma_start3A_88 : memref<80xi32, #tpu.memory_space<vmem>>) semaphore(%arg25 : memref<!tpu.dma_semaphore, #tpu.memory_space<semaphore_mem>>) {add = true}
    %multiple_of3A_92 = arith.constant 400 : i32
    %multiple_of3A_93 = tpu.assume_multiple %multiple_of3A_92, 80 : i32
    %dma_start3A_94 = tpu.memref_slice %arg9[%multiple_of3A_93] : memref<20000xi32, #tpu.memory_space<vmem>> -> memref<80xi32, #tpu.memory_space<vmem>>
    %dma_start3A_95 = arith.constant 0 : i32
    %dma_start3A_96 = arith.constant 0 : i32
    %dma_start3A_97 = tpu.memref_slice %arg2[%dma_start3A_95, %dma_start3A_96] : memref<20000x64xf32, #tpu.memory_space<hbm>> -> memref<20000x64xf32, #tpu.memory_space<hbm>>
    tpu.enqueue_indirect_dma source(%dma_start3A_97 : memref<20000x64xf32, #tpu.memory_space<hbm>>) target(%arg16 : memref<80x64xf32, #tpu.memory_space<vmem>>) offsets(%dma_start3A_94 : memref<80xi32, #tpu.memory_space<vmem>>) semaphore(%arg23 : memref<!tpu.dma_semaphore, #tpu.memory_space<semaphore_mem>>)
    %multiple_of3A_98 = arith.constant 160 : i32
    %multiple_of3A_99 = tpu.assume_multiple %multiple_of3A_98, 80 : i32
    %dma_wait3A_100 = tpu.memref_slice %arg9[%multiple_of3A_99] : memref<20000xi32, #tpu.memory_space<vmem>> -> memref<80xi32, #tpu.memory_space<vmem>>
    %dma_wait3A_101 = arith.constant 0 : i32
    %dma_wait3A_102 = arith.constant 0 : i32
    %dma_wait3A_103 = tpu.memref_slice %arg2[%dma_wait3A_101, %dma_wait3A_102] : memref<20000x64xf32, #tpu.memory_space<hbm>> -> memref<20000x64xf32, #tpu.memory_space<hbm>>
    tpu.wait_indirect_dma semaphore(%arg20 : memref<!tpu.dma_semaphore, #tpu.memory_space<semaphore_mem>>) src(%dma_wait3A_103 : memref<20000x64xf32, #tpu.memory_space<hbm>>) dst(%arg13 : memref<80x64xf32, #tpu.memory_space<vmem>>)
    %multiple_of3A_104 = arith.constant 160 : i32
    %multiple_of3A_105 = tpu.assume_multiple %multiple_of3A_104, 80 : i32
    %dma_start3A_106 = tpu.memref_slice %arg10[%multiple_of3A_105] : memref<20000xi32, #tpu.memory_space<vmem>> -> memref<80xi32, #tpu.memory_space<vmem>>
    %dma_start3A_107 = arith.constant 0 : i32
    %dma_start3A_108 = arith.constant 0 : i32
    %dma_start3A_109 = tpu.memref_slice %arg7[%dma_start3A_107, %dma_start3A_108] : memref<10000x64xf32, #tpu.memory_space<vmem_shared>> -> memref<10000x64xf32, #tpu.memory_space<vmem_shared>>
    tpu.enqueue_indirect_dma source(%arg13 : memref<80x64xf32, #tpu.memory_space<vmem>>) target(%dma_start3A_109 : memref<10000x64xf32, #tpu.memory_space<vmem_shared>>) offsets(%dma_start3A_106 : memref<80xi32, #tpu.memory_space<vmem>>) semaphore(%arg26 : memref<!tpu.dma_semaphore, #tpu.memory_space<semaphore_mem>>) {add = true}
    %multiple_of3A_110 = arith.constant 160 : i32
    %multiple_of3A_111 = tpu.assume_multiple %multiple_of3A_110, 80 : i32
    %dma_start3A_112 = tpu.memref_slice %arg10[%multiple_of3A_111] : memref<20000xi32, #tpu.memory_space<vmem>> -> memref<80xi32, #tpu.memory_space<vmem>>
    %dma_start3A_113 = arith.constant 0 : i32
    %dma_start3A_114 = arith.constant 0 : i32
    %dma_start3A_115 = tpu.memref_slice %arg8[%dma_start3A_113, %dma_start3A_114] : memref<10000x16xf32, #tpu.memory_space<vmem_shared>> -> memref<10000x16xf32, #tpu.memory_space<vmem_shared>>
    tpu.enqueue_indirect_dma source(%arg17 : memref<80x16xf32, #tpu.memory_space<vmem>>) target(%dma_start3A_115 : memref<10000x16xf32, #tpu.memory_space<vmem_shared>>) offsets(%dma_start3A_112 : memref<80xi32, #tpu.memory_space<vmem>>) semaphore(%arg26 : memref<!tpu.dma_semaphore, #tpu.memory_space<semaphore_mem>>) {add = true}
    %multiple_of3A_116 = arith.constant 0 : i32
    %multiple_of3A_117 = tpu.assume_multiple %multiple_of3A_116, 80 : i32
    %dma_wait3A_118 = tpu.memref_slice %arg10[%multiple_of3A_117] : memref<20000xi32, #tpu.memory_space<vmem>> -> memref<80xi32, #tpu.memory_space<vmem>>
    %dma_wait3A_119 = arith.constant 0 : i32
    %dma_wait3A_120 = arith.constant 0 : i32
    %dma_wait3A_121 = tpu.memref_slice %arg7[%dma_wait3A_119, %dma_wait3A_120] : memref<10000x64xf32, #tpu.memory_space<vmem_shared>> -> memref<10000x64xf32, #tpu.memory_space<vmem_shared>>
    tpu.wait_indirect_dma semaphore(%arg24 : memref<!tpu.dma_semaphore, #tpu.memory_space<semaphore_mem>>) src(%arg11 : memref<80x64xf32, #tpu.memory_space<vmem>>) dst(%dma_wait3A_121 : memref<10000x64xf32, #tpu.memory_space<vmem_shared>>)
    %multiple_of3A_122 = arith.constant 0 : i32
    %multiple_of3A_123 = tpu.assume_multiple %multiple_of3A_122, 80 : i32
    %dma_wait3A_124 = tpu.memref_slice %arg10[%multiple_of3A_123] : memref<20000xi32, #tpu.memory_space<vmem>> -> memref<80xi32, #tpu.memory_space<vmem>>
    %dma_wait3A_125 = arith.constant 0 : i32
    %dma_wait3A_126 = arith.constant 0 : i32
    %dma_wait3A_127 = tpu.memref_slice %arg8[%dma_wait3A_125, %dma_wait3A_126] : memref<10000x16xf32, #tpu.memory_space<vmem_shared>> -> memref<10000x16xf32, #tpu.memory_space<vmem_shared>>
    tpu.wait_indirect_dma semaphore(%arg24 : memref<!tpu.dma_semaphore, #tpu.memory_space<semaphore_mem>>) src(%arg17 : memref<80x16xf32, #tpu.memory_space<vmem>>) dst(%dma_wait3A_127 : memref<10000x16xf32, #tpu.memory_space<vmem_shared>>)
    %multiple_of3A_128 = arith.constant 480 : i32
    %multiple_of3A_129 = tpu.assume_multiple %multiple_of3A_128, 80 : i32
    %dma_start3A_130 = tpu.memref_slice %arg9[%multiple_of3A_129] : memref<20000xi32, #tpu.memory_space<vmem>> -> memref<80xi32, #tpu.memory_space<vmem>>
    %dma_start3A_131 = arith.constant 0 : i32
    %dma_start3A_132 = arith.constant 0 : i32
    %dma_start3A_133 = tpu.memref_slice %arg2[%dma_start3A_131, %dma_start3A_132] : memref<20000x64xf32, #tpu.memory_space<hbm>> -> memref<20000x64xf32, #tpu.memory_space<hbm>>
    tpu.enqueue_indirect_dma source(%dma_start3A_133 : memref<20000x64xf32, #tpu.memory_space<hbm>>) target(%arg11 : memref<80x64xf32, #tpu.memory_space<vmem>>) offsets(%dma_start3A_130 : memref<80xi32, #tpu.memory_space<vmem>>) semaphore(%arg18 : memref<!tpu.dma_semaphore, #tpu.memory_space<semaphore_mem>>)
    %multiple_of3A_134 = arith.constant 240 : i32
    %multiple_of3A_135 = tpu.assume_multiple %multiple_of3A_134, 80 : i32
    %dma_wait3A_136 = tpu.memref_slice %arg9[%multiple_of3A_135] : memref<20000xi32, #tpu.memory_space<vmem>> -> memref<80xi32, #tpu.memory_space<vmem>>
    %dma_wait3A_137 = arith.constant 0 : i32
    %dma_wait3A_138 = arith.constant 0 : i32
    %dma_wait3A_139 = tpu.memref_slice %arg2[%dma_wait3A_137, %dma_wait3A_138] : memref<20000x64xf32, #tpu.memory_space<hbm>> -> memref<20000x64xf32, #tpu.memory_space<hbm>>
    tpu.wait_indirect_dma semaphore(%arg21 : memref<!tpu.dma_semaphore, #tpu.memory_space<semaphore_mem>>) src(%dma_wait3A_139 : memref<20000x64xf32, #tpu.memory_space<hbm>>) dst(%arg14 : memref<80x64xf32, #tpu.memory_space<vmem>>)
    %multiple_of3A_140 = arith.constant 240 : i32
    %multiple_of3A_141 = tpu.assume_multiple %multiple_of3A_140, 80 : i32
    %dma_start3A_142 = tpu.memref_slice %arg10[%multiple_of3A_141] : memref<20000xi32, #tpu.memory_space<vmem>> -> memref<80xi32, #tpu.memory_space<vmem>>
    %dma_start3A_143 = arith.constant 0 : i32
    %dma_start3A_144 = arith.constant 0 : i32
    %dma_start3A_145 = tpu.memref_slice %arg7[%dma_start3A_143, %dma_start3A_144] : memref<10000x64xf32, #tpu.memory_space<vmem_shared>> -> memref<10000x64xf32, #tpu.memory_space<vmem_shared>>
    tpu.enqueue_indirect_dma source(%arg14 : memref<80x64xf32, #tpu.memory_space<vmem>>) target(%dma_start3A_145 : memref<10000x64xf32, #tpu.memory_space<vmem_shared>>) offsets(%dma_start3A_142 : memref<80xi32, #tpu.memory_space<vmem>>) semaphore(%arg27 : memref<!tpu.dma_semaphore, #tpu.memory_space<semaphore_mem>>) {add = true}
    %multiple_of3A_146 = arith.constant 240 : i32
    %multiple_of3A_147 = tpu.assume_multiple %multiple_of3A_146, 80 : i32
    %dma_start3A_148 = tpu.memref_slice %arg10[%multiple_of3A_147] : memref<20000xi32, #tpu.memory_space<vmem>> -> memref<80xi32, #tpu.memory_space<vmem>>
    %dma_start3A_149 = arith.constant 0 : i32
    %dma_start3A_150 = arith.constant 0 : i32
    %dma_start3A_151 = tpu.memref_slice %arg8[%dma_start3A_149, %dma_start3A_150] : memref<10000x16xf32, #tpu.memory_space<vmem_shared>> -> memref<10000x16xf32, #tpu.memory_space<vmem_shared>>
    tpu.enqueue_indirect_dma source(%arg17 : memref<80x16xf32, #tpu.memory_space<vmem>>) target(%dma_start3A_151 : memref<10000x16xf32, #tpu.memory_space<vmem_shared>>) offsets(%dma_start3A_148 : memref<80xi32, #tpu.memory_space<vmem>>) semaphore(%arg27 : memref<!tpu.dma_semaphore, #tpu.memory_space<semaphore_mem>>) {add = true}
    %multiple_of3A_152 = arith.constant 80 : i32
    %multiple_of3A_153 = tpu.assume_multiple %multiple_of3A_152, 80 : i32
    %dma_wait3A_154 = tpu.memref_slice %arg10[%multiple_of3A_153] : memref<20000xi32, #tpu.memory_space<vmem>> -> memref<80xi32, #tpu.memory_space<vmem>>
    %dma_wait3A_155 = arith.constant 0 : i32
    %dma_wait3A_156 = arith.constant 0 : i32
    %dma_wait3A_157 = tpu.memref_slice %arg7[%dma_wait3A_155, %dma_wait3A_156] : memref<10000x64xf32, #tpu.memory_space<vmem_shared>> -> memref<10000x64xf32, #tpu.memory_space<vmem_shared>>
    tpu.wait_indirect_dma semaphore(%arg25 : memref<!tpu.dma_semaphore, #tpu.memory_space<semaphore_mem>>) src(%arg12 : memref<80x64xf32, #tpu.memory_space<vmem>>) dst(%dma_wait3A_157 : memref<10000x64xf32, #tpu.memory_space<vmem_shared>>)
    %multiple_of3A_158 = arith.constant 80 : i32
    %multiple_of3A_159 = tpu.assume_multiple %multiple_of3A_158, 80 : i32
    %dma_wait3A_160 = tpu.memref_slice %arg10[%multiple_of3A_159] : memref<20000xi32, #tpu.memory_space<vmem>> -> memref<80xi32, #tpu.memory_space<vmem>>
    %dma_wait3A_161 = arith.constant 0 : i32
    %dma_wait3A_162 = arith.constant 0 : i32
    %dma_wait3A_163 = tpu.memref_slice %arg8[%dma_wait3A_161, %dma_wait3A_162] : memref<10000x16xf32, #tpu.memory_space<vmem_shared>> -> memref<10000x16xf32, #tpu.memory_space<vmem_shared>>
    tpu.wait_indirect_dma semaphore(%arg25 : memref<!tpu.dma_semaphore, #tpu.memory_space<semaphore_mem>>) src(%arg17 : memref<80x16xf32, #tpu.memory_space<vmem>>) dst(%dma_wait3A_163 : memref<10000x16xf32, #tpu.memory_space<vmem_shared>>)
    %multiple_of3A_164 = arith.constant 560 : i32
    %multiple_of3A_165 = tpu.assume_multiple %multiple_of3A_164, 80 : i32
    %dma_start3A_166 = tpu.memref_slice %arg9[%multiple_of3A_165] : memref<20000xi32, #tpu.memory_space<vmem>> -> memref<80xi32, #tpu.memory_space<vmem>>
    %dma_start3A_167 = arith.constant 0 : i32
    %dma_start3A_168 = arith.constant 0 : i32
    %dma_start3A_169 = tpu.memref_slice %arg2[%dma_start3A_167, %dma_start3A_168] : memref<20000x64xf32, #tpu.memory_space<hbm>> -> memref<20000x64xf32, #tpu.memory_space<hbm>>
    tpu.enqueue_indirect_dma source(%dma_start3A_169 : memref<20000x64xf32, #tpu.memory_space<hbm>>) target(%arg12 : memref<80x64xf32, #tpu.memory_space<vmem>>) offsets(%dma_start3A_166 : memref<80xi32, #tpu.memory_space<vmem>>) semaphore(%arg19 : memref<!tpu.dma_semaphore, #tpu.memory_space<semaphore_mem>>)
    %multiple_of3A_170 = arith.constant 320 : i32
    %multiple_of3A_171 = tpu.assume_multiple %multiple_of3A_170, 80 : i32
    %dma_wait3A_172 = tpu.memref_slice %arg9[%multiple_of3A_171] : memref<20000xi32, #tpu.memory_space<vmem>> -> memref<80xi32, #tpu.memory_space<vmem>>
    %dma_wait3A_173 = arith.constant 0 : i32
    %dma_wait3A_174 = arith.constant 0 : i32
    %dma_wait3A_175 = tpu.memref_slice %arg2[%dma_wait3A_173, %dma_wait3A_174] : memref<20000x64xf32, #tpu.memory_space<hbm>> -> memref<20000x64xf32, #tpu.memory_space<hbm>>
    tpu.wait_indirect_dma semaphore(%arg22 : memref<!tpu.dma_semaphore, #tpu.memory_space<semaphore_mem>>) src(%dma_wait3A_175 : memref<20000x64xf32, #tpu.memory_space<hbm>>) dst(%arg15 : memref<80x64xf32, #tpu.memory_space<vmem>>)
    %multiple_of3A_176 = arith.constant 320 : i32
    %multiple_of3A_177 = tpu.assume_multiple %multiple_of3A_176, 80 : i32
    %dma_start3A_178 = tpu.memref_slice %arg10[%multiple_of3A_177] : memref<20000xi32, #tpu.memory_space<vmem>> -> memref<80xi32, #tpu.memory_space<vmem>>
    %dma_start3A_179 = arith.constant 0 : i32
    %dma_start3A_180 = arith.constant 0 : i32
    %dma_start3A_181 = tpu.memref_slice %arg7[%dma_start3A_179, %dma_start3A_180] : memref<10000x64xf32, #tpu.memory_space<vmem_shared>> -> memref<10000x64xf32, #tpu.memory_space<vmem_shared>>
    tpu.enqueue_indirect_dma source(%arg15 : memref<80x64xf32, #tpu.memory_space<vmem>>) target(%dma_start3A_181 : memref<10000x64xf32, #tpu.memory_space<vmem_shared>>) offsets(%dma_start3A_178 : memref<80xi32, #tpu.memory_space<vmem>>) semaphore(%arg28 : memref<!tpu.dma_semaphore, #tpu.memory_space<semaphore_mem>>) {add = true}
    %multiple_of3A_182 = arith.constant 320 : i32
    %multiple_of3A_183 = tpu.assume_multiple %multiple_of3A_182, 80 : i32
    %dma_start3A_184 = tpu.memref_slice %arg10[%multiple_of3A_183] : memref<20000xi32, #tpu.memory_space<vmem>> -> memref<80xi32, #tpu.memory_space<vmem>>
    %dma_start3A_185 = arith.constant 0 : i32
    %dma_start3A_186 = arith.constant 0 : i32
    %dma_start3A_187 = tpu.memref_slice %arg8[%dma_start3A_185, %dma_start3A_186] : memref<10000x16xf32, #tpu.memory_space<vmem_shared>> -> memref<10000x16xf32, #tpu.memory_space<vmem_shared>>
    tpu.enqueue_indirect_dma source(%arg17 : memref<80x16xf32, #tpu.memory_space<vmem>>) target(%dma_start3A_187 : memref<10000x16xf32, #tpu.memory_space<vmem_shared>>) offsets(%dma_start3A_184 : memref<80xi32, #tpu.memory_space<vmem>>) semaphore(%arg28 : memref<!tpu.dma_semaphore, #tpu.memory_space<semaphore_mem>>) {add = true}
    %multiple_of3A_188 = arith.constant 160 : i32
    %multiple_of3A_189 = tpu.assume_multiple %multiple_of3A_188, 80 : i32
    %dma_wait3A_190 = tpu.memref_slice %arg10[%multiple_of3A_189] : memref<20000xi32, #tpu.memory_space<vmem>> -> memref<80xi32, #tpu.memory_space<vmem>>
    %dma_wait3A_191 = arith.constant 0 : i32
    %dma_wait3A_192 = arith.constant 0 : i32
    %dma_wait3A_193 = tpu.memref_slice %arg7[%dma_wait3A_191, %dma_wait3A_192] : memref<10000x64xf32, #tpu.memory_space<vmem_shared>> -> memref<10000x64xf32, #tpu.memory_space<vmem_shared>>
    tpu.wait_indirect_dma semaphore(%arg26 : memref<!tpu.dma_semaphore, #tpu.memory_space<semaphore_mem>>) src(%arg13 : memref<80x64xf32, #tpu.memory_space<vmem>>) dst(%dma_wait3A_193 : memref<10000x64xf32, #tpu.memory_space<vmem_shared>>)
    %multiple_of3A_194 = arith.constant 160 : i32
    %multiple_of3A_195 = tpu.assume_multiple %multiple_of3A_194, 80 : i32
    %dma_wait3A_196 = tpu.memref_slice %arg10[%multiple_of3A_195] : memref<20000xi32, #tpu.memory_space<vmem>> -> memref<80xi32, #tpu.memory_space<vmem>>
    %dma_wait3A_197 = arith.constant 0 : i32
    %dma_wait3A_198 = arith.constant 0 : i32
    %dma_wait3A_199 = tpu.memref_slice %arg8[%dma_wait3A_197, %dma_wait3A_198] : memref<10000x16xf32, #tpu.memory_space<vmem_shared>> -> memref<10000x16xf32, #tpu.memory_space<vmem_shared>>
    tpu.wait_indirect_dma semaphore(%arg26 : memref<!tpu.dma_semaphore, #tpu.memory_space<semaphore_mem>>) src(%arg17 : memref<80x16xf32, #tpu.memory_space<vmem>>) dst(%dma_wait3A_199 : memref<10000x16xf32, #tpu.memory_space<vmem_shared>>)
    %multiple_of3A_200 = arith.constant 640 : i32
    %multiple_of3A_201 = tpu.assume_multiple %multiple_of3A_200, 80 : i32
    %dma_start3A_202 = tpu.memref_slice %arg9[%multiple_of3A_201] : memref<20000xi32, #tpu.memory_space<vmem>> -> memref<80xi32, #tpu.memory_space<vmem>>
    %dma_start3A_203 = arith.constant 0 : i32
    %dma_start3A_204 = arith.constant 0 : i32
    %dma_start3A_205 = tpu.memref_slice %arg2[%dma_start3A_203, %dma_start3A_204] : memref<20000x64xf32, #tpu.memory_space<hbm>> -> memref<20000x64xf32, #tpu.memory_space<hbm>>
    tpu.enqueue_indirect_dma source(%dma_start3A_205 : memref<20000x64xf32, #tpu.memory_space<hbm>>) target(%arg13 : memref<80x64xf32, #tpu.memory_space<vmem>>) offsets(%dma_start3A_202 : memref<80xi32, #tpu.memory_space<vmem>>) semaphore(%arg20 : memref<!tpu.dma_semaphore, #tpu.memory_space<semaphore_mem>>)
    %multiple_of3A_206 = arith.constant 400 : i32
    %multiple_of3A_207 = tpu.assume_multiple %multiple_of3A_206, 80 : i32
    %dma_wait3A_208 = tpu.memref_slice %arg9[%multiple_of3A_207] : memref<20000xi32, #tpu.memory_space<vmem>> -> memref<80xi32, #tpu.memory_space<vmem>>
    %dma_wait3A_209 = arith.constant 0 : i32
    %dma_wait3A_210 = arith.constant 0 : i32
    %dma_wait3A_211 = tpu.memref_slice %arg2[%dma_wait3A_209, %dma_wait3A_210] : memref<20000x64xf32, #tpu.memory_space<hbm>> -> memref<20000x64xf32, #tpu.memory_space<hbm>>
    tpu.wait_indirect_dma semaphore(%arg23 : memref<!tpu.dma_semaphore, #tpu.memory_space<semaphore_mem>>) src(%dma_wait3A_211 : memref<20000x64xf32, #tpu.memory_space<hbm>>) dst(%arg16 : memref<80x64xf32, #tpu.memory_space<vmem>>)
    %multiple_of3A_212 = arith.constant 400 : i32
    %multiple_of3A_213 = tpu.assume_multiple %multiple_of3A_212, 80 : i32
    %dma_start3A_214 = tpu.memref_slice %arg10[%multiple_of3A_213] : memref<20000xi32, #tpu.memory_space<vmem>> -> memref<80xi32, #tpu.memory_space<vmem>>
    %dma_start3A_215 = arith.constant 0 : i32
    %dma_start3A_216 = arith.constant 0 : i32
    %dma_start3A_217 = tpu.memref_slice %arg7[%dma_start3A_215, %dma_start3A_216] : memref<10000x64xf32, #tpu.memory_space<vmem_shared>> -> memref<10000x64xf32, #tpu.memory_space<vmem_shared>>
    tpu.enqueue_indirect_dma source(%arg16 : memref<80x64xf32, #tpu.memory_space<vmem>>) target(%dma_start3A_217 : memref<10000x64xf32, #tpu.memory_space<vmem_shared>>) offsets(%dma_start3A_214 : memref<80xi32, #tpu.memory_space<vmem>>) semaphore(%arg29 : memref<!tpu.dma_semaphore, #tpu.memory_space<semaphore_mem>>) {add = true}
    %multiple_of3A_218 = arith.constant 400 : i32
    %multiple_of3A_219 = tpu.assume_multiple %multiple_of3A_218, 80 : i32
    %dma_start3A_220 = tpu.memref_slice %arg10[%multiple_of3A_219] : memref<20000xi32, #tpu.memory_space<vmem>> -> memref<80xi32, #tpu.memory_space<vmem>>
    %dma_start3A_221 = arith.constant 0 : i32
    %dma_start3A_222 = arith.constant 0 : i32
    %dma_start3A_223 = tpu.memref_slice %arg8[%dma_start3A_221, %dma_start3A_222] : memref<10000x16xf32, #tpu.memory_space<vmem_shared>> -> memref<10000x16xf32, #tpu.memory_space<vmem_shared>>
    tpu.enqueue_indirect_dma source(%arg17 : memref<80x16xf32, #tpu.memory_space<vmem>>) target(%dma_start3A_223 : memref<10000x16xf32, #tpu.memory_space<vmem_shared>>) offsets(%dma_start3A_220 : memref<80xi32, #tpu.memory_space<vmem>>) semaphore(%arg29 : memref<!tpu.dma_semaphore, #tpu.memory_space<semaphore_mem>>) {add = true}
    %multiple_of3A_224 = arith.constant 240 : i32
    %multiple_of3A_225 = tpu.assume_multiple %multiple_of3A_224, 80 : i32
    %dma_wait3A_226 = tpu.memref_slice %arg10[%multiple_of3A_225] : memref<20000xi32, #tpu.memory_space<vmem>> -> memref<80xi32, #tpu.memory_space<vmem>>
    %dma_wait3A_227 = arith.constant 0 : i32
    %dma_wait3A_228 = arith.constant 0 : i32
    %dma_wait3A_229 = tpu.memref_slice %arg7[%dma_wait3A_227, %dma_wait3A_228] : memref<10000x64xf32, #tpu.memory_space<vmem_shared>> -> memref<10000x64xf32, #tpu.memory_space<vmem_shared>>
    tpu.wait_indirect_dma semaphore(%arg27 : memref<!tpu.dma_semaphore, #tpu.memory_space<semaphore_mem>>) src(%arg14 : memref<80x64xf32, #tpu.memory_space<vmem>>) dst(%dma_wait3A_229 : memref<10000x64xf32, #tpu.memory_space<vmem_shared>>)
    %multiple_of3A_230 = arith.constant 240 : i32
    %multiple_of3A_231 = tpu.assume_multiple %multiple_of3A_230, 80 : i32
    %dma_wait3A_232 = tpu.memref_slice %arg10[%multiple_of3A_231] : memref<20000xi32, #tpu.memory_space<vmem>> -> memref<80xi32, #tpu.memory_space<vmem>>
    %dma_wait3A_233 = arith.constant 0 : i32
    %dma_wait3A_234 = arith.constant 0 : i32
    %dma_wait3A_235 = tpu.memref_slice %arg8[%dma_wait3A_233, %dma_wait3A_234] : memref<10000x16xf32, #tpu.memory_space<vmem_shared>> -> memref<10000x16xf32, #tpu.memory_space<vmem_shared>>
    tpu.wait_indirect_dma semaphore(%arg27 : memref<!tpu.dma_semaphore, #tpu.memory_space<semaphore_mem>>) src(%arg17 : memref<80x16xf32, #tpu.memory_space<vmem>>) dst(%dma_wait3A_235 : memref<10000x16xf32, #tpu.memory_space<vmem_shared>>)
    %multiple_of3A_236 = arith.constant 720 : i32
    %multiple_of3A_237 = tpu.assume_multiple %multiple_of3A_236, 80 : i32
    %dma_start3A_238 = tpu.memref_slice %arg9[%multiple_of3A_237] : memref<20000xi32, #tpu.memory_space<vmem>> -> memref<80xi32, #tpu.memory_space<vmem>>
    %dma_start3A_239 = arith.constant 0 : i32
    %dma_start3A_240 = arith.constant 0 : i32
    %dma_start3A_241 = tpu.memref_slice %arg2[%dma_start3A_239, %dma_start3A_240] : memref<20000x64xf32, #tpu.memory_space<hbm>> -> memref<20000x64xf32, #tpu.memory_space<hbm>>
    tpu.enqueue_indirect_dma source(%dma_start3A_241 : memref<20000x64xf32, #tpu.memory_space<hbm>>) target(%arg14 : memref<80x64xf32, #tpu.memory_space<vmem>>) offsets(%dma_start3A_238 : memref<80xi32, #tpu.memory_space<vmem>>) semaphore(%arg21 : memref<!tpu.dma_semaphore, #tpu.memory_space<semaphore_mem>>)
    %scan3A_242 = arith.constant 0 : i32
    %scan3A_243 = arith.constant 40 : i32
    %scan3A_244 = arith.addi %scan3A_242, %scan3A_243 : i32
    %scan3A_245 = arith.constant 1 : i32
    scf.for %scan3A_474 = %scan3A_242 to %scan3A_244 step %scan3A_245  : i32 {
      %mul3A_475 = arith.constant 1 : i32
      %mul3A_476 = arith.muli %scan3A_474, %mul3A_475 : i32
      %add3A_477 = arith.constant 0 : i32
      %add3A_478 = arith.addi %add3A_477, %mul3A_476 : i32
      %mul3A_479 = arith.constant 6 : i32
      %mul3A_480 = arith.muli %add3A_478, %mul3A_479 : i32
      %add3A_481 = arith.constant 6 : i32
      %add3A_482 = arith.addi %add3A_481, %mul3A_480 : i32
      %add3A_483 = arith.constant 0 : i32
      %add3A_484 = arith.addi %add3A_482, %add3A_483 : i32
      %mul3A_485 = arith.constant 80 : i32
      %mul3A_486 = arith.muli %add3A_484, %mul3A_485 : i32
      %multiple_of3A_487 = tpu.assume_multiple %mul3A_486, 80 : i32
      %dma_wait3A_488 = tpu.memref_slice %arg9[%multiple_of3A_487] : memref<20000xi32, #tpu.memory_space<vmem>> -> memref<80xi32, #tpu.memory_space<vmem>>
      %dma_wait3A_489 = arith.constant 0 : i32
      %dma_wait3A_490 = arith.constant 0 : i32
      %dma_wait3A_491 = tpu.memref_slice %arg2[%dma_wait3A_489, %dma_wait3A_490] : memref<20000x64xf32, #tpu.memory_space<hbm>> -> memref<20000x64xf32, #tpu.memory_space<hbm>>
      tpu.wait_indirect_dma semaphore(%arg18 : memref<!tpu.dma_semaphore, #tpu.memory_space<semaphore_mem>>) src(%dma_wait3A_491 : memref<20000x64xf32, #tpu.memory_space<hbm>>) dst(%arg11 : memref<80x64xf32, #tpu.memory_space<vmem>>)
      %mul3A_492 = arith.constant 80 : i32
      %mul3A_493 = arith.muli %add3A_484, %mul3A_492 : i32
      %multiple_of3A_494 = tpu.assume_multiple %mul3A_493, 80 : i32
      %dma_start3A_495 = tpu.memref_slice %arg10[%multiple_of3A_494] : memref<20000xi32, #tpu.memory_space<vmem>> -> memref<80xi32, #tpu.memory_space<vmem>>
      %dma_start3A_496 = arith.constant 0 : i32
      %dma_start3A_497 = arith.constant 0 : i32
      %dma_start3A_498 = tpu.memref_slice %arg7[%dma_start3A_496, %dma_start3A_497] : memref<10000x64xf32, #tpu.memory_space<vmem_shared>> -> memref<10000x64xf32, #tpu.memory_space<vmem_shared>>
      tpu.enqueue_indirect_dma source(%arg11 : memref<80x64xf32, #tpu.memory_space<vmem>>) target(%dma_start3A_498 : memref<10000x64xf32, #tpu.memory_space<vmem_shared>>) offsets(%dma_start3A_495 : memref<80xi32, #tpu.memory_space<vmem>>) semaphore(%arg24 : memref<!tpu.dma_semaphore, #tpu.memory_space<semaphore_mem>>) {add = true}
      %mul3A_499 = arith.constant 80 : i32
      %mul3A_500 = arith.muli %add3A_484, %mul3A_499 : i32
      %multiple_of3A_501 = tpu.assume_multiple %mul3A_500, 80 : i32
      %dma_start3A_502 = tpu.memref_slice %arg10[%multiple_of3A_501] : memref<20000xi32, #tpu.memory_space<vmem>> -> memref<80xi32, #tpu.memory_space<vmem>>
      %dma_start3A_503 = arith.constant 0 : i32
      %dma_start3A_504 = arith.constant 0 : i32
      %dma_start3A_505 = tpu.memref_slice %arg8[%dma_start3A_503, %dma_start3A_504] : memref<10000x16xf32, #tpu.memory_space<vmem_shared>> -> memref<10000x16xf32, #tpu.memory_space<vmem_shared>>
      tpu.enqueue_indirect_dma source(%arg17 : memref<80x16xf32, #tpu.memory_space<vmem>>) target(%dma_start3A_505 : memref<10000x16xf32, #tpu.memory_space<vmem_shared>>) offsets(%dma_start3A_502 : memref<80xi32, #tpu.memory_space<vmem>>) semaphore(%arg24 : memref<!tpu.dma_semaphore, #tpu.memory_space<semaphore_mem>>) {add = true}
      %add3A_506 = arith.constant 4 : i32
      %add3A_507 = arith.addi %add3A_484, %add3A_506 : i32
      %sub3A_508 = arith.constant 2 : i32
      %sub3A_509 = arith.subi %add3A_484, %sub3A_508 : i32
      %mul3A_510 = arith.constant 80 : i32
      %mul3A_511 = arith.muli %sub3A_509, %mul3A_510 : i32
      %multiple_of3A_512 = tpu.assume_multiple %mul3A_511, 80 : i32
      %dma_wait3A_513 = tpu.memref_slice %arg10[%multiple_of3A_512] : memref<20000xi32, #tpu.memory_space<vmem>> -> memref<80xi32, #tpu.memory_space<vmem>>
      %dma_wait3A_514 = arith.constant 0 : i32
      %dma_wait3A_515 = arith.constant 0 : i32
      %dma_wait3A_516 = tpu.memref_slice %arg7[%dma_wait3A_514, %dma_wait3A_515] : memref<10000x64xf32, #tpu.memory_space<vmem_shared>> -> memref<10000x64xf32, #tpu.memory_space<vmem_shared>>
      tpu.wait_indirect_dma semaphore(%arg28 : memref<!tpu.dma_semaphore, #tpu.memory_space<semaphore_mem>>) src(%arg15 : memref<80x64xf32, #tpu.memory_space<vmem>>) dst(%dma_wait3A_516 : memref<10000x64xf32, #tpu.memory_space<vmem_shared>>)
      %mul3A_517 = arith.constant 80 : i32
      %mul3A_518 = arith.muli %sub3A_509, %mul3A_517 : i32
      %multiple_of3A_519 = tpu.assume_multiple %mul3A_518, 80 : i32
      %dma_wait3A_520 = tpu.memref_slice %arg10[%multiple_of3A_519] : memref<20000xi32, #tpu.memory_space<vmem>> -> memref<80xi32, #tpu.memory_space<vmem>>
      %dma_wait3A_521 = arith.constant 0 : i32
      %dma_wait3A_522 = arith.constant 0 : i32
      %dma_wait3A_523 = tpu.memref_slice %arg8[%dma_wait3A_521, %dma_wait3A_522] : memref<10000x16xf32, #tpu.memory_space<vmem_shared>> -> memref<10000x16xf32, #tpu.memory_space<vmem_shared>>
      tpu.wait_indirect_dma semaphore(%arg28 : memref<!tpu.dma_semaphore, #tpu.memory_space<semaphore_mem>>) src(%arg17 : memref<80x16xf32, #tpu.memory_space<vmem>>) dst(%dma_wait3A_523 : memref<10000x16xf32, #tpu.memory_space<vmem_shared>>)
      %mul3A_524 = arith.constant 80 : i32
      %mul3A_525 = arith.muli %add3A_507, %mul3A_524 : i32
      %multiple_of3A_526 = tpu.assume_multiple %mul3A_525, 80 : i32
      %dma_start3A_527 = tpu.memref_slice %arg9[%multiple_of3A_526] : memref<20000xi32, #tpu.memory_space<vmem>> -> memref<80xi32, #tpu.memory_space<vmem>>
      %dma_start3A_528 = arith.constant 0 : i32
      %dma_start3A_529 = arith.constant 0 : i32
      %dma_start3A_530 = tpu.memref_slice %arg2[%dma_start3A_528, %dma_start3A_529] : memref<20000x64xf32, #tpu.memory_space<hbm>> -> memref<20000x64xf32, #tpu.memory_space<hbm>>
      tpu.enqueue_indirect_dma source(%dma_start3A_530 : memref<20000x64xf32, #tpu.memory_space<hbm>>) target(%arg15 : memref<80x64xf32, #tpu.memory_space<vmem>>) offsets(%dma_start3A_527 : memref<80xi32, #tpu.memory_space<vmem>>) semaphore(%arg22 : memref<!tpu.dma_semaphore, #tpu.memory_space<semaphore_mem>>)
      %add3A_531 = arith.constant 1 : i32
      %add3A_532 = arith.addi %add3A_482, %add3A_531 : i32
      %mul3A_533 = arith.constant 80 : i32
      %mul3A_534 = arith.muli %add3A_532, %mul3A_533 : i32
      %multiple_of3A_535 = tpu.assume_multiple %mul3A_534, 80 : i32
      %dma_wait3A_536 = tpu.memref_slice %arg9[%multiple_of3A_535] : memref<20000xi32, #tpu.memory_space<vmem>> -> memref<80xi32, #tpu.memory_space<vmem>>
      %dma_wait3A_537 = arith.constant 0 : i32
      %dma_wait3A_538 = arith.constant 0 : i32
      %dma_wait3A_539 = tpu.memref_slice %arg2[%dma_wait3A_537, %dma_wait3A_538] : memref<20000x64xf32, #tpu.memory_space<hbm>> -> memref<20000x64xf32, #tpu.memory_space<hbm>>
      tpu.wait_indirect_dma semaphore(%arg19 : memref<!tpu.dma_semaphore, #tpu.memory_space<semaphore_mem>>) src(%dma_wait3A_539 : memref<20000x64xf32, #tpu.memory_space<hbm>>) dst(%arg12 : memref<80x64xf32, #tpu.memory_space<vmem>>)
      %mul3A_540 = arith.constant 80 : i32
      %mul3A_541 = arith.muli %add3A_532, %mul3A_540 : i32
      %multiple_of3A_542 = tpu.assume_multiple %mul3A_541, 80 : i32
      %dma_start3A_543 = tpu.memref_slice %arg10[%multiple_of3A_542] : memref<20000xi32, #tpu.memory_space<vmem>> -> memref<80xi32, #tpu.memory_space<vmem>>
      %dma_start3A_544 = arith.constant 0 : i32
      %dma_start3A_545 = arith.constant 0 : i32
      %dma_start3A_546 = tpu.memref_slice %arg7[%dma_start3A_544, %dma_start3A_545] : memref<10000x64xf32, #tpu.memory_space<vmem_shared>> -> memref<10000x64xf32, #tpu.memory_space<vmem_shared>>
      tpu.enqueue_indirect_dma source(%arg12 : memref<80x64xf32, #tpu.memory_space<vmem>>) target(%dma_start3A_546 : memref<10000x64xf32, #tpu.memory_space<vmem_shared>>) offsets(%dma_start3A_543 : memref<80xi32, #tpu.memory_space<vmem>>) semaphore(%arg25 : memref<!tpu.dma_semaphore, #tpu.memory_space<semaphore_mem>>) {add = true}
      %mul3A_547 = arith.constant 80 : i32
      %mul3A_548 = arith.muli %add3A_532, %mul3A_547 : i32
      %multiple_of3A_549 = tpu.assume_multiple %mul3A_548, 80 : i32
      %dma_start3A_550 = tpu.memref_slice %arg10[%multiple_of3A_549] : memref<20000xi32, #tpu.memory_space<vmem>> -> memref<80xi32, #tpu.memory_space<vmem>>
      %dma_start3A_551 = arith.constant 0 : i32
      %dma_start3A_552 = arith.constant 0 : i32
      %dma_start3A_553 = tpu.memref_slice %arg8[%dma_start3A_551, %dma_start3A_552] : memref<10000x16xf32, #tpu.memory_space<vmem_shared>> -> memref<10000x16xf32, #tpu.memory_space<vmem_shared>>
      tpu.enqueue_indirect_dma source(%arg17 : memref<80x16xf32, #tpu.memory_space<vmem>>) target(%dma_start3A_553 : memref<10000x16xf32, #tpu.memory_space<vmem_shared>>) offsets(%dma_start3A_550 : memref<80xi32, #tpu.memory_space<vmem>>) semaphore(%arg25 : memref<!tpu.dma_semaphore, #tpu.memory_space<semaphore_mem>>) {add = true}
      %add3A_554 = arith.constant 4 : i32
      %add3A_555 = arith.addi %add3A_532, %add3A_554 : i32
      %sub3A_556 = arith.constant 2 : i32
      %sub3A_557 = arith.subi %add3A_532, %sub3A_556 : i32
      %mul3A_558 = arith.constant 80 : i32
      %mul3A_559 = arith.muli %sub3A_557, %mul3A_558 : i32
      %multiple_of3A_560 = tpu.assume_multiple %mul3A_559, 80 : i32
      %dma_wait3A_561 = tpu.memref_slice %arg10[%multiple_of3A_560] : memref<20000xi32, #tpu.memory_space<vmem>> -> memref<80xi32, #tpu.memory_space<vmem>>
      %dma_wait3A_562 = arith.constant 0 : i32
      %dma_wait3A_563 = arith.constant 0 : i32
      %dma_wait3A_564 = tpu.memref_slice %arg7[%dma_wait3A_562, %dma_wait3A_563] : memref<10000x64xf32, #tpu.memory_space<vmem_shared>> -> memref<10000x64xf32, #tpu.memory_space<vmem_shared>>
      tpu.wait_indirect_dma semaphore(%arg29 : memref<!tpu.dma_semaphore, #tpu.memory_space<semaphore_mem>>) src(%arg16 : memref<80x64xf32, #tpu.memory_space<vmem>>) dst(%dma_wait3A_564 : memref<10000x64xf32, #tpu.memory_space<vmem_shared>>)
      %mul3A_565 = arith.constant 80 : i32
      %mul3A_566 = arith.muli %sub3A_557, %mul3A_565 : i32
      %multiple_of3A_567 = tpu.assume_multiple %mul3A_566, 80 : i32
      %dma_wait3A_568 = tpu.memref_slice %arg10[%multiple_of3A_567] : memref<20000xi32, #tpu.memory_space<vmem>> -> memref<80xi32, #tpu.memory_space<vmem>>
      %dma_wait3A_569 = arith.constant 0 : i32
      %dma_wait3A_570 = arith.constant 0 : i32
      %dma_wait3A_571 = tpu.memref_slice %arg8[%dma_wait3A_569, %dma_wait3A_570] : memref<10000x16xf32, #tpu.memory_space<vmem_shared>> -> memref<10000x16xf32, #tpu.memory_space<vmem_shared>>
      tpu.wait_indirect_dma semaphore(%arg29 : memref<!tpu.dma_semaphore, #tpu.memory_space<semaphore_mem>>) src(%arg17 : memref<80x16xf32, #tpu.memory_space<vmem>>) dst(%dma_wait3A_571 : memref<10000x16xf32, #tpu.memory_space<vmem_shared>>)
      %mul3A_572 = arith.constant 80 : i32
      %mul3A_573 = arith.muli %add3A_555, %mul3A_572 : i32
      %multiple_of3A_574 = tpu.assume_multiple %mul3A_573, 80 : i32
      %dma_start3A_575 = tpu.memref_slice %arg9[%multiple_of3A_574] : memref<20000xi32, #tpu.memory_space<vmem>> -> memref<80xi32, #tpu.memory_space<vmem>>
      %dma_start3A_576 = arith.constant 0 : i32
      %dma_start3A_577 = arith.constant 0 : i32
      %dma_start3A_578 = tpu.memref_slice %arg2[%dma_start3A_576, %dma_start3A_577] : memref<20000x64xf32, #tpu.memory_space<hbm>> -> memref<20000x64xf32, #tpu.memory_space<hbm>>
      tpu.enqueue_indirect_dma source(%dma_start3A_578 : memref<20000x64xf32, #tpu.memory_space<hbm>>) target(%arg16 : memref<80x64xf32, #tpu.memory_space<vmem>>) offsets(%dma_start3A_575 : memref<80xi32, #tpu.memory_space<vmem>>) semaphore(%arg23 : memref<!tpu.dma_semaphore, #tpu.memory_space<semaphore_mem>>)
      %add3A_579 = arith.constant 2 : i32
      %add3A_580 = arith.addi %add3A_482, %add3A_579 : i32
      %mul3A_581 = arith.constant 80 : i32
      %mul3A_582 = arith.muli %add3A_580, %mul3A_581 : i32
      %multiple_of3A_583 = tpu.assume_multiple %mul3A_582, 80 : i32
      %dma_wait3A_584 = tpu.memref_slice %arg9[%multiple_of3A_583] : memref<20000xi32, #tpu.memory_space<vmem>> -> memref<80xi32, #tpu.memory_space<vmem>>
      %dma_wait3A_585 = arith.constant 0 : i32
      %dma_wait3A_586 = arith.constant 0 : i32
      %dma_wait3A_587 = tpu.memref_slice %arg2[%dma_wait3A_585, %dma_wait3A_586] : memref<20000x64xf32, #tpu.memory_space<hbm>> -> memref<20000x64xf32, #tpu.memory_space<hbm>>
      tpu.wait_indirect_dma semaphore(%arg20 : memref<!tpu.dma_semaphore, #tpu.memory_space<semaphore_mem>>) src(%dma_wait3A_587 : memref<20000x64xf32, #tpu.memory_space<hbm>>) dst(%arg13 : memref<80x64xf32, #tpu.memory_space<vmem>>)
      %mul3A_588 = arith.constant 80 : i32
      %mul3A_589 = arith.muli %add3A_580, %mul3A_588 : i32
      %multiple_of3A_590 = tpu.assume_multiple %mul3A_589, 80 : i32
      %dma_start3A_591 = tpu.memref_slice %arg10[%multiple_of3A_590] : memref<20000xi32, #tpu.memory_space<vmem>> -> memref<80xi32, #tpu.memory_space<vmem>>
      %dma_start3A_592 = arith.constant 0 : i32
      %dma_start3A_593 = arith.constant 0 : i32
      %dma_start3A_594 = tpu.memref_slice %arg7[%dma_start3A_592, %dma_start3A_593] : memref<10000x64xf32, #tpu.memory_space<vmem_shared>> -> memref<10000x64xf32, #tpu.memory_space<vmem_shared>>
      tpu.enqueue_indirect_dma source(%arg13 : memref<80x64xf32, #tpu.memory_space<vmem>>) target(%dma_start3A_594 : memref<10000x64xf32, #tpu.memory_space<vmem_shared>>) offsets(%dma_start3A_591 : memref<80xi32, #tpu.memory_space<vmem>>) semaphore(%arg26 : memref<!tpu.dma_semaphore, #tpu.memory_space<semaphore_mem>>) {add = true}
      %mul3A_595 = arith.constant 80 : i32
      %mul3A_596 = arith.muli %add3A_580, %mul3A_595 : i32
      %multiple_of3A_597 = tpu.assume_multiple %mul3A_596, 80 : i32
      %dma_start3A_598 = tpu.memref_slice %arg10[%multiple_of3A_597] : memref<20000xi32, #tpu.memory_space<vmem>> -> memref<80xi32, #tpu.memory_space<vmem>>
      %dma_start3A_599 = arith.constant 0 : i32
      %dma_start3A_600 = arith.constant 0 : i32
      %dma_start3A_601 = tpu.memref_slice %arg8[%dma_start3A_599, %dma_start3A_600] : memref<10000x16xf32, #tpu.memory_space<vmem_shared>> -> memref<10000x16xf32, #tpu.memory_space<vmem_shared>>
      tpu.enqueue_indirect_dma source(%arg17 : memref<80x16xf32, #tpu.memory_space<vmem>>) target(%dma_start3A_601 : memref<10000x16xf32, #tpu.memory_space<vmem_shared>>) offsets(%dma_start3A_598 : memref<80xi32, #tpu.memory_space<vmem>>) semaphore(%arg26 : memref<!tpu.dma_semaphore, #tpu.memory_space<semaphore_mem>>) {add = true}
      %add3A_602 = arith.constant 4 : i32
      %add3A_603 = arith.addi %add3A_580, %add3A_602 : i32
      %sub3A_604 = arith.constant 2 : i32
      %sub3A_605 = arith.subi %add3A_580, %sub3A_604 : i32
      %mul3A_606 = arith.constant 80 : i32
      %mul3A_607 = arith.muli %sub3A_605, %mul3A_606 : i32
      %multiple_of3A_608 = tpu.assume_multiple %mul3A_607, 80 : i32
      %dma_wait3A_609 = tpu.memref_slice %arg10[%multiple_of3A_608] : memref<20000xi32, #tpu.memory_space<vmem>> -> memref<80xi32, #tpu.memory_space<vmem>>
      %dma_wait3A_610 = arith.constant 0 : i32
      %dma_wait3A_611 = arith.constant 0 : i32
      %dma_wait3A_612 = tpu.memref_slice %arg7[%dma_wait3A_610, %dma_wait3A_611] : memref<10000x64xf32, #tpu.memory_space<vmem_shared>> -> memref<10000x64xf32, #tpu.memory_space<vmem_shared>>
      tpu.wait_indirect_dma semaphore(%arg24 : memref<!tpu.dma_semaphore, #tpu.memory_space<semaphore_mem>>) src(%arg11 : memref<80x64xf32, #tpu.memory_space<vmem>>) dst(%dma_wait3A_612 : memref<10000x64xf32, #tpu.memory_space<vmem_shared>>)
      %mul3A_613 = arith.constant 80 : i32
      %mul3A_614 = arith.muli %sub3A_605, %mul3A_613 : i32
      %multiple_of3A_615 = tpu.assume_multiple %mul3A_614, 80 : i32
      %dma_wait3A_616 = tpu.memref_slice %arg10[%multiple_of3A_615] : memref<20000xi32, #tpu.memory_space<vmem>> -> memref<80xi32, #tpu.memory_space<vmem>>
      %dma_wait3A_617 = arith.constant 0 : i32
      %dma_wait3A_618 = arith.constant 0 : i32
      %dma_wait3A_619 = tpu.memref_slice %arg8[%dma_wait3A_617, %dma_wait3A_618] : memref<10000x16xf32, #tpu.memory_space<vmem_shared>> -> memref<10000x16xf32, #tpu.memory_space<vmem_shared>>
      tpu.wait_indirect_dma semaphore(%arg24 : memref<!tpu.dma_semaphore, #tpu.memory_space<semaphore_mem>>) src(%arg17 : memref<80x16xf32, #tpu.memory_space<vmem>>) dst(%dma_wait3A_619 : memref<10000x16xf32, #tpu.memory_space<vmem_shared>>)
      %mul3A_620 = arith.constant 80 : i32
      %mul3A_621 = arith.muli %add3A_603, %mul3A_620 : i32
      %multiple_of3A_622 = tpu.assume_multiple %mul3A_621, 80 : i32
      %dma_start3A_623 = tpu.memref_slice %arg9[%multiple_of3A_622] : memref<20000xi32, #tpu.memory_space<vmem>> -> memref<80xi32, #tpu.memory_space<vmem>>
      %dma_start3A_624 = arith.constant 0 : i32
      %dma_start3A_625 = arith.constant 0 : i32
      %dma_start3A_626 = tpu.memref_slice %arg2[%dma_start3A_624, %dma_start3A_625] : memref<20000x64xf32, #tpu.memory_space<hbm>> -> memref<20000x64xf32, #tpu.memory_space<hbm>>
      tpu.enqueue_indirect_dma source(%dma_start3A_626 : memref<20000x64xf32, #tpu.memory_space<hbm>>) target(%arg11 : memref<80x64xf32, #tpu.memory_space<vmem>>) offsets(%dma_start3A_623 : memref<80xi32, #tpu.memory_space<vmem>>) semaphore(%arg18 : memref<!tpu.dma_semaphore, #tpu.memory_space<semaphore_mem>>)
      %add3A_627 = arith.constant 3 : i32
      %add3A_628 = arith.addi %add3A_482, %add3A_627 : i32
      %mul3A_629 = arith.constant 80 : i32
      %mul3A_630 = arith.muli %add3A_628, %mul3A_629 : i32
      %multiple_of3A_631 = tpu.assume_multiple %mul3A_630, 80 : i32
      %dma_wait3A_632 = tpu.memref_slice %arg9[%multiple_of3A_631] : memref<20000xi32, #tpu.memory_space<vmem>> -> memref<80xi32, #tpu.memory_space<vmem>>
      %dma_wait3A_633 = arith.constant 0 : i32
      %dma_wait3A_634 = arith.constant 0 : i32
      %dma_wait3A_635 = tpu.memref_slice %arg2[%dma_wait3A_633, %dma_wait3A_634] : memref<20000x64xf32, #tpu.memory_space<hbm>> -> memref<20000x64xf32, #tpu.memory_space<hbm>>
      tpu.wait_indirect_dma semaphore(%arg21 : memref<!tpu.dma_semaphore, #tpu.memory_space<semaphore_mem>>) src(%dma_wait3A_635 : memref<20000x64xf32, #tpu.memory_space<hbm>>) dst(%arg14 : memref<80x64xf32, #tpu.memory_space<vmem>>)
      %mul3A_636 = arith.constant 80 : i32
      %mul3A_637 = arith.muli %add3A_628, %mul3A_636 : i32
      %multiple_of3A_638 = tpu.assume_multiple %mul3A_637, 80 : i32
      %dma_start3A_639 = tpu.memref_slice %arg10[%multiple_of3A_638] : memref<20000xi32, #tpu.memory_space<vmem>> -> memref<80xi32, #tpu.memory_space<vmem>>
      %dma_start3A_640 = arith.constant 0 : i32
      %dma_start3A_641 = arith.constant 0 : i32
      %dma_start3A_642 = tpu.memref_slice %arg7[%dma_start3A_640, %dma_start3A_641] : memref<10000x64xf32, #tpu.memory_space<vmem_shared>> -> memref<10000x64xf32, #tpu.memory_space<vmem_shared>>
      tpu.enqueue_indirect_dma source(%arg14 : memref<80x64xf32, #tpu.memory_space<vmem>>) target(%dma_start3A_642 : memref<10000x64xf32, #tpu.memory_space<vmem_shared>>) offsets(%dma_start3A_639 : memref<80xi32, #tpu.memory_space<vmem>>) semaphore(%arg27 : memref<!tpu.dma_semaphore, #tpu.memory_space<semaphore_mem>>) {add = true}
      %mul3A_643 = arith.constant 80 : i32
      %mul3A_644 = arith.muli %add3A_628, %mul3A_643 : i32
      %multiple_of3A_645 = tpu.assume_multiple %mul3A_644, 80 : i32
      %dma_start3A_646 = tpu.memref_slice %arg10[%multiple_of3A_645] : memref<20000xi32, #tpu.memory_space<vmem>> -> memref<80xi32, #tpu.memory_space<vmem>>
      %dma_start3A_647 = arith.constant 0 : i32
      %dma_start3A_648 = arith.constant 0 : i32
      %dma_start3A_649 = tpu.memref_slice %arg8[%dma_start3A_647, %dma_start3A_648] : memref<10000x16xf32, #tpu.memory_space<vmem_shared>> -> memref<10000x16xf32, #tpu.memory_space<vmem_shared>>
      tpu.enqueue_indirect_dma source(%arg17 : memref<80x16xf32, #tpu.memory_space<vmem>>) target(%dma_start3A_649 : memref<10000x16xf32, #tpu.memory_space<vmem_shared>>) offsets(%dma_start3A_646 : memref<80xi32, #tpu.memory_space<vmem>>) semaphore(%arg27 : memref<!tpu.dma_semaphore, #tpu.memory_space<semaphore_mem>>) {add = true}
      %add3A_650 = arith.constant 4 : i32
      %add3A_651 = arith.addi %add3A_628, %add3A_650 : i32
      %sub3A_652 = arith.constant 2 : i32
      %sub3A_653 = arith.subi %add3A_628, %sub3A_652 : i32
      %mul3A_654 = arith.constant 80 : i32
      %mul3A_655 = arith.muli %sub3A_653, %mul3A_654 : i32
      %multiple_of3A_656 = tpu.assume_multiple %mul3A_655, 80 : i32
      %dma_wait3A_657 = tpu.memref_slice %arg10[%multiple_of3A_656] : memref<20000xi32, #tpu.memory_space<vmem>> -> memref<80xi32, #tpu.memory_space<vmem>>
      %dma_wait3A_658 = arith.constant 0 : i32
      %dma_wait3A_659 = arith.constant 0 : i32
      %dma_wait3A_660 = tpu.memref_slice %arg7[%dma_wait3A_658, %dma_wait3A_659] : memref<10000x64xf32, #tpu.memory_space<vmem_shared>> -> memref<10000x64xf32, #tpu.memory_space<vmem_shared>>
      tpu.wait_indirect_dma semaphore(%arg25 : memref<!tpu.dma_semaphore, #tpu.memory_space<semaphore_mem>>) src(%arg12 : memref<80x64xf32, #tpu.memory_space<vmem>>) dst(%dma_wait3A_660 : memref<10000x64xf32, #tpu.memory_space<vmem_shared>>)
      %mul3A_661 = arith.constant 80 : i32
      %mul3A_662 = arith.muli %sub3A_653, %mul3A_661 : i32
      %multiple_of3A_663 = tpu.assume_multiple %mul3A_662, 80 : i32
      %dma_wait3A_664 = tpu.memref_slice %arg10[%multiple_of3A_663] : memref<20000xi32, #tpu.memory_space<vmem>> -> memref<80xi32, #tpu.memory_space<vmem>>
      %dma_wait3A_665 = arith.constant 0 : i32
      %dma_wait3A_666 = arith.constant 0 : i32
      %dma_wait3A_667 = tpu.memref_slice %arg8[%dma_wait3A_665, %dma_wait3A_666] : memref<10000x16xf32, #tpu.memory_space<vmem_shared>> -> memref<10000x16xf32, #tpu.memory_space<vmem_shared>>
      tpu.wait_indirect_dma semaphore(%arg25 : memref<!tpu.dma_semaphore, #tpu.memory_space<semaphore_mem>>) src(%arg17 : memref<80x16xf32, #tpu.memory_space<vmem>>) dst(%dma_wait3A_667 : memref<10000x16xf32, #tpu.memory_space<vmem_shared>>)
      %mul3A_668 = arith.constant 80 : i32
      %mul3A_669 = arith.muli %add3A_651, %mul3A_668 : i32
      %multiple_of3A_670 = tpu.assume_multiple %mul3A_669, 80 : i32
      %dma_start3A_671 = tpu.memref_slice %arg9[%multiple_of3A_670] : memref<20000xi32, #tpu.memory_space<vmem>> -> memref<80xi32, #tpu.memory_space<vmem>>
      %dma_start3A_672 = arith.constant 0 : i32
      %dma_start3A_673 = arith.constant 0 : i32
      %dma_start3A_674 = tpu.memref_slice %arg2[%dma_start3A_672, %dma_start3A_673] : memref<20000x64xf32, #tpu.memory_space<hbm>> -> memref<20000x64xf32, #tpu.memory_space<hbm>>
      tpu.enqueue_indirect_dma source(%dma_start3A_674 : memref<20000x64xf32, #tpu.memory_space<hbm>>) target(%arg12 : memref<80x64xf32, #tpu.memory_space<vmem>>) offsets(%dma_start3A_671 : memref<80xi32, #tpu.memory_space<vmem>>) semaphore(%arg19 : memref<!tpu.dma_semaphore, #tpu.memory_space<semaphore_mem>>)
      %add3A_675 = arith.constant 4 : i32
      %add3A_676 = arith.addi %add3A_482, %add3A_675 : i32
      %mul3A_677 = arith.constant 80 : i32
      %mul3A_678 = arith.muli %add3A_676, %mul3A_677 : i32
      %multiple_of3A_679 = tpu.assume_multiple %mul3A_678, 80 : i32
      %dma_wait3A_680 = tpu.memref_slice %arg9[%multiple_of3A_679] : memref<20000xi32, #tpu.memory_space<vmem>> -> memref<80xi32, #tpu.memory_space<vmem>>
      %dma_wait3A_681 = arith.constant 0 : i32
      %dma_wait3A_682 = arith.constant 0 : i32
      %dma_wait3A_683 = tpu.memref_slice %arg2[%dma_wait3A_681, %dma_wait3A_682] : memref<20000x64xf32, #tpu.memory_space<hbm>> -> memref<20000x64xf32, #tpu.memory_space<hbm>>
      tpu.wait_indirect_dma semaphore(%arg22 : memref<!tpu.dma_semaphore, #tpu.memory_space<semaphore_mem>>) src(%dma_wait3A_683 : memref<20000x64xf32, #tpu.memory_space<hbm>>) dst(%arg15 : memref<80x64xf32, #tpu.memory_space<vmem>>)
      %mul3A_684 = arith.constant 80 : i32
      %mul3A_685 = arith.muli %add3A_676, %mul3A_684 : i32
      %multiple_of3A_686 = tpu.assume_multiple %mul3A_685, 80 : i32
      %dma_start3A_687 = tpu.memref_slice %arg10[%multiple_of3A_686] : memref<20000xi32, #tpu.memory_space<vmem>> -> memref<80xi32, #tpu.memory_space<vmem>>
      %dma_start3A_688 = arith.constant 0 : i32
      %dma_start3A_689 = arith.constant 0 : i32
      %dma_start3A_690 = tpu.memref_slice %arg7[%dma_start3A_688, %dma_start3A_689] : memref<10000x64xf32, #tpu.memory_space<vmem_shared>> -> memref<10000x64xf32, #tpu.memory_space<vmem_shared>>
      tpu.enqueue_indirect_dma source(%arg15 : memref<80x64xf32, #tpu.memory_space<vmem>>) target(%dma_start3A_690 : memref<10000x64xf32, #tpu.memory_space<vmem_shared>>) offsets(%dma_start3A_687 : memref<80xi32, #tpu.memory_space<vmem>>) semaphore(%arg28 : memref<!tpu.dma_semaphore, #tpu.memory_space<semaphore_mem>>) {add = true}
      %mul3A_691 = arith.constant 80 : i32
      %mul3A_692 = arith.muli %add3A_676, %mul3A_691 : i32
      %multiple_of3A_693 = tpu.assume_multiple %mul3A_692, 80 : i32
      %dma_start3A_694 = tpu.memref_slice %arg10[%multiple_of3A_693] : memref<20000xi32, #tpu.memory_space<vmem>> -> memref<80xi32, #tpu.memory_space<vmem>>
      %dma_start3A_695 = arith.constant 0 : i32
      %dma_start3A_696 = arith.constant 0 : i32
      %dma_start3A_697 = tpu.memref_slice %arg8[%dma_start3A_695, %dma_start3A_696] : memref<10000x16xf32, #tpu.memory_space<vmem_shared>> -> memref<10000x16xf32, #tpu.memory_space<vmem_shared>>
      tpu.enqueue_indirect_dma source(%arg17 : memref<80x16xf32, #tpu.memory_space<vmem>>) target(%dma_start3A_697 : memref<10000x16xf32, #tpu.memory_space<vmem_shared>>) offsets(%dma_start3A_694 : memref<80xi32, #tpu.memory_space<vmem>>) semaphore(%arg28 : memref<!tpu.dma_semaphore, #tpu.memory_space<semaphore_mem>>) {add = true}
      %add3A_698 = arith.constant 4 : i32
      %add3A_699 = arith.addi %add3A_676, %add3A_698 : i32
      %sub3A_700 = arith.constant 2 : i32
      %sub3A_701 = arith.subi %add3A_676, %sub3A_700 : i32
      %mul3A_702 = arith.constant 80 : i32
      %mul3A_703 = arith.muli %sub3A_701, %mul3A_702 : i32
      %multiple_of3A_704 = tpu.assume_multiple %mul3A_703, 80 : i32
      %dma_wait3A_705 = tpu.memref_slice %arg10[%multiple_of3A_704] : memref<20000xi32, #tpu.memory_space<vmem>> -> memref<80xi32, #tpu.memory_space<vmem>>
      %dma_wait3A_706 = arith.constant 0 : i32
      %dma_wait3A_707 = arith.constant 0 : i32
      %dma_wait3A_708 = tpu.memref_slice %arg7[%dma_wait3A_706, %dma_wait3A_707] : memref<10000x64xf32, #tpu.memory_space<vmem_shared>> -> memref<10000x64xf32, #tpu.memory_space<vmem_shared>>
      tpu.wait_indirect_dma semaphore(%arg26 : memref<!tpu.dma_semaphore, #tpu.memory_space<semaphore_mem>>) src(%arg13 : memref<80x64xf32, #tpu.memory_space<vmem>>) dst(%dma_wait3A_708 : memref<10000x64xf32, #tpu.memory_space<vmem_shared>>)
      %mul3A_709 = arith.constant 80 : i32
      %mul3A_710 = arith.muli %sub3A_701, %mul3A_709 : i32
      %multiple_of3A_711 = tpu.assume_multiple %mul3A_710, 80 : i32
      %dma_wait3A_712 = tpu.memref_slice %arg10[%multiple_of3A_711] : memref<20000xi32, #tpu.memory_space<vmem>> -> memref<80xi32, #tpu.memory_space<vmem>>
      %dma_wait3A_713 = arith.constant 0 : i32
      %dma_wait3A_714 = arith.constant 0 : i32
      %dma_wait3A_715 = tpu.memref_slice %arg8[%dma_wait3A_713, %dma_wait3A_714] : memref<10000x16xf32, #tpu.memory_space<vmem_shared>> -> memref<10000x16xf32, #tpu.memory_space<vmem_shared>>
      tpu.wait_indirect_dma semaphore(%arg26 : memref<!tpu.dma_semaphore, #tpu.memory_space<semaphore_mem>>) src(%arg17 : memref<80x16xf32, #tpu.memory_space<vmem>>) dst(%dma_wait3A_715 : memref<10000x16xf32, #tpu.memory_space<vmem_shared>>)
      %mul3A_716 = arith.constant 80 : i32
      %mul3A_717 = arith.muli %add3A_699, %mul3A_716 : i32
      %multiple_of3A_718 = tpu.assume_multiple %mul3A_717, 80 : i32
      %dma_start3A_719 = tpu.memref_slice %arg9[%multiple_of3A_718] : memref<20000xi32, #tpu.memory_space<vmem>> -> memref<80xi32, #tpu.memory_space<vmem>>
      %dma_start3A_720 = arith.constant 0 : i32
      %dma_start3A_721 = arith.constant 0 : i32
      %dma_start3A_722 = tpu.memref_slice %arg2[%dma_start3A_720, %dma_start3A_721] : memref<20000x64xf32, #tpu.memory_space<hbm>> -> memref<20000x64xf32, #tpu.memory_space<hbm>>
      tpu.enqueue_indirect_dma source(%dma_start3A_722 : memref<20000x64xf32, #tpu.memory_space<hbm>>) target(%arg13 : memref<80x64xf32, #tpu.memory_space<vmem>>) offsets(%dma_start3A_719 : memref<80xi32, #tpu.memory_space<vmem>>) semaphore(%arg20 : memref<!tpu.dma_semaphore, #tpu.memory_space<semaphore_mem>>)
      %add3A_723 = arith.constant 5 : i32
      %add3A_724 = arith.addi %add3A_482, %add3A_723 : i32
      %mul3A_725 = arith.constant 80 : i32
      %mul3A_726 = arith.muli %add3A_724, %mul3A_725 : i32
      %multiple_of3A_727 = tpu.assume_multiple %mul3A_726, 80 : i32
      %dma_wait3A_728 = tpu.memref_slice %arg9[%multiple_of3A_727] : memref<20000xi32, #tpu.memory_space<vmem>> -> memref<80xi32, #tpu.memory_space<vmem>>
      %dma_wait3A_729 = arith.constant 0 : i32
      %dma_wait3A_730 = arith.constant 0 : i32
      %dma_wait3A_731 = tpu.memref_slice %arg2[%dma_wait3A_729, %dma_wait3A_730] : memref<20000x64xf32, #tpu.memory_space<hbm>> -> memref<20000x64xf32, #tpu.memory_space<hbm>>
      tpu.wait_indirect_dma semaphore(%arg23 : memref<!tpu.dma_semaphore, #tpu.memory_space<semaphore_mem>>) src(%dma_wait3A_731 : memref<20000x64xf32, #tpu.memory_space<hbm>>) dst(%arg16 : memref<80x64xf32, #tpu.memory_space<vmem>>)
      %mul3A_732 = arith.constant 80 : i32
      %mul3A_733 = arith.muli %add3A_724, %mul3A_732 : i32
      %multiple_of3A_734 = tpu.assume_multiple %mul3A_733, 80 : i32
      %dma_start3A_735 = tpu.memref_slice %arg10[%multiple_of3A_734] : memref<20000xi32, #tpu.memory_space<vmem>> -> memref<80xi32, #tpu.memory_space<vmem>>
      %dma_start3A_736 = arith.constant 0 : i32
      %dma_start3A_737 = arith.constant 0 : i32
      %dma_start3A_738 = tpu.memref_slice %arg7[%dma_start3A_736, %dma_start3A_737] : memref<10000x64xf32, #tpu.memory_space<vmem_shared>> -> memref<10000x64xf32, #tpu.memory_space<vmem_shared>>
      tpu.enqueue_indirect_dma source(%arg16 : memref<80x64xf32, #tpu.memory_space<vmem>>) target(%dma_start3A_738 : memref<10000x64xf32, #tpu.memory_space<vmem_shared>>) offsets(%dma_start3A_735 : memref<80xi32, #tpu.memory_space<vmem>>) semaphore(%arg29 : memref<!tpu.dma_semaphore, #tpu.memory_space<semaphore_mem>>) {add = true}
      %mul3A_739 = arith.constant 80 : i32
      %mul3A_740 = arith.muli %add3A_724, %mul3A_739 : i32
      %multiple_of3A_741 = tpu.assume_multiple %mul3A_740, 80 : i32
      %dma_start3A_742 = tpu.memref_slice %arg10[%multiple_of3A_741] : memref<20000xi32, #tpu.memory_space<vmem>> -> memref<80xi32, #tpu.memory_space<vmem>>
      %dma_start3A_743 = arith.constant 0 : i32
      %dma_start3A_744 = arith.constant 0 : i32
      %dma_start3A_745 = tpu.memref_slice %arg8[%dma_start3A_743, %dma_start3A_744] : memref<10000x16xf32, #tpu.memory_space<vmem_shared>> -> memref<10000x16xf32, #tpu.memory_space<vmem_shared>>
      tpu.enqueue_indirect_dma source(%arg17 : memref<80x16xf32, #tpu.memory_space<vmem>>) target(%dma_start3A_745 : memref<10000x16xf32, #tpu.memory_space<vmem_shared>>) offsets(%dma_start3A_742 : memref<80xi32, #tpu.memory_space<vmem>>) semaphore(%arg29 : memref<!tpu.dma_semaphore, #tpu.memory_space<semaphore_mem>>) {add = true}
      %add3A_746 = arith.constant 4 : i32
      %add3A_747 = arith.addi %add3A_724, %add3A_746 : i32
      %sub3A_748 = arith.constant 2 : i32
      %sub3A_749 = arith.subi %add3A_724, %sub3A_748 : i32
      %mul3A_750 = arith.constant 80 : i32
      %mul3A_751 = arith.muli %sub3A_749, %mul3A_750 : i32
      %multiple_of3A_752 = tpu.assume_multiple %mul3A_751, 80 : i32
      %dma_wait3A_753 = tpu.memref_slice %arg10[%multiple_of3A_752] : memref<20000xi32, #tpu.memory_space<vmem>> -> memref<80xi32, #tpu.memory_space<vmem>>
      %dma_wait3A_754 = arith.constant 0 : i32
      %dma_wait3A_755 = arith.constant 0 : i32
      %dma_wait3A_756 = tpu.memref_slice %arg7[%dma_wait3A_754, %dma_wait3A_755] : memref<10000x64xf32, #tpu.memory_space<vmem_shared>> -> memref<10000x64xf32, #tpu.memory_space<vmem_shared>>
      tpu.wait_indirect_dma semaphore(%arg27 : memref<!tpu.dma_semaphore, #tpu.memory_space<semaphore_mem>>) src(%arg14 : memref<80x64xf32, #tpu.memory_space<vmem>>) dst(%dma_wait3A_756 : memref<10000x64xf32, #tpu.memory_space<vmem_shared>>)
      %mul3A_757 = arith.constant 80 : i32
      %mul3A_758 = arith.muli %sub3A_749, %mul3A_757 : i32
      %multiple_of3A_759 = tpu.assume_multiple %mul3A_758, 80 : i32
      %dma_wait3A_760 = tpu.memref_slice %arg10[%multiple_of3A_759] : memref<20000xi32, #tpu.memory_space<vmem>> -> memref<80xi32, #tpu.memory_space<vmem>>
      %dma_wait3A_761 = arith.constant 0 : i32
      %dma_wait3A_762 = arith.constant 0 : i32
      %dma_wait3A_763 = tpu.memref_slice %arg8[%dma_wait3A_761, %dma_wait3A_762] : memref<10000x16xf32, #tpu.memory_space<vmem_shared>> -> memref<10000x16xf32, #tpu.memory_space<vmem_shared>>
      tpu.wait_indirect_dma semaphore(%arg27 : memref<!tpu.dma_semaphore, #tpu.memory_space<semaphore_mem>>) src(%arg17 : memref<80x16xf32, #tpu.memory_space<vmem>>) dst(%dma_wait3A_763 : memref<10000x16xf32, #tpu.memory_space<vmem_shared>>)
      %mul3A_764 = arith.constant 80 : i32
      %mul3A_765 = arith.muli %add3A_747, %mul3A_764 : i32
      %multiple_of3A_766 = tpu.assume_multiple %mul3A_765, 80 : i32
      %dma_start3A_767 = tpu.memref_slice %arg9[%multiple_of3A_766] : memref<20000xi32, #tpu.memory_space<vmem>> -> memref<80xi32, #tpu.memory_space<vmem>>
      %dma_start3A_768 = arith.constant 0 : i32
      %dma_start3A_769 = arith.constant 0 : i32
      %dma_start3A_770 = tpu.memref_slice %arg2[%dma_start3A_768, %dma_start3A_769] : memref<20000x64xf32, #tpu.memory_space<hbm>> -> memref<20000x64xf32, #tpu.memory_space<hbm>>
      tpu.enqueue_indirect_dma source(%dma_start3A_770 : memref<20000x64xf32, #tpu.memory_space<hbm>>) target(%arg14 : memref<80x64xf32, #tpu.memory_space<vmem>>) offsets(%dma_start3A_767 : memref<80xi32, #tpu.memory_space<vmem>>) semaphore(%arg21 : memref<!tpu.dma_semaphore, #tpu.memory_space<semaphore_mem>>)
    }
    %scan3A_246 = arith.constant 40 : i32
    %multiple_of3A_247 = arith.constant 19680 : i32
    %multiple_of3A_248 = tpu.assume_multiple %multiple_of3A_247, 80 : i32
    %dma_wait3A_249 = tpu.memref_slice %arg9[%multiple_of3A_248] : memref<20000xi32, #tpu.memory_space<vmem>> -> memref<80xi32, #tpu.memory_space<vmem>>
    %dma_wait3A_250 = arith.constant 0 : i32
    %dma_wait3A_251 = arith.constant 0 : i32
    %dma_wait3A_252 = tpu.memref_slice %arg2[%dma_wait3A_250, %dma_wait3A_251] : memref<20000x64xf32, #tpu.memory_space<hbm>> -> memref<20000x64xf32, #tpu.memory_space<hbm>>
    tpu.wait_indirect_dma semaphore(%arg18 : memref<!tpu.dma_semaphore, #tpu.memory_space<semaphore_mem>>) src(%dma_wait3A_252 : memref<20000x64xf32, #tpu.memory_space<hbm>>) dst(%arg11 : memref<80x64xf32, #tpu.memory_space<vmem>>)
    %multiple_of3A_253 = arith.constant 19680 : i32
    %multiple_of3A_254 = tpu.assume_multiple %multiple_of3A_253, 80 : i32
    %dma_start3A_255 = tpu.memref_slice %arg10[%multiple_of3A_254] : memref<20000xi32, #tpu.memory_space<vmem>> -> memref<80xi32, #tpu.memory_space<vmem>>
    %dma_start3A_256 = arith.constant 0 : i32
    %dma_start3A_257 = arith.constant 0 : i32
    %dma_start3A_258 = tpu.memref_slice %arg7[%dma_start3A_256, %dma_start3A_257] : memref<10000x64xf32, #tpu.memory_space<vmem_shared>> -> memref<10000x64xf32, #tpu.memory_space<vmem_shared>>
    tpu.enqueue_indirect_dma source(%arg11 : memref<80x64xf32, #tpu.memory_space<vmem>>) target(%dma_start3A_258 : memref<10000x64xf32, #tpu.memory_space<vmem_shared>>) offsets(%dma_start3A_255 : memref<80xi32, #tpu.memory_space<vmem>>) semaphore(%arg24 : memref<!tpu.dma_semaphore, #tpu.memory_space<semaphore_mem>>) {add = true}
    %multiple_of3A_259 = arith.constant 19680 : i32
    %multiple_of3A_260 = tpu.assume_multiple %multiple_of3A_259, 80 : i32
    %dma_start3A_261 = tpu.memref_slice %arg10[%multiple_of3A_260] : memref<20000xi32, #tpu.memory_space<vmem>> -> memref<80xi32, #tpu.memory_space<vmem>>
    %dma_start3A_262 = arith.constant 0 : i32
    %dma_start3A_263 = arith.constant 0 : i32
    %dma_start3A_264 = tpu.memref_slice %arg8[%dma_start3A_262, %dma_start3A_263] : memref<10000x16xf32, #tpu.memory_space<vmem_shared>> -> memref<10000x16xf32, #tpu.memory_space<vmem_shared>>
    tpu.enqueue_indirect_dma source(%arg17 : memref<80x16xf32, #tpu.memory_space<vmem>>) target(%dma_start3A_264 : memref<10000x16xf32, #tpu.memory_space<vmem_shared>>) offsets(%dma_start3A_261 : memref<80xi32, #tpu.memory_space<vmem>>) semaphore(%arg24 : memref<!tpu.dma_semaphore, #tpu.memory_space<semaphore_mem>>) {add = true}
    %multiple_of3A_265 = arith.constant 19760 : i32
    %multiple_of3A_266 = tpu.assume_multiple %multiple_of3A_265, 80 : i32
    %dma_wait3A_267 = tpu.memref_slice %arg9[%multiple_of3A_266] : memref<20000xi32, #tpu.memory_space<vmem>> -> memref<80xi32, #tpu.memory_space<vmem>>
    %dma_wait3A_268 = arith.constant 0 : i32
    %dma_wait3A_269 = arith.constant 0 : i32
    %dma_wait3A_270 = tpu.memref_slice %arg2[%dma_wait3A_268, %dma_wait3A_269] : memref<20000x64xf32, #tpu.memory_space<hbm>> -> memref<20000x64xf32, #tpu.memory_space<hbm>>
    tpu.wait_indirect_dma semaphore(%arg19 : memref<!tpu.dma_semaphore, #tpu.memory_space<semaphore_mem>>) src(%dma_wait3A_270 : memref<20000x64xf32, #tpu.memory_space<hbm>>) dst(%arg12 : memref<80x64xf32, #tpu.memory_space<vmem>>)
    %multiple_of3A_271 = arith.constant 19760 : i32
    %multiple_of3A_272 = tpu.assume_multiple %multiple_of3A_271, 80 : i32
    %dma_start3A_273 = tpu.memref_slice %arg10[%multiple_of3A_272] : memref<20000xi32, #tpu.memory_space<vmem>> -> memref<80xi32, #tpu.memory_space<vmem>>
    %dma_start3A_274 = arith.constant 0 : i32
    %dma_start3A_275 = arith.constant 0 : i32
    %dma_start3A_276 = tpu.memref_slice %arg7[%dma_start3A_274, %dma_start3A_275] : memref<10000x64xf32, #tpu.memory_space<vmem_shared>> -> memref<10000x64xf32, #tpu.memory_space<vmem_shared>>
    tpu.enqueue_indirect_dma source(%arg12 : memref<80x64xf32, #tpu.memory_space<vmem>>) target(%dma_start3A_276 : memref<10000x64xf32, #tpu.memory_space<vmem_shared>>) offsets(%dma_start3A_273 : memref<80xi32, #tpu.memory_space<vmem>>) semaphore(%arg25 : memref<!tpu.dma_semaphore, #tpu.memory_space<semaphore_mem>>) {add = true}
    %multiple_of3A_277 = arith.constant 19760 : i32
    %multiple_of3A_278 = tpu.assume_multiple %multiple_of3A_277, 80 : i32
    %dma_start3A_279 = tpu.memref_slice %arg10[%multiple_of3A_278] : memref<20000xi32, #tpu.memory_space<vmem>> -> memref<80xi32, #tpu.memory_space<vmem>>
    %dma_start3A_280 = arith.constant 0 : i32
    %dma_start3A_281 = arith.constant 0 : i32
    %dma_start3A_282 = tpu.memref_slice %arg8[%dma_start3A_280, %dma_start3A_281] : memref<10000x16xf32, #tpu.memory_space<vmem_shared>> -> memref<10000x16xf32, #tpu.memory_space<vmem_shared>>
    tpu.enqueue_indirect_dma source(%arg17 : memref<80x16xf32, #tpu.memory_space<vmem>>) target(%dma_start3A_282 : memref<10000x16xf32, #tpu.memory_space<vmem_shared>>) offsets(%dma_start3A_279 : memref<80xi32, #tpu.memory_space<vmem>>) semaphore(%arg25 : memref<!tpu.dma_semaphore, #tpu.memory_space<semaphore_mem>>) {add = true}
    %multiple_of3A_283 = arith.constant 19840 : i32
    %multiple_of3A_284 = tpu.assume_multiple %multiple_of3A_283, 80 : i32
    %dma_wait3A_285 = tpu.memref_slice %arg9[%multiple_of3A_284] : memref<20000xi32, #tpu.memory_space<vmem>> -> memref<80xi32, #tpu.memory_space<vmem>>
    %dma_wait3A_286 = arith.constant 0 : i32
    %dma_wait3A_287 = arith.constant 0 : i32
    %dma_wait3A_288 = tpu.memref_slice %arg2[%dma_wait3A_286, %dma_wait3A_287] : memref<20000x64xf32, #tpu.memory_space<hbm>> -> memref<20000x64xf32, #tpu.memory_space<hbm>>
    tpu.wait_indirect_dma semaphore(%arg20 : memref<!tpu.dma_semaphore, #tpu.memory_space<semaphore_mem>>) src(%dma_wait3A_288 : memref<20000x64xf32, #tpu.memory_space<hbm>>) dst(%arg13 : memref<80x64xf32, #tpu.memory_space<vmem>>)
    %multiple_of3A_289 = arith.constant 19840 : i32
    %multiple_of3A_290 = tpu.assume_multiple %multiple_of3A_289, 80 : i32
    %dma_start3A_291 = tpu.memref_slice %arg10[%multiple_of3A_290] : memref<20000xi32, #tpu.memory_space<vmem>> -> memref<80xi32, #tpu.memory_space<vmem>>
    %dma_start3A_292 = arith.constant 0 : i32
    %dma_start3A_293 = arith.constant 0 : i32
    %dma_start3A_294 = tpu.memref_slice %arg7[%dma_start3A_292, %dma_start3A_293] : memref<10000x64xf32, #tpu.memory_space<vmem_shared>> -> memref<10000x64xf32, #tpu.memory_space<vmem_shared>>
    tpu.enqueue_indirect_dma source(%arg13 : memref<80x64xf32, #tpu.memory_space<vmem>>) target(%dma_start3A_294 : memref<10000x64xf32, #tpu.memory_space<vmem_shared>>) offsets(%dma_start3A_291 : memref<80xi32, #tpu.memory_space<vmem>>) semaphore(%arg26 : memref<!tpu.dma_semaphore, #tpu.memory_space<semaphore_mem>>) {add = true}
    %multiple_of3A_295 = arith.constant 19840 : i32
    %multiple_of3A_296 = tpu.assume_multiple %multiple_of3A_295, 80 : i32
    %dma_start3A_297 = tpu.memref_slice %arg10[%multiple_of3A_296] : memref<20000xi32, #tpu.memory_space<vmem>> -> memref<80xi32, #tpu.memory_space<vmem>>
    %dma_start3A_298 = arith.constant 0 : i32
    %dma_start3A_299 = arith.constant 0 : i32
    %dma_start3A_300 = tpu.memref_slice %arg8[%dma_start3A_298, %dma_start3A_299] : memref<10000x16xf32, #tpu.memory_space<vmem_shared>> -> memref<10000x16xf32, #tpu.memory_space<vmem_shared>>
    tpu.enqueue_indirect_dma source(%arg17 : memref<80x16xf32, #tpu.memory_space<vmem>>) target(%dma_start3A_300 : memref<10000x16xf32, #tpu.memory_space<vmem_shared>>) offsets(%dma_start3A_297 : memref<80xi32, #tpu.memory_space<vmem>>) semaphore(%arg26 : memref<!tpu.dma_semaphore, #tpu.memory_space<semaphore_mem>>) {add = true}
    %multiple_of3A_301 = arith.constant 19920 : i32
    %multiple_of3A_302 = tpu.assume_multiple %multiple_of3A_301, 80 : i32
    %dma_wait3A_303 = tpu.memref_slice %arg9[%multiple_of3A_302] : memref<20000xi32, #tpu.memory_space<vmem>> -> memref<80xi32, #tpu.memory_space<vmem>>
    %dma_wait3A_304 = arith.constant 0 : i32
    %dma_wait3A_305 = arith.constant 0 : i32
    %dma_wait3A_306 = tpu.memref_slice %arg2[%dma_wait3A_304, %dma_wait3A_305] : memref<20000x64xf32, #tpu.memory_space<hbm>> -> memref<20000x64xf32, #tpu.memory_space<hbm>>
    tpu.wait_indirect_dma semaphore(%arg21 : memref<!tpu.dma_semaphore, #tpu.memory_space<semaphore_mem>>) src(%dma_wait3A_306 : memref<20000x64xf32, #tpu.memory_space<hbm>>) dst(%arg14 : memref<80x64xf32, #tpu.memory_space<vmem>>)
    %multiple_of3A_307 = arith.constant 19920 : i32
    %multiple_of3A_308 = tpu.assume_multiple %multiple_of3A_307, 80 : i32
    %dma_start3A_309 = tpu.memref_slice %arg10[%multiple_of3A_308] : memref<20000xi32, #tpu.memory_space<vmem>> -> memref<80xi32, #tpu.memory_space<vmem>>
    %dma_start3A_310 = arith.constant 0 : i32
    %dma_start3A_311 = arith.constant 0 : i32
    %dma_start3A_312 = tpu.memref_slice %arg7[%dma_start3A_310, %dma_start3A_311] : memref<10000x64xf32, #tpu.memory_space<vmem_shared>> -> memref<10000x64xf32, #tpu.memory_space<vmem_shared>>
    tpu.enqueue_indirect_dma source(%arg14 : memref<80x64xf32, #tpu.memory_space<vmem>>) target(%dma_start3A_312 : memref<10000x64xf32, #tpu.memory_space<vmem_shared>>) offsets(%dma_start3A_309 : memref<80xi32, #tpu.memory_space<vmem>>) semaphore(%arg27 : memref<!tpu.dma_semaphore, #tpu.memory_space<semaphore_mem>>) {add = true}
    %multiple_of3A_313 = arith.constant 19920 : i32
    %multiple_of3A_314 = tpu.assume_multiple %multiple_of3A_313, 80 : i32
    %dma_start3A_315 = tpu.memref_slice %arg10[%multiple_of3A_314] : memref<20000xi32, #tpu.memory_space<vmem>> -> memref<80xi32, #tpu.memory_space<vmem>>
    %dma_start3A_316 = arith.constant 0 : i32
    %dma_start3A_317 = arith.constant 0 : i32
    %dma_start3A_318 = tpu.memref_slice %arg8[%dma_start3A_316, %dma_start3A_317] : memref<10000x16xf32, #tpu.memory_space<vmem_shared>> -> memref<10000x16xf32, #tpu.memory_space<vmem_shared>>
    tpu.enqueue_indirect_dma source(%arg17 : memref<80x16xf32, #tpu.memory_space<vmem>>) target(%dma_start3A_318 : memref<10000x16xf32, #tpu.memory_space<vmem_shared>>) offsets(%dma_start3A_315 : memref<80xi32, #tpu.memory_space<vmem>>) semaphore(%arg27 : memref<!tpu.dma_semaphore, #tpu.memory_space<semaphore_mem>>) {add = true}
    %multiple_of3A_319 = arith.constant 19520 : i32
    %multiple_of3A_320 = tpu.assume_multiple %multiple_of3A_319, 80 : i32
    %dma_wait3A_321 = tpu.memref_slice %arg10[%multiple_of3A_320] : memref<20000xi32, #tpu.memory_space<vmem>> -> memref<80xi32, #tpu.memory_space<vmem>>
    %dma_wait3A_322 = arith.constant 0 : i32
    %dma_wait3A_323 = arith.constant 0 : i32
    %dma_wait3A_324 = tpu.memref_slice %arg7[%dma_wait3A_322, %dma_wait3A_323] : memref<10000x64xf32, #tpu.memory_space<vmem_shared>> -> memref<10000x64xf32, #tpu.memory_space<vmem_shared>>
    tpu.wait_indirect_dma semaphore(%arg28 : memref<!tpu.dma_semaphore, #tpu.memory_space<semaphore_mem>>) src(%arg15 : memref<80x64xf32, #tpu.memory_space<vmem>>) dst(%dma_wait3A_324 : memref<10000x64xf32, #tpu.memory_space<vmem_shared>>)
    %multiple_of3A_325 = arith.constant 19520 : i32
    %multiple_of3A_326 = tpu.assume_multiple %multiple_of3A_325, 80 : i32
    %dma_wait3A_327 = tpu.memref_slice %arg10[%multiple_of3A_326] : memref<20000xi32, #tpu.memory_space<vmem>> -> memref<80xi32, #tpu.memory_space<vmem>>
    %dma_wait3A_328 = arith.constant 0 : i32
    %dma_wait3A_329 = arith.constant 0 : i32
    %dma_wait3A_330 = tpu.memref_slice %arg8[%dma_wait3A_328, %dma_wait3A_329] : memref<10000x16xf32, #tpu.memory_space<vmem_shared>> -> memref<10000x16xf32, #tpu.memory_space<vmem_shared>>
    tpu.wait_indirect_dma semaphore(%arg28 : memref<!tpu.dma_semaphore, #tpu.memory_space<semaphore_mem>>) src(%arg17 : memref<80x16xf32, #tpu.memory_space<vmem>>) dst(%dma_wait3A_330 : memref<10000x16xf32, #tpu.memory_space<vmem_shared>>)
    %multiple_of3A_331 = arith.constant 19600 : i32
    %multiple_of3A_332 = tpu.assume_multiple %multiple_of3A_331, 80 : i32
    %dma_wait3A_333 = tpu.memref_slice %arg10[%multiple_of3A_332] : memref<20000xi32, #tpu.memory_space<vmem>> -> memref<80xi32, #tpu.memory_space<vmem>>
    %dma_wait3A_334 = arith.constant 0 : i32
    %dma_wait3A_335 = arith.constant 0 : i32
    %dma_wait3A_336 = tpu.memref_slice %arg7[%dma_wait3A_334, %dma_wait3A_335] : memref<10000x64xf32, #tpu.memory_space<vmem_shared>> -> memref<10000x64xf32, #tpu.memory_space<vmem_shared>>
    tpu.wait_indirect_dma semaphore(%arg29 : memref<!tpu.dma_semaphore, #tpu.memory_space<semaphore_mem>>) src(%arg16 : memref<80x64xf32, #tpu.memory_space<vmem>>) dst(%dma_wait3A_336 : memref<10000x64xf32, #tpu.memory_space<vmem_shared>>)
    %multiple_of3A_337 = arith.constant 19600 : i32
    %multiple_of3A_338 = tpu.assume_multiple %multiple_of3A_337, 80 : i32
    %dma_wait3A_339 = tpu.memref_slice %arg10[%multiple_of3A_338] : memref<20000xi32, #tpu.memory_space<vmem>> -> memref<80xi32, #tpu.memory_space<vmem>>
    %dma_wait3A_340 = arith.constant 0 : i32
    %dma_wait3A_341 = arith.constant 0 : i32
    %dma_wait3A_342 = tpu.memref_slice %arg8[%dma_wait3A_340, %dma_wait3A_341] : memref<10000x16xf32, #tpu.memory_space<vmem_shared>> -> memref<10000x16xf32, #tpu.memory_space<vmem_shared>>
    tpu.wait_indirect_dma semaphore(%arg29 : memref<!tpu.dma_semaphore, #tpu.memory_space<semaphore_mem>>) src(%arg17 : memref<80x16xf32, #tpu.memory_space<vmem>>) dst(%dma_wait3A_342 : memref<10000x16xf32, #tpu.memory_space<vmem_shared>>)
    %multiple_of3A_343 = arith.constant 19680 : i32
    %multiple_of3A_344 = tpu.assume_multiple %multiple_of3A_343, 80 : i32
    %dma_wait3A_345 = tpu.memref_slice %arg10[%multiple_of3A_344] : memref<20000xi32, #tpu.memory_space<vmem>> -> memref<80xi32, #tpu.memory_space<vmem>>
    %dma_wait3A_346 = arith.constant 0 : i32
    %dma_wait3A_347 = arith.constant 0 : i32
    %dma_wait3A_348 = tpu.memref_slice %arg7[%dma_wait3A_346, %dma_wait3A_347] : memref<10000x64xf32, #tpu.memory_space<vmem_shared>> -> memref<10000x64xf32, #tpu.memory_space<vmem_shared>>
    tpu.wait_indirect_dma semaphore(%arg24 : memref<!tpu.dma_semaphore, #tpu.memory_space<semaphore_mem>>) src(%arg11 : memref<80x64xf32, #tpu.memory_space<vmem>>) dst(%dma_wait3A_348 : memref<10000x64xf32, #tpu.memory_space<vmem_shared>>)
    %multiple_of3A_349 = arith.constant 19680 : i32
    %multiple_of3A_350 = tpu.assume_multiple %multiple_of3A_349, 80 : i32
    %dma_wait3A_351 = tpu.memref_slice %arg10[%multiple_of3A_350] : memref<20000xi32, #tpu.memory_space<vmem>> -> memref<80xi32, #tpu.memory_space<vmem>>
    %dma_wait3A_352 = arith.constant 0 : i32
    %dma_wait3A_353 = arith.constant 0 : i32
    %dma_wait3A_354 = tpu.memref_slice %arg8[%dma_wait3A_352, %dma_wait3A_353] : memref<10000x16xf32, #tpu.memory_space<vmem_shared>> -> memref<10000x16xf32, #tpu.memory_space<vmem_shared>>
    tpu.wait_indirect_dma semaphore(%arg24 : memref<!tpu.dma_semaphore, #tpu.memory_space<semaphore_mem>>) src(%arg17 : memref<80x16xf32, #tpu.memory_space<vmem>>) dst(%dma_wait3A_354 : memref<10000x16xf32, #tpu.memory_space<vmem_shared>>)
    %multiple_of3A_355 = arith.constant 19760 : i32
    %multiple_of3A_356 = tpu.assume_multiple %multiple_of3A_355, 80 : i32
    %dma_wait3A_357 = tpu.memref_slice %arg10[%multiple_of3A_356] : memref<20000xi32, #tpu.memory_space<vmem>> -> memref<80xi32, #tpu.memory_space<vmem>>
    %dma_wait3A_358 = arith.constant 0 : i32
    %dma_wait3A_359 = arith.constant 0 : i32
    %dma_wait3A_360 = tpu.memref_slice %arg7[%dma_wait3A_358, %dma_wait3A_359] : memref<10000x64xf32, #tpu.memory_space<vmem_shared>> -> memref<10000x64xf32, #tpu.memory_space<vmem_shared>>
    tpu.wait_indirect_dma semaphore(%arg25 : memref<!tpu.dma_semaphore, #tpu.memory_space<semaphore_mem>>) src(%arg12 : memref<80x64xf32, #tpu.memory_space<vmem>>) dst(%dma_wait3A_360 : memref<10000x64xf32, #tpu.memory_space<vmem_shared>>)
    %multiple_of3A_361 = arith.constant 19760 : i32
    %multiple_of3A_362 = tpu.assume_multiple %multiple_of3A_361, 80 : i32
    %dma_wait3A_363 = tpu.memref_slice %arg10[%multiple_of3A_362] : memref<20000xi32, #tpu.memory_space<vmem>> -> memref<80xi32, #tpu.memory_space<vmem>>
    %dma_wait3A_364 = arith.constant 0 : i32
    %dma_wait3A_365 = arith.constant 0 : i32
    %dma_wait3A_366 = tpu.memref_slice %arg8[%dma_wait3A_364, %dma_wait3A_365] : memref<10000x16xf32, #tpu.memory_space<vmem_shared>> -> memref<10000x16xf32, #tpu.memory_space<vmem_shared>>
    tpu.wait_indirect_dma semaphore(%arg25 : memref<!tpu.dma_semaphore, #tpu.memory_space<semaphore_mem>>) src(%arg17 : memref<80x16xf32, #tpu.memory_space<vmem>>) dst(%dma_wait3A_366 : memref<10000x16xf32, #tpu.memory_space<vmem_shared>>)
    %multiple_of3A_367 = arith.constant 19840 : i32
    %multiple_of3A_368 = tpu.assume_multiple %multiple_of3A_367, 80 : i32
    %dma_wait3A_369 = tpu.memref_slice %arg10[%multiple_of3A_368] : memref<20000xi32, #tpu.memory_space<vmem>> -> memref<80xi32, #tpu.memory_space<vmem>>
    %dma_wait3A_370 = arith.constant 0 : i32
    %dma_wait3A_371 = arith.constant 0 : i32
    %dma_wait3A_372 = tpu.memref_slice %arg7[%dma_wait3A_370, %dma_wait3A_371] : memref<10000x64xf32, #tpu.memory_space<vmem_shared>> -> memref<10000x64xf32, #tpu.memory_space<vmem_shared>>
    tpu.wait_indirect_dma semaphore(%arg26 : memref<!tpu.dma_semaphore, #tpu.memory_space<semaphore_mem>>) src(%arg13 : memref<80x64xf32, #tpu.memory_space<vmem>>) dst(%dma_wait3A_372 : memref<10000x64xf32, #tpu.memory_space<vmem_shared>>)
    %multiple_of3A_373 = arith.constant 19840 : i32
    %multiple_of3A_374 = tpu.assume_multiple %multiple_of3A_373, 80 : i32
    %dma_wait3A_375 = tpu.memref_slice %arg10[%multiple_of3A_374] : memref<20000xi32, #tpu.memory_space<vmem>> -> memref<80xi32, #tpu.memory_space<vmem>>
    %dma_wait3A_376 = arith.constant 0 : i32
    %dma_wait3A_377 = arith.constant 0 : i32
    %dma_wait3A_378 = tpu.memref_slice %arg8[%dma_wait3A_376, %dma_wait3A_377] : memref<10000x16xf32, #tpu.memory_space<vmem_shared>> -> memref<10000x16xf32, #tpu.memory_space<vmem_shared>>
    tpu.wait_indirect_dma semaphore(%arg26 : memref<!tpu.dma_semaphore, #tpu.memory_space<semaphore_mem>>) src(%arg17 : memref<80x16xf32, #tpu.memory_space<vmem>>) dst(%dma_wait3A_378 : memref<10000x16xf32, #tpu.memory_space<vmem_shared>>)
    %multiple_of3A_379 = arith.constant 19920 : i32
    %multiple_of3A_380 = tpu.assume_multiple %multiple_of3A_379, 80 : i32
    %dma_wait3A_381 = tpu.memref_slice %arg10[%multiple_of3A_380] : memref<20000xi32, #tpu.memory_space<vmem>> -> memref<80xi32, #tpu.memory_space<vmem>>
    %dma_wait3A_382 = arith.constant 0 : i32
    %dma_wait3A_383 = arith.constant 0 : i32
    %dma_wait3A_384 = tpu.memref_slice %arg7[%dma_wait3A_382, %dma_wait3A_383] : memref<10000x64xf32, #tpu.memory_space<vmem_shared>> -> memref<10000x64xf32, #tpu.memory_space<vmem_shared>>
    tpu.wait_indirect_dma semaphore(%arg27 : memref<!tpu.dma_semaphore, #tpu.memory_space<semaphore_mem>>) src(%arg14 : memref<80x64xf32, #tpu.memory_space<vmem>>) dst(%dma_wait3A_384 : memref<10000x64xf32, #tpu.memory_space<vmem_shared>>)
    %multiple_of3A_385 = arith.constant 19920 : i32
    %multiple_of3A_386 = tpu.assume_multiple %multiple_of3A_385, 80 : i32
    %dma_wait3A_387 = tpu.memref_slice %arg10[%multiple_of3A_386] : memref<20000xi32, #tpu.memory_space<vmem>> -> memref<80xi32, #tpu.memory_space<vmem>>
    %dma_wait3A_388 = arith.constant 0 : i32
    %dma_wait3A_389 = arith.constant 0 : i32
    %dma_wait3A_390 = tpu.memref_slice %arg8[%dma_wait3A_388, %dma_wait3A_389] : memref<10000x16xf32, #tpu.memory_space<vmem_shared>> -> memref<10000x16xf32, #tpu.memory_space<vmem_shared>>
    tpu.wait_indirect_dma semaphore(%arg27 : memref<!tpu.dma_semaphore, #tpu.memory_space<semaphore_mem>>) src(%arg17 : memref<80x16xf32, #tpu.memory_space<vmem>>) dst(%dma_wait3A_390 : memref<10000x16xf32, #tpu.memory_space<vmem_shared>>)
    %barrier3A_391 = arith.constant 0 : index
    tpu.barrier barrier_id(%barrier3A_391)
    %add3A_392 = arith.constant 0 : i32
    %add3A_393 = arith.addi %mul3A_4, %add3A_392 : i32
    "tpu.region"() ({
      %run_scoped3A_474 = tpu.sem_alloc : memref<!tpu.dma_semaphore, #tpu.memory_space<semaphore_mem>>
      %dma_start3A_475 = arith.constant 0 : i32
      %dma_start3A_476 = arith.constant 0 : i32
      %dma_start3A_477 = tpu.memref_slice %arg11[%dma_start3A_475, %dma_start3A_476] : memref<80x64xf32, #tpu.memory_space<vmem>> -> memref<80x64xf32, #tpu.memory_space<vmem>>
      %dma_start3A_478 = arith.constant 0 : i32
      %dma_start3A_479 = tpu.memref_slice %arg7[%add3A_393, %dma_start3A_478] : memref<10000x64xf32, #tpu.memory_space<vmem_shared>> -> memref<80x64xf32, #tpu.memory_space<vmem_shared>>
      %dma_start3A_480 = arith.constant 0 : i32
      %dma_start3A_481 = arith.constant 0 : i32
      %dma_start3A_482 = tpu.memref_slice %arg11[%dma_start3A_480, %dma_start3A_481] : memref<80x64xf32, #tpu.memory_space<vmem>> -> memref<80x64xf32, #tpu.memory_space<vmem>>
      %dma_start3A_483 = arith.constant 0 : i32
      %dma_start3A_484 = tpu.memref_slice %arg7[%add3A_393, %dma_start3A_483] : memref<10000x64xf32, #tpu.memory_space<vmem_shared>> -> memref<80x64xf32, #tpu.memory_space<vmem_shared>>
      tpu.enqueue_dma source(%dma_start3A_484 : memref<80x64xf32, #tpu.memory_space<vmem_shared>>) target(%dma_start3A_482 : memref<80x64xf32, #tpu.memory_space<vmem>>) target_semaphore(%run_scoped3A_474 : memref<!tpu.dma_semaphore, #tpu.memory_space<semaphore_mem>>)
      %dma_wait3A_485 = arith.constant 0 : i32
      %dma_wait3A_486 = arith.constant 0 : i32
      %dma_wait3A_487 = tpu.memref_slice %arg11[%dma_wait3A_485, %dma_wait3A_486] : memref<80x64xf32, #tpu.memory_space<vmem>> -> memref<80x64xf32, #tpu.memory_space<vmem>>
      %dma_wait3A_488 = arith.constant 0 : i32
      %dma_wait3A_489 = tpu.memref_slice %arg7[%add3A_393, %dma_wait3A_488] : memref<10000x64xf32, #tpu.memory_space<vmem_shared>> -> memref<80x64xf32, #tpu.memory_space<vmem_shared>>
      %dma_wait3A_490 = arith.constant 0 : i32
      %dma_wait3A_491 = arith.constant 0 : i32
      %dma_wait3A_492 = tpu.memref_slice %arg11[%dma_wait3A_490, %dma_wait3A_491] : memref<80x64xf32, #tpu.memory_space<vmem>> -> memref<80x64xf32, #tpu.memory_space<vmem>>
      %dma_wait3A_493 = arith.constant 0 : i32
      %dma_wait3A_494 = tpu.memref_slice %arg7[%add3A_393, %dma_wait3A_493] : memref<10000x64xf32, #tpu.memory_space<vmem_shared>> -> memref<80x64xf32, #tpu.memory_space<vmem_shared>>
      tpu.wait_dma2 semaphore(%run_scoped3A_474 : memref<!tpu.dma_semaphore, #tpu.memory_space<semaphore_mem>>) src(%dma_wait3A_494 : memref<80x64xf32, #tpu.memory_space<vmem_shared>>) dst(%dma_wait3A_492 : memref<80x64xf32, #tpu.memory_space<vmem>>)
      tpu.yield
    }) : () -> ()
    "tpu.region"() ({
      %run_scoped3A_474 = tpu.sem_alloc : memref<!tpu.dma_semaphore, #tpu.memory_space<semaphore_mem>>
      %dma_start3A_475 = arith.constant 0 : i32
      %dma_start3A_476 = arith.constant 0 : i32
      %dma_start3A_477 = tpu.memref_slice %arg17[%dma_start3A_475, %dma_start3A_476] : memref<80x16xf32, #tpu.memory_space<vmem>> -> memref<80x16xf32, #tpu.memory_space<vmem>>
      %dma_start3A_478 = arith.constant 0 : i32
      %dma_start3A_479 = tpu.memref_slice %arg8[%add3A_393, %dma_start3A_478] : memref<10000x16xf32, #tpu.memory_space<vmem_shared>> -> memref<80x16xf32, #tpu.memory_space<vmem_shared>>
      %dma_start3A_480 = arith.constant 0 : i32
      %dma_start3A_481 = arith.constant 0 : i32
      %dma_start3A_482 = tpu.memref_slice %arg17[%dma_start3A_480, %dma_start3A_481] : memref<80x16xf32, #tpu.memory_space<vmem>> -> memref<80x16xf32, #tpu.memory_space<vmem>>
      %dma_start3A_483 = arith.constant 0 : i32
      %dma_start3A_484 = tpu.memref_slice %arg8[%add3A_393, %dma_start3A_483] : memref<10000x16xf32, #tpu.memory_space<vmem_shared>> -> memref<80x16xf32, #tpu.memory_space<vmem_shared>>
      tpu.enqueue_dma source(%dma_start3A_484 : memref<80x16xf32, #tpu.memory_space<vmem_shared>>) target(%dma_start3A_482 : memref<80x16xf32, #tpu.memory_space<vmem>>) target_semaphore(%run_scoped3A_474 : memref<!tpu.dma_semaphore, #tpu.memory_space<semaphore_mem>>)
      %dma_wait3A_485 = arith.constant 0 : i32
      %dma_wait3A_486 = arith.constant 0 : i32
      %dma_wait3A_487 = tpu.memref_slice %arg17[%dma_wait3A_485, %dma_wait3A_486] : memref<80x16xf32, #tpu.memory_space<vmem>> -> memref<80x16xf32, #tpu.memory_space<vmem>>
      %dma_wait3A_488 = arith.constant 0 : i32
      %dma_wait3A_489 = tpu.memref_slice %arg8[%add3A_393, %dma_wait3A_488] : memref<10000x16xf32, #tpu.memory_space<vmem_shared>> -> memref<80x16xf32, #tpu.memory_space<vmem_shared>>
      %dma_wait3A_490 = arith.constant 0 : i32
      %dma_wait3A_491 = arith.constant 0 : i32
      %dma_wait3A_492 = tpu.memref_slice %arg17[%dma_wait3A_490, %dma_wait3A_491] : memref<80x16xf32, #tpu.memory_space<vmem>> -> memref<80x16xf32, #tpu.memory_space<vmem>>
      %dma_wait3A_493 = arith.constant 0 : i32
      %dma_wait3A_494 = tpu.memref_slice %arg8[%add3A_393, %dma_wait3A_493] : memref<10000x16xf32, #tpu.memory_space<vmem_shared>> -> memref<80x16xf32, #tpu.memory_space<vmem_shared>>
      tpu.wait_dma2 semaphore(%run_scoped3A_474 : memref<!tpu.dma_semaphore, #tpu.memory_space<semaphore_mem>>) src(%dma_wait3A_494 : memref<80x16xf32, #tpu.memory_space<vmem_shared>>) dst(%dma_wait3A_492 : memref<80x16xf32, #tpu.memory_space<vmem>>)
      tpu.yield
    }) : () -> ()
    %scan3A_394 = arith.constant 0 : i32
    %scan3A_395 = arith.constant 80 : i32
    %scan3A_396 = arith.addi %scan3A_394, %scan3A_395 : i32
    %scan3A_397 = arith.constant 1 : i32
    scf.for %scan3A_474 = %scan3A_394 to %scan3A_396 step %scan3A_397  : i32 {
      %mul3A_475 = arith.constant 1 : i32
      %mul3A_476 = arith.muli %scan3A_474, %mul3A_475 : i32
      %add3A_477 = arith.constant 0 : i32
      %add3A_478 = arith.addi %add3A_477, %mul3A_476 : i32
      %get3A = arith.index_cast %add3A_478 : i32 to index
      %get3A_479 = arith.constant 0 : index
      %get3A_480 = tpu.vector_load %arg17[%get3A, %get3A_479] {strides = array<i32>} : memref<80x16xf32, #tpu.memory_space<vmem>>, vector<1x16xf32>,
      %get3A_481 = vector.shape_cast %get3A_480 : vector<1x16xf32> to vector<16xf32>
      %broadcast_in_dim3A = arith.constant 1.000000e+00 : f32
      %broadcast_in_dim3A_482 = vector.broadcast %broadcast_in_dim3A : f32 to vector<16xf32>
      %max3A = arith.maximumf %get3A_481, %broadcast_in_dim3A_482 : vector<16xf32>
      %get3A_483 = arith.index_cast %add3A_478 : i32 to index
      %get3A_484 = arith.constant 0 : index
      %get3A_485 = tpu.vector_load %arg11[%get3A_483, %get3A_484] {strides = array<i32>} : memref<80x64xf32, #tpu.memory_space<vmem>>, vector<1x16xf32>,
      %get3A_486 = vector.shape_cast %get3A_485 : vector<1x16xf32> to vector<16xf32>
      %div3A = arith.divf %get3A_486, %max3A : vector<16xf32>
      %swap3A = arith.index_cast %add3A_478 : i32 to index
      %swap3A_487 = arith.constant 0 : index
      %swap3A_488 = tpu.vector_load %arg11[%swap3A, %swap3A_487] {strides = array<i32>} : memref<80x64xf32, #tpu.memory_space<vmem>>, vector<1x16xf32>,
      %swap3A_489 = vector.shape_cast %swap3A_488 : vector<1x16xf32> to vector<16xf32>
      %swap3A_490 = vector.shape_cast %div3A : vector<16xf32> to vector<1x16xf32>
      tpu.vector_store %arg11[%swap3A, %swap3A_487], %swap3A_490 {strides = array<i32>} : memref<80x64xf32, #tpu.memory_space<vmem>>, vector<1x16xf32>,
      %get3A_491 = arith.index_cast %add3A_478 : i32 to index
      %get3A_492 = arith.constant 16 : index
      %get3A_493 = tpu.vector_load %arg11[%get3A_491, %get3A_492] {strides = array<i32>} : memref<80x64xf32, #tpu.memory_space<vmem>>, vector<1x16xf32>,
      %get3A_494 = vector.shape_cast %get3A_493 : vector<1x16xf32> to vector<16xf32>
      %div3A_495 = arith.divf %get3A_494, %max3A : vector<16xf32>
      %swap3A_496 = arith.index_cast %add3A_478 : i32 to index
      %swap3A_497 = arith.constant 16 : index
      %swap3A_498 = tpu.vector_load %arg11[%swap3A_496, %swap3A_497] {strides = array<i32>} : memref<80x64xf32, #tpu.memory_space<vmem>>, vector<1x16xf32>,
      %swap3A_499 = vector.shape_cast %swap3A_498 : vector<1x16xf32> to vector<16xf32>
      %swap3A_500 = vector.shape_cast %div3A_495 : vector<16xf32> to vector<1x16xf32>
      tpu.vector_store %arg11[%swap3A_496, %swap3A_497], %swap3A_500 {strides = array<i32>} : memref<80x64xf32, #tpu.memory_space<vmem>>, vector<1x16xf32>,
      %get3A_501 = arith.index_cast %add3A_478 : i32 to index
      %get3A_502 = arith.constant 32 : index
      %get3A_503 = tpu.vector_load %arg11[%get3A_501, %get3A_502] {strides = array<i32>} : memref<80x64xf32, #tpu.memory_space<vmem>>, vector<1x16xf32>,
      %get3A_504 = vector.shape_cast %get3A_503 : vector<1x16xf32> to vector<16xf32>
      %div3A_505 = arith.divf %get3A_504, %max3A : vector<16xf32>
      %swap3A_506 = arith.index_cast %add3A_478 : i32 to index
      %swap3A_507 = arith.constant 32 : index
      %swap3A_508 = tpu.vector_load %arg11[%swap3A_506, %swap3A_507] {strides = array<i32>} : memref<80x64xf32, #tpu.memory_space<vmem>>, vector<1x16xf32>,
      %swap3A_509 = vector.shape_cast %swap3A_508 : vector<1x16xf32> to vector<16xf32>
      %swap3A_510 = vector.shape_cast %div3A_505 : vector<16xf32> to vector<1x16xf32>
      tpu.vector_store %arg11[%swap3A_506, %swap3A_507], %swap3A_510 {strides = array<i32>} : memref<80x64xf32, #tpu.memory_space<vmem>>, vector<1x16xf32>,
      %get3A_511 = arith.index_cast %add3A_478 : i32 to index
      %get3A_512 = arith.constant 48 : index
      %get3A_513 = tpu.vector_load %arg11[%get3A_511, %get3A_512] {strides = array<i32>} : memref<80x64xf32, #tpu.memory_space<vmem>>, vector<1x16xf32>,
      %get3A_514 = vector.shape_cast %get3A_513 : vector<1x16xf32> to vector<16xf32>
      %div3A_515 = arith.divf %get3A_514, %max3A : vector<16xf32>
      %swap3A_516 = arith.index_cast %add3A_478 : i32 to index
      %swap3A_517 = arith.constant 48 : index
      %swap3A_518 = tpu.vector_load %arg11[%swap3A_516, %swap3A_517] {strides = array<i32>} : memref<80x64xf32, #tpu.memory_space<vmem>>, vector<1x16xf32>,
      %swap3A_519 = vector.shape_cast %swap3A_518 : vector<1x16xf32> to vector<16xf32>
      %swap3A_520 = vector.shape_cast %div3A_515 : vector<16xf32> to vector<1x16xf32>
      tpu.vector_store %arg11[%swap3A_516, %swap3A_517], %swap3A_520 {strides = array<i32>} : memref<80x64xf32, #tpu.memory_space<vmem>>, vector<1x16xf32>,
    }
    %scan3A_398 = arith.constant 80 : i32
    %mul3A_399 = arith.constant 64 : i32
    %mul3A_400 = arith.muli %arg0, %mul3A_399 : i32
    %multiple_of3A_401 = tpu.assume_multiple %mul3A_400, 64 : i32
    "tpu.region"() ({
      %run_scoped3A_474 = tpu.sem_alloc : memref<!tpu.dma_semaphore, #tpu.memory_space<semaphore_mem>>
      %dma_start3A_475 = arith.constant 0 : i32
      %dma_start3A_476 = arith.constant 0 : i32
      %dma_start3A_477 = tpu.memref_slice %arg11[%dma_start3A_475, %dma_start3A_476] : memref<80x64xf32, #tpu.memory_space<vmem>> -> memref<80x64xf32, #tpu.memory_space<vmem>>
      %dma_start3A_478 = tpu.memref_slice %arg6[%add3A_393, %multiple_of3A_401] : memref<10000x128xf32, #tpu.memory_space<hbm>> -> memref<80x64xf32, #tpu.memory_space<hbm>>
      %dma_start3A_479 = tpu.memref_slice %arg6[%add3A_393, %multiple_of3A_401] : memref<10000x128xf32, #tpu.memory_space<hbm>> -> memref<80x64xf32, #tpu.memory_space<hbm>>
      %dma_start3A_480 = arith.constant 0 : i32
      %dma_start3A_481 = arith.constant 0 : i32
      %dma_start3A_482 = tpu.memref_slice %arg11[%dma_start3A_480, %dma_start3A_481] : memref<80x64xf32, #tpu.memory_space<vmem>> -> memref<80x64xf32, #tpu.memory_space<vmem>>
      tpu.enqueue_dma source(%dma_start3A_482 : memref<80x64xf32, #tpu.memory_space<vmem>>) target(%dma_start3A_479 : memref<80x64xf32, #tpu.memory_space<hbm>>) target_semaphore(%run_scoped3A_474 : memref<!tpu.dma_semaphore, #tpu.memory_space<semaphore_mem>>)
      %dma_wait3A_483 = arith.constant 0 : i32
      %dma_wait3A_484 = arith.constant 0 : i32
      %dma_wait3A_485 = tpu.memref_slice %arg11[%dma_wait3A_483, %dma_wait3A_484] : memref<80x64xf32, #tpu.memory_space<vmem>> -> memref<80x64xf32, #tpu.memory_space<vmem>>
      %dma_wait3A_486 = tpu.memref_slice %arg6[%add3A_393, %multiple_of3A_401] : memref<10000x128xf32, #tpu.memory_space<hbm>> -> memref<80x64xf32, #tpu.memory_space<hbm>>
      %dma_wait3A_487 = tpu.memref_slice %arg6[%add3A_393, %multiple_of3A_401] : memref<10000x128xf32, #tpu.memory_space<hbm>> -> memref<80x64xf32, #tpu.memory_space<hbm>>
      %dma_wait3A_488 = arith.constant 0 : i32
      %dma_wait3A_489 = arith.constant 0 : i32
      %dma_wait3A_490 = tpu.memref_slice %arg11[%dma_wait3A_488, %dma_wait3A_489] : memref<80x64xf32, #tpu.memory_space<vmem>> -> memref<80x64xf32, #tpu.memory_space<vmem>>
      tpu.wait_dma2 semaphore(%run_scoped3A_474 : memref<!tpu.dma_semaphore, #tpu.memory_space<semaphore_mem>>) src(%dma_wait3A_490 : memref<80x64xf32, #tpu.memory_space<vmem>>) dst(%dma_wait3A_487 : memref<80x64xf32, #tpu.memory_space<hbm>>)
      tpu.yield
    }) : () -> ()
    %add3A_402 = arith.constant 80 : i32
    %add3A_403 = arith.addi %mul3A_4, %add3A_402 : i32
    "tpu.region"() ({
      %run_scoped3A_474 = tpu.sem_alloc : memref<!tpu.dma_semaphore, #tpu.memory_space<semaphore_mem>>
      %dma_start3A_475 = arith.constant 0 : i32
      %dma_start3A_476 = arith.constant 0 : i32
      %dma_start3A_477 = tpu.memref_slice %arg12[%dma_start3A_475, %dma_start3A_476] : memref<80x64xf32, #tpu.memory_space<vmem>> -> memref<80x64xf32, #tpu.memory_space<vmem>>
      %dma_start3A_478 = arith.constant 0 : i32
      %dma_start3A_479 = tpu.memref_slice %arg7[%add3A_403, %dma_start3A_478] : memref<10000x64xf32, #tpu.memory_space<vmem_shared>> -> memref<80x64xf32, #tpu.memory_space<vmem_shared>>
      %dma_start3A_480 = arith.constant 0 : i32
      %dma_start3A_481 = arith.constant 0 : i32
      %dma_start3A_482 = tpu.memref_slice %arg12[%dma_start3A_480, %dma_start3A_481] : memref<80x64xf32, #tpu.memory_space<vmem>> -> memref<80x64xf32, #tpu.memory_space<vmem>>
      %dma_start3A_483 = arith.constant 0 : i32
      %dma_start3A_484 = tpu.memref_slice %arg7[%add3A_403, %dma_start3A_483] : memref<10000x64xf32, #tpu.memory_space<vmem_shared>> -> memref<80x64xf32, #tpu.memory_space<vmem_shared>>
      tpu.enqueue_dma source(%dma_start3A_484 : memref<80x64xf32, #tpu.memory_space<vmem_shared>>) target(%dma_start3A_482 : memref<80x64xf32, #tpu.memory_space<vmem>>) target_semaphore(%run_scoped3A_474 : memref<!tpu.dma_semaphore, #tpu.memory_space<semaphore_mem>>)
      %dma_wait3A_485 = arith.constant 0 : i32
      %dma_wait3A_486 = arith.constant 0 : i32
      %dma_wait3A_487 = tpu.memref_slice %arg12[%dma_wait3A_485, %dma_wait3A_486] : memref<80x64xf32, #tpu.memory_space<vmem>> -> memref<80x64xf32, #tpu.memory_space<vmem>>
      %dma_wait3A_488 = arith.constant 0 : i32
      %dma_wait3A_489 = tpu.memref_slice %arg7[%add3A_403, %dma_wait3A_488] : memref<10000x64xf32, #tpu.memory_space<vmem_shared>> -> memref<80x64xf32, #tpu.memory_space<vmem_shared>>
      %dma_wait3A_490 = arith.constant 0 : i32
      %dma_wait3A_491 = arith.constant 0 : i32
      %dma_wait3A_492 = tpu.memref_slice %arg12[%dma_wait3A_490, %dma_wait3A_491] : memref<80x64xf32, #tpu.memory_space<vmem>> -> memref<80x64xf32, #tpu.memory_space<vmem>>
      %dma_wait3A_493 = arith.constant 0 : i32
      %dma_wait3A_494 = tpu.memref_slice %arg7[%add3A_403, %dma_wait3A_493] : memref<10000x64xf32, #tpu.memory_space<vmem_shared>> -> memref<80x64xf32, #tpu.memory_space<vmem_shared>>
      tpu.wait_dma2 semaphore(%run_scoped3A_474 : memref<!tpu.dma_semaphore, #tpu.memory_space<semaphore_mem>>) src(%dma_wait3A_494 : memref<80x64xf32, #tpu.memory_space<vmem_shared>>) dst(%dma_wait3A_492 : memref<80x64xf32, #tpu.memory_space<vmem>>)
      tpu.yield
    }) : () -> ()
    "tpu.region"() ({
      %run_scoped3A_474 = tpu.sem_alloc : memref<!tpu.dma_semaphore, #tpu.memory_space<semaphore_mem>>
      %dma_start3A_475 = arith.constant 0 : i32
      %dma_start3A_476 = arith.constant 0 : i32
      %dma_start3A_477 = tpu.memref_slice %arg17[%dma_start3A_475, %dma_start3A_476] : memref<80x16xf32, #tpu.memory_space<vmem>> -> memref<80x16xf32, #tpu.memory_space<vmem>>
      %dma_start3A_478 = arith.constant 0 : i32
      %dma_start3A_479 = tpu.memref_slice %arg8[%add3A_403, %dma_start3A_478] : memref<10000x16xf32, #tpu.memory_space<vmem_shared>> -> memref<80x16xf32, #tpu.memory_space<vmem_shared>>
      %dma_start3A_480 = arith.constant 0 : i32
      %dma_start3A_481 = arith.constant 0 : i32
      %dma_start3A_482 = tpu.memref_slice %arg17[%dma_start3A_480, %dma_start3A_481] : memref<80x16xf32, #tpu.memory_space<vmem>> -> memref<80x16xf32, #tpu.memory_space<vmem>>
      %dma_start3A_483 = arith.constant 0 : i32
      %dma_start3A_484 = tpu.memref_slice %arg8[%add3A_403, %dma_start3A_483] : memref<10000x16xf32, #tpu.memory_space<vmem_shared>> -> memref<80x16xf32, #tpu.memory_space<vmem_shared>>
      tpu.enqueue_dma source(%dma_start3A_484 : memref<80x16xf32, #tpu.memory_space<vmem_shared>>) target(%dma_start3A_482 : memref<80x16xf32, #tpu.memory_space<vmem>>) target_semaphore(%run_scoped3A_474 : memref<!tpu.dma_semaphore, #tpu.memory_space<semaphore_mem>>)
      %dma_wait3A_485 = arith.constant 0 : i32
      %dma_wait3A_486 = arith.constant 0 : i32
      %dma_wait3A_487 = tpu.memref_slice %arg17[%dma_wait3A_485, %dma_wait3A_486] : memref<80x16xf32, #tpu.memory_space<vmem>> -> memref<80x16xf32, #tpu.memory_space<vmem>>
      %dma_wait3A_488 = arith.constant 0 : i32
      %dma_wait3A_489 = tpu.memref_slice %arg8[%add3A_403, %dma_wait3A_488] : memref<10000x16xf32, #tpu.memory_space<vmem_shared>> -> memref<80x16xf32, #tpu.memory_space<vmem_shared>>
      %dma_wait3A_490 = arith.constant 0 : i32
      %dma_wait3A_491 = arith.constant 0 : i32
      %dma_wait3A_492 = tpu.memref_slice %arg17[%dma_wait3A_490, %dma_wait3A_491] : memref<80x16xf32, #tpu.memory_space<vmem>> -> memref<80x16xf32, #tpu.memory_space<vmem>>
      %dma_wait3A_493 = arith.constant 0 : i32
      %dma_wait3A_494 = tpu.memref_slice %arg8[%add3A_403, %dma_wait3A_493] : memref<10000x16xf32, #tpu.memory_space<vmem_shared>> -> memref<80x16xf32, #tpu.memory_space<vmem_shared>>
      tpu.wait_dma2 semaphore(%run_scoped3A_474 : memref<!tpu.dma_semaphore, #tpu.memory_space<semaphore_mem>>) src(%dma_wait3A_494 : memref<80x16xf32, #tpu.memory_space<vmem_shared>>) dst(%dma_wait3A_492 : memref<80x16xf32, #tpu.memory_space<vmem>>)
      tpu.yield
    }) : () -> ()
    %scan3A_404 = arith.constant 0 : i32
    %scan3A_405 = arith.constant 80 : i32
    %scan3A_406 = arith.addi %scan3A_404, %scan3A_405 : i32
    %scan3A_407 = arith.constant 1 : i32
    scf.for %scan3A_474 = %scan3A_404 to %scan3A_406 step %scan3A_407  : i32 {
      %mul3A_475 = arith.constant 1 : i32
      %mul3A_476 = arith.muli %scan3A_474, %mul3A_475 : i32
      %add3A_477 = arith.constant 0 : i32
      %add3A_478 = arith.addi %add3A_477, %mul3A_476 : i32
      %get3A = arith.index_cast %add3A_478 : i32 to index
      %get3A_479 = arith.constant 0 : index
      %get3A_480 = tpu.vector_load %arg17[%get3A, %get3A_479] {strides = array<i32>} : memref<80x16xf32, #tpu.memory_space<vmem>>, vector<1x16xf32>,
      %get3A_481 = vector.shape_cast %get3A_480 : vector<1x16xf32> to vector<16xf32>
      %broadcast_in_dim3A = arith.constant 1.000000e+00 : f32
      %broadcast_in_dim3A_482 = vector.broadcast %broadcast_in_dim3A : f32 to vector<16xf32>
      %max3A = arith.maximumf %get3A_481, %broadcast_in_dim3A_482 : vector<16xf32>
      %get3A_483 = arith.index_cast %add3A_478 : i32 to index
      %get3A_484 = arith.constant 0 : index
      %get3A_485 = tpu.vector_load %arg12[%get3A_483, %get3A_484] {strides = array<i32>} : memref<80x64xf32, #tpu.memory_space<vmem>>, vector<1x16xf32>,
      %get3A_486 = vector.shape_cast %get3A_485 : vector<1x16xf32> to vector<16xf32>
      %div3A = arith.divf %get3A_486, %max3A : vector<16xf32>
      %swap3A = arith.index_cast %add3A_478 : i32 to index
      %swap3A_487 = arith.constant 0 : index
      %swap3A_488 = tpu.vector_load %arg12[%swap3A, %swap3A_487] {strides = array<i32>} : memref<80x64xf32, #tpu.memory_space<vmem>>, vector<1x16xf32>,
      %swap3A_489 = vector.shape_cast %swap3A_488 : vector<1x16xf32> to vector<16xf32>
      %swap3A_490 = vector.shape_cast %div3A : vector<16xf32> to vector<1x16xf32>
      tpu.vector_store %arg12[%swap3A, %swap3A_487], %swap3A_490 {strides = array<i32>} : memref<80x64xf32, #tpu.memory_space<vmem>>, vector<1x16xf32>,
      %get3A_491 = arith.index_cast %add3A_478 : i32 to index
      %get3A_492 = arith.constant 16 : index
      %get3A_493 = tpu.vector_load %arg12[%get3A_491, %get3A_492] {strides = array<i32>} : memref<80x64xf32, #tpu.memory_space<vmem>>, vector<1x16xf32>,
      %get3A_494 = vector.shape_cast %get3A_493 : vector<1x16xf32> to vector<16xf32>
      %div3A_495 = arith.divf %get3A_494, %max3A : vector<16xf32>
      %swap3A_496 = arith.index_cast %add3A_478 : i32 to index
      %swap3A_497 = arith.constant 16 : index
      %swap3A_498 = tpu.vector_load %arg12[%swap3A_496, %swap3A_497] {strides = array<i32>} : memref<80x64xf32, #tpu.memory_space<vmem>>, vector<1x16xf32>,
      %swap3A_499 = vector.shape_cast %swap3A_498 : vector<1x16xf32> to vector<16xf32>
      %swap3A_500 = vector.shape_cast %div3A_495 : vector<16xf32> to vector<1x16xf32>
      tpu.vector_store %arg12[%swap3A_496, %swap3A_497], %swap3A_500 {strides = array<i32>} : memref<80x64xf32, #tpu.memory_space<vmem>>, vector<1x16xf32>,
      %get3A_501 = arith.index_cast %add3A_478 : i32 to index
      %get3A_502 = arith.constant 32 : index
      %get3A_503 = tpu.vector_load %arg12[%get3A_501, %get3A_502] {strides = array<i32>} : memref<80x64xf32, #tpu.memory_space<vmem>>, vector<1x16xf32>,
      %get3A_504 = vector.shape_cast %get3A_503 : vector<1x16xf32> to vector<16xf32>
      %div3A_505 = arith.divf %get3A_504, %max3A : vector<16xf32>
      %swap3A_506 = arith.index_cast %add3A_478 : i32 to index
      %swap3A_507 = arith.constant 32 : index
      %swap3A_508 = tpu.vector_load %arg12[%swap3A_506, %swap3A_507] {strides = array<i32>} : memref<80x64xf32, #tpu.memory_space<vmem>>, vector<1x16xf32>,
      %swap3A_509 = vector.shape_cast %swap3A_508 : vector<1x16xf32> to vector<16xf32>
      %swap3A_510 = vector.shape_cast %div3A_505 : vector<16xf32> to vector<1x16xf32>
      tpu.vector_store %arg12[%swap3A_506, %swap3A_507], %swap3A_510 {strides = array<i32>} : memref<80x64xf32, #tpu.memory_space<vmem>>, vector<1x16xf32>,
      %get3A_511 = arith.index_cast %add3A_478 : i32 to index
      %get3A_512 = arith.constant 48 : index
      %get3A_513 = tpu.vector_load %arg12[%get3A_511, %get3A_512] {strides = array<i32>} : memref<80x64xf32, #tpu.memory_space<vmem>>, vector<1x16xf32>,
      %get3A_514 = vector.shape_cast %get3A_513 : vector<1x16xf32> to vector<16xf32>
      %div3A_515 = arith.divf %get3A_514, %max3A : vector<16xf32>
      %swap3A_516 = arith.index_cast %add3A_478 : i32 to index
      %swap3A_517 = arith.constant 48 : index
      %swap3A_518 = tpu.vector_load %arg12[%swap3A_516, %swap3A_517] {strides = array<i32>} : memref<80x64xf32, #tpu.memory_space<vmem>>, vector<1x16xf32>,
      %swap3A_519 = vector.shape_cast %swap3A_518 : vector<1x16xf32> to vector<16xf32>
      %swap3A_520 = vector.shape_cast %div3A_515 : vector<16xf32> to vector<1x16xf32>
      tpu.vector_store %arg12[%swap3A_516, %swap3A_517], %swap3A_520 {strides = array<i32>} : memref<80x64xf32, #tpu.memory_space<vmem>>, vector<1x16xf32>,
    }
    %scan3A_408 = arith.constant 80 : i32
    %mul3A_409 = arith.constant 64 : i32
    %mul3A_410 = arith.muli %arg0, %mul3A_409 : i32
    %multiple_of3A_411 = tpu.assume_multiple %mul3A_410, 64 : i32
    "tpu.region"() ({
      %run_scoped3A_474 = tpu.sem_alloc : memref<!tpu.dma_semaphore, #tpu.memory_space<semaphore_mem>>
      %dma_start3A_475 = arith.constant 0 : i32
      %dma_start3A_476 = arith.constant 0 : i32
      %dma_start3A_477 = tpu.memref_slice %arg12[%dma_start3A_475, %dma_start3A_476] : memref<80x64xf32, #tpu.memory_space<vmem>> -> memref<80x64xf32, #tpu.memory_space<vmem>>
      %dma_start3A_478 = tpu.memref_slice %arg6[%add3A_403, %multiple_of3A_411] : memref<10000x128xf32, #tpu.memory_space<hbm>> -> memref<80x64xf32, #tpu.memory_space<hbm>>
      %dma_start3A_479 = tpu.memref_slice %arg6[%add3A_403, %multiple_of3A_411] : memref<10000x128xf32, #tpu.memory_space<hbm>> -> memref<80x64xf32, #tpu.memory_space<hbm>>
      %dma_start3A_480 = arith.constant 0 : i32
      %dma_start3A_481 = arith.constant 0 : i32
      %dma_start3A_482 = tpu.memref_slice %arg12[%dma_start3A_480, %dma_start3A_481] : memref<80x64xf32, #tpu.memory_space<vmem>> -> memref<80x64xf32, #tpu.memory_space<vmem>>
      tpu.enqueue_dma source(%dma_start3A_482 : memref<80x64xf32, #tpu.memory_space<vmem>>) target(%dma_start3A_479 : memref<80x64xf32, #tpu.memory_space<hbm>>) target_semaphore(%run_scoped3A_474 : memref<!tpu.dma_semaphore, #tpu.memory_space<semaphore_mem>>)
      %dma_wait3A_483 = arith.constant 0 : i32
      %dma_wait3A_484 = arith.constant 0 : i32
      %dma_wait3A_485 = tpu.memref_slice %arg12[%dma_wait3A_483, %dma_wait3A_484] : memref<80x64xf32, #tpu.memory_space<vmem>> -> memref<80x64xf32, #tpu.memory_space<vmem>>
      %dma_wait3A_486 = tpu.memref_slice %arg6[%add3A_403, %multiple_of3A_411] : memref<10000x128xf32, #tpu.memory_space<hbm>> -> memref<80x64xf32, #tpu.memory_space<hbm>>
      %dma_wait3A_487 = tpu.memref_slice %arg6[%add3A_403, %multiple_of3A_411] : memref<10000x128xf32, #tpu.memory_space<hbm>> -> memref<80x64xf32, #tpu.memory_space<hbm>>
      %dma_wait3A_488 = arith.constant 0 : i32
      %dma_wait3A_489 = arith.constant 0 : i32
      %dma_wait3A_490 = tpu.memref_slice %arg12[%dma_wait3A_488, %dma_wait3A_489] : memref<80x64xf32, #tpu.memory_space<vmem>> -> memref<80x64xf32, #tpu.memory_space<vmem>>
      tpu.wait_dma2 semaphore(%run_scoped3A_474 : memref<!tpu.dma_semaphore, #tpu.memory_space<semaphore_mem>>) src(%dma_wait3A_490 : memref<80x64xf32, #tpu.memory_space<vmem>>) dst(%dma_wait3A_487 : memref<80x64xf32, #tpu.memory_space<hbm>>)
      tpu.yield
    }) : () -> ()
    %add3A_412 = arith.constant 160 : i32
    %add3A_413 = arith.addi %mul3A_4, %add3A_412 : i32
    "tpu.region"() ({
      %run_scoped3A_474 = tpu.sem_alloc : memref<!tpu.dma_semaphore, #tpu.memory_space<semaphore_mem>>
      %dma_start3A_475 = arith.constant 0 : i32
      %dma_start3A_476 = arith.constant 0 : i32
      %dma_start3A_477 = tpu.memref_slice %arg11[%dma_start3A_475, %dma_start3A_476] : memref<80x64xf32, #tpu.memory_space<vmem>> -> memref<80x64xf32, #tpu.memory_space<vmem>>
      %dma_start3A_478 = arith.constant 0 : i32
      %dma_start3A_479 = tpu.memref_slice %arg7[%add3A_413, %dma_start3A_478] : memref<10000x64xf32, #tpu.memory_space<vmem_shared>> -> memref<80x64xf32, #tpu.memory_space<vmem_shared>>
      %dma_start3A_480 = arith.constant 0 : i32
      %dma_start3A_481 = arith.constant 0 : i32
      %dma_start3A_482 = tpu.memref_slice %arg11[%dma_start3A_480, %dma_start3A_481] : memref<80x64xf32, #tpu.memory_space<vmem>> -> memref<80x64xf32, #tpu.memory_space<vmem>>
      %dma_start3A_483 = arith.constant 0 : i32
      %dma_start3A_484 = tpu.memref_slice %arg7[%add3A_413, %dma_start3A_483] : memref<10000x64xf32, #tpu.memory_space<vmem_shared>> -> memref<80x64xf32, #tpu.memory_space<vmem_shared>>
      tpu.enqueue_dma source(%dma_start3A_484 : memref<80x64xf32, #tpu.memory_space<vmem_shared>>) target(%dma_start3A_482 : memref<80x64xf32, #tpu.memory_space<vmem>>) target_semaphore(%run_scoped3A_474 : memref<!tpu.dma_semaphore, #tpu.memory_space<semaphore_mem>>)
      %dma_wait3A_485 = arith.constant 0 : i32
      %dma_wait3A_486 = arith.constant 0 : i32
      %dma_wait3A_487 = tpu.memref_slice %arg11[%dma_wait3A_485, %dma_wait3A_486] : memref<80x64xf32, #tpu.memory_space<vmem>> -> memref<80x64xf32, #tpu.memory_space<vmem>>
      %dma_wait3A_488 = arith.constant 0 : i32
      %dma_wait3A_489 = tpu.memref_slice %arg7[%add3A_413, %dma_wait3A_488] : memref<10000x64xf32, #tpu.memory_space<vmem_shared>> -> memref<80x64xf32, #tpu.memory_space<vmem_shared>>
      %dma_wait3A_490 = arith.constant 0 : i32
      %dma_wait3A_491 = arith.constant 0 : i32
      %dma_wait3A_492 = tpu.memref_slice %arg11[%dma_wait3A_490, %dma_wait3A_491] : memref<80x64xf32, #tpu.memory_space<vmem>> -> memref<80x64xf32, #tpu.memory_space<vmem>>
      %dma_wait3A_493 = arith.constant 0 : i32
      %dma_wait3A_494 = tpu.memref_slice %arg7[%add3A_413, %dma_wait3A_493] : memref<10000x64xf32, #tpu.memory_space<vmem_shared>> -> memref<80x64xf32, #tpu.memory_space<vmem_shared>>
      tpu.wait_dma2 semaphore(%run_scoped3A_474 : memref<!tpu.dma_semaphore, #tpu.memory_space<semaphore_mem>>) src(%dma_wait3A_494 : memref<80x64xf32, #tpu.memory_space<vmem_shared>>) dst(%dma_wait3A_492 : memref<80x64xf32, #tpu.memory_space<vmem>>)
      tpu.yield
    }) : () -> ()
    "tpu.region"() ({
      %run_scoped3A_474 = tpu.sem_alloc : memref<!tpu.dma_semaphore, #tpu.memory_space<semaphore_mem>>
      %dma_start3A_475 = arith.constant 0 : i32
      %dma_start3A_476 = arith.constant 0 : i32
      %dma_start3A_477 = tpu.memref_slice %arg17[%dma_start3A_475, %dma_start3A_476] : memref<80x16xf32, #tpu.memory_space<vmem>> -> memref<80x16xf32, #tpu.memory_space<vmem>>
      %dma_start3A_478 = arith.constant 0 : i32
      %dma_start3A_479 = tpu.memref_slice %arg8[%add3A_413, %dma_start3A_478] : memref<10000x16xf32, #tpu.memory_space<vmem_shared>> -> memref<80x16xf32, #tpu.memory_space<vmem_shared>>
      %dma_start3A_480 = arith.constant 0 : i32
      %dma_start3A_481 = arith.constant 0 : i32
      %dma_start3A_482 = tpu.memref_slice %arg17[%dma_start3A_480, %dma_start3A_481] : memref<80x16xf32, #tpu.memory_space<vmem>> -> memref<80x16xf32, #tpu.memory_space<vmem>>
      %dma_start3A_483 = arith.constant 0 : i32
      %dma_start3A_484 = tpu.memref_slice %arg8[%add3A_413, %dma_start3A_483] : memref<10000x16xf32, #tpu.memory_space<vmem_shared>> -> memref<80x16xf32, #tpu.memory_space<vmem_shared>>
      tpu.enqueue_dma source(%dma_start3A_484 : memref<80x16xf32, #tpu.memory_space<vmem_shared>>) target(%dma_start3A_482 : memref<80x16xf32, #tpu.memory_space<vmem>>) target_semaphore(%run_scoped3A_474 : memref<!tpu.dma_semaphore, #tpu.memory_space<semaphore_mem>>)
      %dma_wait3A_485 = arith.constant 0 : i32
      %dma_wait3A_486 = arith.constant 0 : i32
      %dma_wait3A_487 = tpu.memref_slice %arg17[%dma_wait3A_485, %dma_wait3A_486] : memref<80x16xf32, #tpu.memory_space<vmem>> -> memref<80x16xf32, #tpu.memory_space<vmem>>
      %dma_wait3A_488 = arith.constant 0 : i32
      %dma_wait3A_489 = tpu.memref_slice %arg8[%add3A_413, %dma_wait3A_488] : memref<10000x16xf32, #tpu.memory_space<vmem_shared>> -> memref<80x16xf32, #tpu.memory_space<vmem_shared>>
      %dma_wait3A_490 = arith.constant 0 : i32
      %dma_wait3A_491 = arith.constant 0 : i32
      %dma_wait3A_492 = tpu.memref_slice %arg17[%dma_wait3A_490, %dma_wait3A_491] : memref<80x16xf32, #tpu.memory_space<vmem>> -> memref<80x16xf32, #tpu.memory_space<vmem>>
      %dma_wait3A_493 = arith.constant 0 : i32
      %dma_wait3A_494 = tpu.memref_slice %arg8[%add3A_413, %dma_wait3A_493] : memref<10000x16xf32, #tpu.memory_space<vmem_shared>> -> memref<80x16xf32, #tpu.memory_space<vmem_shared>>
      tpu.wait_dma2 semaphore(%run_scoped3A_474 : memref<!tpu.dma_semaphore, #tpu.memory_space<semaphore_mem>>) src(%dma_wait3A_494 : memref<80x16xf32, #tpu.memory_space<vmem_shared>>) dst(%dma_wait3A_492 : memref<80x16xf32, #tpu.memory_space<vmem>>)
      tpu.yield
    }) : () -> ()
    %scan3A_414 = arith.constant 0 : i32
    %scan3A_415 = arith.constant 80 : i32
    %scan3A_416 = arith.addi %scan3A_414, %scan3A_415 : i32
    %scan3A_417 = arith.constant 1 : i32
    scf.for %scan3A_474 = %scan3A_414 to %scan3A_416 step %scan3A_417  : i32 {
      %mul3A_475 = arith.constant 1 : i32
      %mul3A_476 = arith.muli %scan3A_474, %mul3A_475 : i32
      %add3A_477 = arith.constant 0 : i32
      %add3A_478 = arith.addi %add3A_477, %mul3A_476 : i32
      %get3A = arith.index_cast %add3A_478 : i32 to index
      %get3A_479 = arith.constant 0 : index
      %get3A_480 = tpu.vector_load %arg17[%get3A, %get3A_479] {strides = array<i32>} : memref<80x16xf32, #tpu.memory_space<vmem>>, vector<1x16xf32>,
      %get3A_481 = vector.shape_cast %get3A_480 : vector<1x16xf32> to vector<16xf32>
      %broadcast_in_dim3A = arith.constant 1.000000e+00 : f32
      %broadcast_in_dim3A_482 = vector.broadcast %broadcast_in_dim3A : f32 to vector<16xf32>
      %max3A = arith.maximumf %get3A_481, %broadcast_in_dim3A_482 : vector<16xf32>
      %get3A_483 = arith.index_cast %add3A_478 : i32 to index
      %get3A_484 = arith.constant 0 : index
      %get3A_485 = tpu.vector_load %arg11[%get3A_483, %get3A_484] {strides = array<i32>} : memref<80x64xf32, #tpu.memory_space<vmem>>, vector<1x16xf32>,
      %get3A_486 = vector.shape_cast %get3A_485 : vector<1x16xf32> to vector<16xf32>
      %div3A = arith.divf %get3A_486, %max3A : vector<16xf32>
      %swap3A = arith.index_cast %add3A_478 : i32 to index
      %swap3A_487 = arith.constant 0 : index
      %swap3A_488 = tpu.vector_load %arg11[%swap3A, %swap3A_487] {strides = array<i32>} : memref<80x64xf32, #tpu.memory_space<vmem>>, vector<1x16xf32>,
      %swap3A_489 = vector.shape_cast %swap3A_488 : vector<1x16xf32> to vector<16xf32>
      %swap3A_490 = vector.shape_cast %div3A : vector<16xf32> to vector<1x16xf32>
      tpu.vector_store %arg11[%swap3A, %swap3A_487], %swap3A_490 {strides = array<i32>} : memref<80x64xf32, #tpu.memory_space<vmem>>, vector<1x16xf32>,
      %get3A_491 = arith.index_cast %add3A_478 : i32 to index
      %get3A_492 = arith.constant 16 : index
      %get3A_493 = tpu.vector_load %arg11[%get3A_491, %get3A_492] {strides = array<i32>} : memref<80x64xf32, #tpu.memory_space<vmem>>, vector<1x16xf32>,
      %get3A_494 = vector.shape_cast %get3A_493 : vector<1x16xf32> to vector<16xf32>
      %div3A_495 = arith.divf %get3A_494, %max3A : vector<16xf32>
      %swap3A_496 = arith.index_cast %add3A_478 : i32 to index
      %swap3A_497 = arith.constant 16 : index
      %swap3A_498 = tpu.vector_load %arg11[%swap3A_496, %swap3A_497] {strides = array<i32>} : memref<80x64xf32, #tpu.memory_space<vmem>>, vector<1x16xf32>,
      %swap3A_499 = vector.shape_cast %swap3A_498 : vector<1x16xf32> to vector<16xf32>
      %swap3A_500 = vector.shape_cast %div3A_495 : vector<16xf32> to vector<1x16xf32>
      tpu.vector_store %arg11[%swap3A_496, %swap3A_497], %swap3A_500 {strides = array<i32>} : memref<80x64xf32, #tpu.memory_space<vmem>>, vector<1x16xf32>,
      %get3A_501 = arith.index_cast %add3A_478 : i32 to index
      %get3A_502 = arith.constant 32 : index
      %get3A_503 = tpu.vector_load %arg11[%get3A_501, %get3A_502] {strides = array<i32>} : memref<80x64xf32, #tpu.memory_space<vmem>>, vector<1x16xf32>,
      %get3A_504 = vector.shape_cast %get3A_503 : vector<1x16xf32> to vector<16xf32>
      %div3A_505 = arith.divf %get3A_504, %max3A : vector<16xf32>
      %swap3A_506 = arith.index_cast %add3A_478 : i32 to index
      %swap3A_507 = arith.constant 32 : index
      %swap3A_508 = tpu.vector_load %arg11[%swap3A_506, %swap3A_507] {strides = array<i32>} : memref<80x64xf32, #tpu.memory_space<vmem>>, vector<1x16xf32>,
      %swap3A_509 = vector.shape_cast %swap3A_508 : vector<1x16xf32> to vector<16xf32>
      %swap3A_510 = vector.shape_cast %div3A_505 : vector<16xf32> to vector<1x16xf32>
      tpu.vector_store %arg11[%swap3A_506, %swap3A_507], %swap3A_510 {strides = array<i32>} : memref<80x64xf32, #tpu.memory_space<vmem>>, vector<1x16xf32>,
      %get3A_511 = arith.index_cast %add3A_478 : i32 to index
      %get3A_512 = arith.constant 48 : index
      %get3A_513 = tpu.vector_load %arg11[%get3A_511, %get3A_512] {strides = array<i32>} : memref<80x64xf32, #tpu.memory_space<vmem>>, vector<1x16xf32>,
      %get3A_514 = vector.shape_cast %get3A_513 : vector<1x16xf32> to vector<16xf32>
      %div3A_515 = arith.divf %get3A_514, %max3A : vector<16xf32>
      %swap3A_516 = arith.index_cast %add3A_478 : i32 to index
      %swap3A_517 = arith.constant 48 : index
      %swap3A_518 = tpu.vector_load %arg11[%swap3A_516, %swap3A_517] {strides = array<i32>} : memref<80x64xf32, #tpu.memory_space<vmem>>, vector<1x16xf32>,
      %swap3A_519 = vector.shape_cast %swap3A_518 : vector<1x16xf32> to vector<16xf32>
      %swap3A_520 = vector.shape_cast %div3A_515 : vector<16xf32> to vector<1x16xf32>
      tpu.vector_store %arg11[%swap3A_516, %swap3A_517], %swap3A_520 {strides = array<i32>} : memref<80x64xf32, #tpu.memory_space<vmem>>, vector<1x16xf32>,
    }
    %scan3A_418 = arith.constant 80 : i32
    %mul3A_419 = arith.constant 64 : i32
    %mul3A_420 = arith.muli %arg0, %mul3A_419 : i32
    %multiple_of3A_421 = tpu.assume_multiple %mul3A_420, 64 : i32
    "tpu.region"() ({
      %run_scoped3A_474 = tpu.sem_alloc : memref<!tpu.dma_semaphore, #tpu.memory_space<semaphore_mem>>
      %dma_start3A_475 = arith.constant 0 : i32
      %dma_start3A_476 = arith.constant 0 : i32
      %dma_start3A_477 = tpu.memref_slice %arg11[%dma_start3A_475, %dma_start3A_476] : memref<80x64xf32, #tpu.memory_space<vmem>> -> memref<80x64xf32, #tpu.memory_space<vmem>>
      %dma_start3A_478 = tpu.memref_slice %arg6[%add3A_413, %multiple_of3A_421] : memref<10000x128xf32, #tpu.memory_space<hbm>> -> memref<80x64xf32, #tpu.memory_space<hbm>>
      %dma_start3A_479 = tpu.memref_slice %arg6[%add3A_413, %multiple_of3A_421] : memref<10000x128xf32, #tpu.memory_space<hbm>> -> memref<80x64xf32, #tpu.memory_space<hbm>>
      %dma_start3A_480 = arith.constant 0 : i32
      %dma_start3A_481 = arith.constant 0 : i32
      %dma_start3A_482 = tpu.memref_slice %arg11[%dma_start3A_480, %dma_start3A_481] : memref<80x64xf32, #tpu.memory_space<vmem>> -> memref<80x64xf32, #tpu.memory_space<vmem>>
      tpu.enqueue_dma source(%dma_start3A_482 : memref<80x64xf32, #tpu.memory_space<vmem>>) target(%dma_start3A_479 : memref<80x64xf32, #tpu.memory_space<hbm>>) target_semaphore(%run_scoped3A_474 : memref<!tpu.dma_semaphore, #tpu.memory_space<semaphore_mem>>)
      %dma_wait3A_483 = arith.constant 0 : i32
      %dma_wait3A_484 = arith.constant 0 : i32
      %dma_wait3A_485 = tpu.memref_slice %arg11[%dma_wait3A_483, %dma_wait3A_484] : memref<80x64xf32, #tpu.memory_space<vmem>> -> memref<80x64xf32, #tpu.memory_space<vmem>>
      %dma_wait3A_486 = tpu.memref_slice %arg6[%add3A_413, %multiple_of3A_421] : memref<10000x128xf32, #tpu.memory_space<hbm>> -> memref<80x64xf32, #tpu.memory_space<hbm>>
      %dma_wait3A_487 = tpu.memref_slice %arg6[%add3A_413, %multiple_of3A_421] : memref<10000x128xf32, #tpu.memory_space<hbm>> -> memref<80x64xf32, #tpu.memory_space<hbm>>
      %dma_wait3A_488 = arith.constant 0 : i32
      %dma_wait3A_489 = arith.constant 0 : i32
      %dma_wait3A_490 = tpu.memref_slice %arg11[%dma_wait3A_488, %dma_wait3A_489] : memref<80x64xf32, #tpu.memory_space<vmem>> -> memref<80x64xf32, #tpu.memory_space<vmem>>
      tpu.wait_dma2 semaphore(%run_scoped3A_474 : memref<!tpu.dma_semaphore, #tpu.memory_space<semaphore_mem>>) src(%dma_wait3A_490 : memref<80x64xf32, #tpu.memory_space<vmem>>) dst(%dma_wait3A_487 : memref<80x64xf32, #tpu.memory_space<hbm>>)
      tpu.yield
    }) : () -> ()
    %add3A_422 = arith.constant 240 : i32
    %add3A_423 = arith.addi %mul3A_4, %add3A_422 : i32
    "tpu.region"() ({
      %run_scoped3A_474 = tpu.sem_alloc : memref<!tpu.dma_semaphore, #tpu.memory_space<semaphore_mem>>
      %dma_start3A_475 = arith.constant 0 : i32
      %dma_start3A_476 = arith.constant 0 : i32
      %dma_start3A_477 = tpu.memref_slice %arg12[%dma_start3A_475, %dma_start3A_476] : memref<80x64xf32, #tpu.memory_space<vmem>> -> memref<80x64xf32, #tpu.memory_space<vmem>>
      %dma_start3A_478 = arith.constant 0 : i32
      %dma_start3A_479 = tpu.memref_slice %arg7[%add3A_423, %dma_start3A_478] : memref<10000x64xf32, #tpu.memory_space<vmem_shared>> -> memref<80x64xf32, #tpu.memory_space<vmem_shared>>
      %dma_start3A_480 = arith.constant 0 : i32
      %dma_start3A_481 = arith.constant 0 : i32
      %dma_start3A_482 = tpu.memref_slice %arg12[%dma_start3A_480, %dma_start3A_481] : memref<80x64xf32, #tpu.memory_space<vmem>> -> memref<80x64xf32, #tpu.memory_space<vmem>>
      %dma_start3A_483 = arith.constant 0 : i32
      %dma_start3A_484 = tpu.memref_slice %arg7[%add3A_423, %dma_start3A_483] : memref<10000x64xf32, #tpu.memory_space<vmem_shared>> -> memref<80x64xf32, #tpu.memory_space<vmem_shared>>
      tpu.enqueue_dma source(%dma_start3A_484 : memref<80x64xf32, #tpu.memory_space<vmem_shared>>) target(%dma_start3A_482 : memref<80x64xf32, #tpu.memory_space<vmem>>) target_semaphore(%run_scoped3A_474 : memref<!tpu.dma_semaphore, #tpu.memory_space<semaphore_mem>>)
      %dma_wait3A_485 = arith.constant 0 : i32
      %dma_wait3A_486 = arith.constant 0 : i32
      %dma_wait3A_487 = tpu.memref_slice %arg12[%dma_wait3A_485, %dma_wait3A_486] : memref<80x64xf32, #tpu.memory_space<vmem>> -> memref<80x64xf32, #tpu.memory_space<vmem>>
      %dma_wait3A_488 = arith.constant 0 : i32
      %dma_wait3A_489 = tpu.memref_slice %arg7[%add3A_423, %dma_wait3A_488] : memref<10000x64xf32, #tpu.memory_space<vmem_shared>> -> memref<80x64xf32, #tpu.memory_space<vmem_shared>>
      %dma_wait3A_490 = arith.constant 0 : i32
      %dma_wait3A_491 = arith.constant 0 : i32
      %dma_wait3A_492 = tpu.memref_slice %arg12[%dma_wait3A_490, %dma_wait3A_491] : memref<80x64xf32, #tpu.memory_space<vmem>> -> memref<80x64xf32, #tpu.memory_space<vmem>>
      %dma_wait3A_493 = arith.constant 0 : i32
      %dma_wait3A_494 = tpu.memref_slice %arg7[%add3A_423, %dma_wait3A_493] : memref<10000x64xf32, #tpu.memory_space<vmem_shared>> -> memref<80x64xf32, #tpu.memory_space<vmem_shared>>
      tpu.wait_dma2 semaphore(%run_scoped3A_474 : memref<!tpu.dma_semaphore, #tpu.memory_space<semaphore_mem>>) src(%dma_wait3A_494 : memref<80x64xf32, #tpu.memory_space<vmem_shared>>) dst(%dma_wait3A_492 : memref<80x64xf32, #tpu.memory_space<vmem>>)
      tpu.yield
    }) : () -> ()
    "tpu.region"() ({
      %run_scoped3A_474 = tpu.sem_alloc : memref<!tpu.dma_semaphore, #tpu.memory_space<semaphore_mem>>
      %dma_start3A_475 = arith.constant 0 : i32
      %dma_start3A_476 = arith.constant 0 : i32
      %dma_start3A_477 = tpu.memref_slice %arg17[%dma_start3A_475, %dma_start3A_476] : memref<80x16xf32, #tpu.memory_space<vmem>> -> memref<80x16xf32, #tpu.memory_space<vmem>>
      %dma_start3A_478 = arith.constant 0 : i32
      %dma_start3A_479 = tpu.memref_slice %arg8[%add3A_423, %dma_start3A_478] : memref<10000x16xf32, #tpu.memory_space<vmem_shared>> -> memref<80x16xf32, #tpu.memory_space<vmem_shared>>
      %dma_start3A_480 = arith.constant 0 : i32
      %dma_start3A_481 = arith.constant 0 : i32
      %dma_start3A_482 = tpu.memref_slice %arg17[%dma_start3A_480, %dma_start3A_481] : memref<80x16xf32, #tpu.memory_space<vmem>> -> memref<80x16xf32, #tpu.memory_space<vmem>>
      %dma_start3A_483 = arith.constant 0 : i32
      %dma_start3A_484 = tpu.memref_slice %arg8[%add3A_423, %dma_start3A_483] : memref<10000x16xf32, #tpu.memory_space<vmem_shared>> -> memref<80x16xf32, #tpu.memory_space<vmem_shared>>
      tpu.enqueue_dma source(%dma_start3A_484 : memref<80x16xf32, #tpu.memory_space<vmem_shared>>) target(%dma_start3A_482 : memref<80x16xf32, #tpu.memory_space<vmem>>) target_semaphore(%run_scoped3A_474 : memref<!tpu.dma_semaphore, #tpu.memory_space<semaphore_mem>>)
      %dma_wait3A_485 = arith.constant 0 : i32
      %dma_wait3A_486 = arith.constant 0 : i32
      %dma_wait3A_487 = tpu.memref_slice %arg17[%dma_wait3A_485, %dma_wait3A_486] : memref<80x16xf32, #tpu.memory_space<vmem>> -> memref<80x16xf32, #tpu.memory_space<vmem>>
      %dma_wait3A_488 = arith.constant 0 : i32
      %dma_wait3A_489 = tpu.memref_slice %arg8[%add3A_423, %dma_wait3A_488] : memref<10000x16xf32, #tpu.memory_space<vmem_shared>> -> memref<80x16xf32, #tpu.memory_space<vmem_shared>>
      %dma_wait3A_490 = arith.constant 0 : i32
      %dma_wait3A_491 = arith.constant 0 : i32
      %dma_wait3A_492 = tpu.memref_slice %arg17[%dma_wait3A_490, %dma_wait3A_491] : memref<80x16xf32, #tpu.memory_space<vmem>> -> memref<80x16xf32, #tpu.memory_space<vmem>>
      %dma_wait3A_493 = arith.constant 0 : i32
      %dma_wait3A_494 = tpu.memref_slice %arg8[%add3A_423, %dma_wait3A_493] : memref<10000x16xf32, #tpu.memory_space<vmem_shared>> -> memref<80x16xf32, #tpu.memory_space<vmem_shared>>
      tpu.wait_dma2 semaphore(%run_scoped3A_474 : memref<!tpu.dma_semaphore, #tpu.memory_space<semaphore_mem>>) src(%dma_wait3A_494 : memref<80x16xf32, #tpu.memory_space<vmem_shared>>) dst(%dma_wait3A_492 : memref<80x16xf32, #tpu.memory_space<vmem>>)
      tpu.yield
    }) : () -> ()
    %scan3A_424 = arith.constant 0 : i32
    %scan3A_425 = arith.constant 80 : i32
    %scan3A_426 = arith.addi %scan3A_424, %scan3A_425 : i32
    %scan3A_427 = arith.constant 1 : i32
    scf.for %scan3A_474 = %scan3A_424 to %scan3A_426 step %scan3A_427  : i32 {
      %mul3A_475 = arith.constant 1 : i32
      %mul3A_476 = arith.muli %scan3A_474, %mul3A_475 : i32
      %add3A_477 = arith.constant 0 : i32
      %add3A_478 = arith.addi %add3A_477, %mul3A_476 : i32
      %get3A = arith.index_cast %add3A_478 : i32 to index
      %get3A_479 = arith.constant 0 : index
      %get3A_480 = tpu.vector_load %arg17[%get3A, %get3A_479] {strides = array<i32>} : memref<80x16xf32, #tpu.memory_space<vmem>>, vector<1x16xf32>,
      %get3A_481 = vector.shape_cast %get3A_480 : vector<1x16xf32> to vector<16xf32>
      %broadcast_in_dim3A = arith.constant 1.000000e+00 : f32
      %broadcast_in_dim3A_482 = vector.broadcast %broadcast_in_dim3A : f32 to vector<16xf32>
      %max3A = arith.maximumf %get3A_481, %broadcast_in_dim3A_482 : vector<16xf32>
      %get3A_483 = arith.index_cast %add3A_478 : i32 to index
      %get3A_484 = arith.constant 0 : index
      %get3A_485 = tpu.vector_load %arg12[%get3A_483, %get3A_484] {strides = array<i32>} : memref<80x64xf32, #tpu.memory_space<vmem>>, vector<1x16xf32>,
      %get3A_486 = vector.shape_cast %get3A_485 : vector<1x16xf32> to vector<16xf32>
      %div3A = arith.divf %get3A_486, %max3A : vector<16xf32>
      %swap3A = arith.index_cast %add3A_478 : i32 to index
      %swap3A_487 = arith.constant 0 : index
      %swap3A_488 = tpu.vector_load %arg12[%swap3A, %swap3A_487] {strides = array<i32>} : memref<80x64xf32, #tpu.memory_space<vmem>>, vector<1x16xf32>,
      %swap3A_489 = vector.shape_cast %swap3A_488 : vector<1x16xf32> to vector<16xf32>
      %swap3A_490 = vector.shape_cast %div3A : vector<16xf32> to vector<1x16xf32>
      tpu.vector_store %arg12[%swap3A, %swap3A_487], %swap3A_490 {strides = array<i32>} : memref<80x64xf32, #tpu.memory_space<vmem>>, vector<1x16xf32>,
      %get3A_491 = arith.index_cast %add3A_478 : i32 to index
      %get3A_492 = arith.constant 16 : index
      %get3A_493 = tpu.vector_load %arg12[%get3A_491, %get3A_492] {strides = array<i32>} : memref<80x64xf32, #tpu.memory_space<vmem>>, vector<1x16xf32>,
      %get3A_494 = vector.shape_cast %get3A_493 : vector<1x16xf32> to vector<16xf32>
      %div3A_495 = arith.divf %get3A_494, %max3A : vector<16xf32>
      %swap3A_496 = arith.index_cast %add3A_478 : i32 to index
      %swap3A_497 = arith.constant 16 : index
      %swap3A_498 = tpu.vector_load %arg12[%swap3A_496, %swap3A_497] {strides = array<i32>} : memref<80x64xf32, #tpu.memory_space<vmem>>, vector<1x16xf32>,
      %swap3A_499 = vector.shape_cast %swap3A_498 : vector<1x16xf32> to vector<16xf32>
      %swap3A_500 = vector.shape_cast %div3A_495 : vector<16xf32> to vector<1x16xf32>
      tpu.vector_store %arg12[%swap3A_496, %swap3A_497], %swap3A_500 {strides = array<i32>} : memref<80x64xf32, #tpu.memory_space<vmem>>, vector<1x16xf32>,
      %get3A_501 = arith.index_cast %add3A_478 : i32 to index
      %get3A_502 = arith.constant 32 : index
      %get3A_503 = tpu.vector_load %arg12[%get3A_501, %get3A_502] {strides = array<i32>} : memref<80x64xf32, #tpu.memory_space<vmem>>, vector<1x16xf32>,
      %get3A_504 = vector.shape_cast %get3A_503 : vector<1x16xf32> to vector<16xf32>
      %div3A_505 = arith.divf %get3A_504, %max3A : vector<16xf32>
      %swap3A_506 = arith.index_cast %add3A_478 : i32 to index
      %swap3A_507 = arith.constant 32 : index
      %swap3A_508 = tpu.vector_load %arg12[%swap3A_506, %swap3A_507] {strides = array<i32>} : memref<80x64xf32, #tpu.memory_space<vmem>>, vector<1x16xf32>,
      %swap3A_509 = vector.shape_cast %swap3A_508 : vector<1x16xf32> to vector<16xf32>
      %swap3A_510 = vector.shape_cast %div3A_505 : vector<16xf32> to vector<1x16xf32>
      tpu.vector_store %arg12[%swap3A_506, %swap3A_507], %swap3A_510 {strides = array<i32>} : memref<80x64xf32, #tpu.memory_space<vmem>>, vector<1x16xf32>,
      %get3A_511 = arith.index_cast %add3A_478 : i32 to index
      %get3A_512 = arith.constant 48 : index
      %get3A_513 = tpu.vector_load %arg12[%get3A_511, %get3A_512] {strides = array<i32>} : memref<80x64xf32, #tpu.memory_space<vmem>>, vector<1x16xf32>,
      %get3A_514 = vector.shape_cast %get3A_513 : vector<1x16xf32> to vector<16xf32>
      %div3A_515 = arith.divf %get3A_514, %max3A : vector<16xf32>
      %swap3A_516 = arith.index_cast %add3A_478 : i32 to index
      %swap3A_517 = arith.constant 48 : index
      %swap3A_518 = tpu.vector_load %arg12[%swap3A_516, %swap3A_517] {strides = array<i32>} : memref<80x64xf32, #tpu.memory_space<vmem>>, vector<1x16xf32>,
      %swap3A_519 = vector.shape_cast %swap3A_518 : vector<1x16xf32> to vector<16xf32>
      %swap3A_520 = vector.shape_cast %div3A_515 : vector<16xf32> to vector<1x16xf32>
      tpu.vector_store %arg12[%swap3A_516, %swap3A_517], %swap3A_520 {strides = array<i32>} : memref<80x64xf32, #tpu.memory_space<vmem>>, vector<1x16xf32>,
    }
    %scan3A_428 = arith.constant 80 : i32
    %mul3A_429 = arith.constant 64 : i32
    %mul3A_430 = arith.muli %arg0, %mul3A_429 : i32
    %multiple_of3A_431 = tpu.assume_multiple %mul3A_430, 64 : i32
    "tpu.region"() ({
      %run_scoped3A_474 = tpu.sem_alloc : memref<!tpu.dma_semaphore, #tpu.memory_space<semaphore_mem>>
      %dma_start3A_475 = arith.constant 0 : i32
      %dma_start3A_476 = arith.constant 0 : i32
      %dma_start3A_477 = tpu.memref_slice %arg12[%dma_start3A_475, %dma_start3A_476] : memref<80x64xf32, #tpu.memory_space<vmem>> -> memref<80x64xf32, #tpu.memory_space<vmem>>
      %dma_start3A_478 = tpu.memref_slice %arg6[%add3A_423, %multiple_of3A_431] : memref<10000x128xf32, #tpu.memory_space<hbm>> -> memref<80x64xf32, #tpu.memory_space<hbm>>
      %dma_start3A_479 = tpu.memref_slice %arg6[%add3A_423, %multiple_of3A_431] : memref<10000x128xf32, #tpu.memory_space<hbm>> -> memref<80x64xf32, #tpu.memory_space<hbm>>
      %dma_start3A_480 = arith.constant 0 : i32
      %dma_start3A_481 = arith.constant 0 : i32
      %dma_start3A_482 = tpu.memref_slice %arg12[%dma_start3A_480, %dma_start3A_481] : memref<80x64xf32, #tpu.memory_space<vmem>> -> memref<80x64xf32, #tpu.memory_space<vmem>>
      tpu.enqueue_dma source(%dma_start3A_482 : memref<80x64xf32, #tpu.memory_space<vmem>>) target(%dma_start3A_479 : memref<80x64xf32, #tpu.memory_space<hbm>>) target_semaphore(%run_scoped3A_474 : memref<!tpu.dma_semaphore, #tpu.memory_space<semaphore_mem>>)
      %dma_wait3A_483 = arith.constant 0 : i32
      %dma_wait3A_484 = arith.constant 0 : i32
      %dma_wait3A_485 = tpu.memref_slice %arg12[%dma_wait3A_483, %dma_wait3A_484] : memref<80x64xf32, #tpu.memory_space<vmem>> -> memref<80x64xf32, #tpu.memory_space<vmem>>
      %dma_wait3A_486 = tpu.memref_slice %arg6[%add3A_423, %multiple_of3A_431] : memref<10000x128xf32, #tpu.memory_space<hbm>> -> memref<80x64xf32, #tpu.memory_space<hbm>>
      %dma_wait3A_487 = tpu.memref_slice %arg6[%add3A_423, %multiple_of3A_431] : memref<10000x128xf32, #tpu.memory_space<hbm>> -> memref<80x64xf32, #tpu.memory_space<hbm>>
      %dma_wait3A_488 = arith.constant 0 : i32
      %dma_wait3A_489 = arith.constant 0 : i32
      %dma_wait3A_490 = tpu.memref_slice %arg12[%dma_wait3A_488, %dma_wait3A_489] : memref<80x64xf32, #tpu.memory_space<vmem>> -> memref<80x64xf32, #tpu.memory_space<vmem>>
      tpu.wait_dma2 semaphore(%run_scoped3A_474 : memref<!tpu.dma_semaphore, #tpu.memory_space<semaphore_mem>>) src(%dma_wait3A_490 : memref<80x64xf32, #tpu.memory_space<vmem>>) dst(%dma_wait3A_487 : memref<80x64xf32, #tpu.memory_space<hbm>>)
      tpu.yield
    }) : () -> ()
    %add3A_432 = arith.constant 320 : i32
    %add3A_433 = arith.addi %mul3A_4, %add3A_432 : i32
    "tpu.region"() ({
      %run_scoped3A_474 = tpu.sem_alloc : memref<!tpu.dma_semaphore, #tpu.memory_space<semaphore_mem>>
      %dma_start3A_475 = arith.constant 0 : i32
      %dma_start3A_476 = arith.constant 0 : i32
      %dma_start3A_477 = tpu.memref_slice %arg11[%dma_start3A_475, %dma_start3A_476] : memref<80x64xf32, #tpu.memory_space<vmem>> -> memref<80x64xf32, #tpu.memory_space<vmem>>
      %dma_start3A_478 = arith.constant 0 : i32
      %dma_start3A_479 = tpu.memref_slice %arg7[%add3A_433, %dma_start3A_478] : memref<10000x64xf32, #tpu.memory_space<vmem_shared>> -> memref<80x64xf32, #tpu.memory_space<vmem_shared>>
      %dma_start3A_480 = arith.constant 0 : i32
      %dma_start3A_481 = arith.constant 0 : i32
      %dma_start3A_482 = tpu.memref_slice %arg11[%dma_start3A_480, %dma_start3A_481] : memref<80x64xf32, #tpu.memory_space<vmem>> -> memref<80x64xf32, #tpu.memory_space<vmem>>
      %dma_start3A_483 = arith.constant 0 : i32
      %dma_start3A_484 = tpu.memref_slice %arg7[%add3A_433, %dma_start3A_483] : memref<10000x64xf32, #tpu.memory_space<vmem_shared>> -> memref<80x64xf32, #tpu.memory_space<vmem_shared>>
      tpu.enqueue_dma source(%dma_start3A_484 : memref<80x64xf32, #tpu.memory_space<vmem_shared>>) target(%dma_start3A_482 : memref<80x64xf32, #tpu.memory_space<vmem>>) target_semaphore(%run_scoped3A_474 : memref<!tpu.dma_semaphore, #tpu.memory_space<semaphore_mem>>)
      %dma_wait3A_485 = arith.constant 0 : i32
      %dma_wait3A_486 = arith.constant 0 : i32
      %dma_wait3A_487 = tpu.memref_slice %arg11[%dma_wait3A_485, %dma_wait3A_486] : memref<80x64xf32, #tpu.memory_space<vmem>> -> memref<80x64xf32, #tpu.memory_space<vmem>>
      %dma_wait3A_488 = arith.constant 0 : i32
      %dma_wait3A_489 = tpu.memref_slice %arg7[%add3A_433, %dma_wait3A_488] : memref<10000x64xf32, #tpu.memory_space<vmem_shared>> -> memref<80x64xf32, #tpu.memory_space<vmem_shared>>
      %dma_wait3A_490 = arith.constant 0 : i32
      %dma_wait3A_491 = arith.constant 0 : i32
      %dma_wait3A_492 = tpu.memref_slice %arg11[%dma_wait3A_490, %dma_wait3A_491] : memref<80x64xf32, #tpu.memory_space<vmem>> -> memref<80x64xf32, #tpu.memory_space<vmem>>
      %dma_wait3A_493 = arith.constant 0 : i32
      %dma_wait3A_494 = tpu.memref_slice %arg7[%add3A_433, %dma_wait3A_493] : memref<10000x64xf32, #tpu.memory_space<vmem_shared>> -> memref<80x64xf32, #tpu.memory_space<vmem_shared>>
      tpu.wait_dma2 semaphore(%run_scoped3A_474 : memref<!tpu.dma_semaphore, #tpu.memory_space<semaphore_mem>>) src(%dma_wait3A_494 : memref<80x64xf32, #tpu.memory_space<vmem_shared>>) dst(%dma_wait3A_492 : memref<80x64xf32, #tpu.memory_space<vmem>>)
      tpu.yield
    }) : () -> ()
    "tpu.region"() ({
      %run_scoped3A_474 = tpu.sem_alloc : memref<!tpu.dma_semaphore, #tpu.memory_space<semaphore_mem>>
      %dma_start3A_475 = arith.constant 0 : i32
      %dma_start3A_476 = arith.constant 0 : i32
      %dma_start3A_477 = tpu.memref_slice %arg17[%dma_start3A_475, %dma_start3A_476] : memref<80x16xf32, #tpu.memory_space<vmem>> -> memref<80x16xf32, #tpu.memory_space<vmem>>
      %dma_start3A_478 = arith.constant 0 : i32
      %dma_start3A_479 = tpu.memref_slice %arg8[%add3A_433, %dma_start3A_478] : memref<10000x16xf32, #tpu.memory_space<vmem_shared>> -> memref<80x16xf32, #tpu.memory_space<vmem_shared>>
      %dma_start3A_480 = arith.constant 0 : i32
      %dma_start3A_481 = arith.constant 0 : i32
      %dma_start3A_482 = tpu.memref_slice %arg17[%dma_start3A_480, %dma_start3A_481] : memref<80x16xf32, #tpu.memory_space<vmem>> -> memref<80x16xf32, #tpu.memory_space<vmem>>
      %dma_start3A_483 = arith.constant 0 : i32
      %dma_start3A_484 = tpu.memref_slice %arg8[%add3A_433, %dma_start3A_483] : memref<10000x16xf32, #tpu.memory_space<vmem_shared>> -> memref<80x16xf32, #tpu.memory_space<vmem_shared>>
      tpu.enqueue_dma source(%dma_start3A_484 : memref<80x16xf32, #tpu.memory_space<vmem_shared>>) target(%dma_start3A_482 : memref<80x16xf32, #tpu.memory_space<vmem>>) target_semaphore(%run_scoped3A_474 : memref<!tpu.dma_semaphore, #tpu.memory_space<semaphore_mem>>)
      %dma_wait3A_485 = arith.constant 0 : i32
      %dma_wait3A_486 = arith.constant 0 : i32
      %dma_wait3A_487 = tpu.memref_slice %arg17[%dma_wait3A_485, %dma_wait3A_486] : memref<80x16xf32, #tpu.memory_space<vmem>> -> memref<80x16xf32, #tpu.memory_space<vmem>>
      %dma_wait3A_488 = arith.constant 0 : i32
      %dma_wait3A_489 = tpu.memref_slice %arg8[%add3A_433, %dma_wait3A_488] : memref<10000x16xf32, #tpu.memory_space<vmem_shared>> -> memref<80x16xf32, #tpu.memory_space<vmem_shared>>
      %dma_wait3A_490 = arith.constant 0 : i32
      %dma_wait3A_491 = arith.constant 0 : i32
      %dma_wait3A_492 = tpu.memref_slice %arg17[%dma_wait3A_490, %dma_wait3A_491] : memref<80x16xf32, #tpu.memory_space<vmem>> -> memref<80x16xf32, #tpu.memory_space<vmem>>
      %dma_wait3A_493 = arith.constant 0 : i32
      %dma_wait3A_494 = tpu.memref_slice %arg8[%add3A_433, %dma_wait3A_493] : memref<10000x16xf32, #tpu.memory_space<vmem_shared>> -> memref<80x16xf32, #tpu.memory_space<vmem_shared>>
      tpu.wait_dma2 semaphore(%run_scoped3A_474 : memref<!tpu.dma_semaphore, #tpu.memory_space<semaphore_mem>>) src(%dma_wait3A_494 : memref<80x16xf32, #tpu.memory_space<vmem_shared>>) dst(%dma_wait3A_492 : memref<80x16xf32, #tpu.memory_space<vmem>>)
      tpu.yield
    }) : () -> ()
    %scan3A_434 = arith.constant 0 : i32
    %scan3A_435 = arith.constant 80 : i32
    %scan3A_436 = arith.addi %scan3A_434, %scan3A_435 : i32
    %scan3A_437 = arith.constant 1 : i32
    scf.for %scan3A_474 = %scan3A_434 to %scan3A_436 step %scan3A_437  : i32 {
      %mul3A_475 = arith.constant 1 : i32
      %mul3A_476 = arith.muli %scan3A_474, %mul3A_475 : i32
      %add3A_477 = arith.constant 0 : i32
      %add3A_478 = arith.addi %add3A_477, %mul3A_476 : i32
      %get3A = arith.index_cast %add3A_478 : i32 to index
      %get3A_479 = arith.constant 0 : index
      %get3A_480 = tpu.vector_load %arg17[%get3A, %get3A_479] {strides = array<i32>} : memref<80x16xf32, #tpu.memory_space<vmem>>, vector<1x16xf32>,
      %get3A_481 = vector.shape_cast %get3A_480 : vector<1x16xf32> to vector<16xf32>
      %broadcast_in_dim3A = arith.constant 1.000000e+00 : f32
      %broadcast_in_dim3A_482 = vector.broadcast %broadcast_in_dim3A : f32 to vector<16xf32>
      %max3A = arith.maximumf %get3A_481, %broadcast_in_dim3A_482 : vector<16xf32>
      %get3A_483 = arith.index_cast %add3A_478 : i32 to index
      %get3A_484 = arith.constant 0 : index
      %get3A_485 = tpu.vector_load %arg11[%get3A_483, %get3A_484] {strides = array<i32>} : memref<80x64xf32, #tpu.memory_space<vmem>>, vector<1x16xf32>,
      %get3A_486 = vector.shape_cast %get3A_485 : vector<1x16xf32> to vector<16xf32>
      %div3A = arith.divf %get3A_486, %max3A : vector<16xf32>
      %swap3A = arith.index_cast %add3A_478 : i32 to index
      %swap3A_487 = arith.constant 0 : index
      %swap3A_488 = tpu.vector_load %arg11[%swap3A, %swap3A_487] {strides = array<i32>} : memref<80x64xf32, #tpu.memory_space<vmem>>, vector<1x16xf32>,
      %swap3A_489 = vector.shape_cast %swap3A_488 : vector<1x16xf32> to vector<16xf32>
      %swap3A_490 = vector.shape_cast %div3A : vector<16xf32> to vector<1x16xf32>
      tpu.vector_store %arg11[%swap3A, %swap3A_487], %swap3A_490 {strides = array<i32>} : memref<80x64xf32, #tpu.memory_space<vmem>>, vector<1x16xf32>,
      %get3A_491 = arith.index_cast %add3A_478 : i32 to index
      %get3A_492 = arith.constant 16 : index
      %get3A_493 = tpu.vector_load %arg11[%get3A_491, %get3A_492] {strides = array<i32>} : memref<80x64xf32, #tpu.memory_space<vmem>>, vector<1x16xf32>,
      %get3A_494 = vector.shape_cast %get3A_493 : vector<1x16xf32> to vector<16xf32>
      %div3A_495 = arith.divf %get3A_494, %max3A : vector<16xf32>
      %swap3A_496 = arith.index_cast %add3A_478 : i32 to index
      %swap3A_497 = arith.constant 16 : index
      %swap3A_498 = tpu.vector_load %arg11[%swap3A_496, %swap3A_497] {strides = array<i32>} : memref<80x64xf32, #tpu.memory_space<vmem>>, vector<1x16xf32>,
      %swap3A_499 = vector.shape_cast %swap3A_498 : vector<1x16xf32> to vector<16xf32>
      %swap3A_500 = vector.shape_cast %div3A_495 : vector<16xf32> to vector<1x16xf32>
      tpu.vector_store %arg11[%swap3A_496, %swap3A_497], %swap3A_500 {strides = array<i32>} : memref<80x64xf32, #tpu.memory_space<vmem>>, vector<1x16xf32>,
      %get3A_501 = arith.index_cast %add3A_478 : i32 to index
      %get3A_502 = arith.constant 32 : index
      %get3A_503 = tpu.vector_load %arg11[%get3A_501, %get3A_502] {strides = array<i32>} : memref<80x64xf32, #tpu.memory_space<vmem>>, vector<1x16xf32>,
      %get3A_504 = vector.shape_cast %get3A_503 : vector<1x16xf32> to vector<16xf32>
      %div3A_505 = arith.divf %get3A_504, %max3A : vector<16xf32>
      %swap3A_506 = arith.index_cast %add3A_478 : i32 to index
      %swap3A_507 = arith.constant 32 : index
      %swap3A_508 = tpu.vector_load %arg11[%swap3A_506, %swap3A_507] {strides = array<i32>} : memref<80x64xf32, #tpu.memory_space<vmem>>, vector<1x16xf32>,
      %swap3A_509 = vector.shape_cast %swap3A_508 : vector<1x16xf32> to vector<16xf32>
      %swap3A_510 = vector.shape_cast %div3A_505 : vector<16xf32> to vector<1x16xf32>
      tpu.vector_store %arg11[%swap3A_506, %swap3A_507], %swap3A_510 {strides = array<i32>} : memref<80x64xf32, #tpu.memory_space<vmem>>, vector<1x16xf32>,
      %get3A_511 = arith.index_cast %add3A_478 : i32 to index
      %get3A_512 = arith.constant 48 : index
      %get3A_513 = tpu.vector_load %arg11[%get3A_511, %get3A_512] {strides = array<i32>} : memref<80x64xf32, #tpu.memory_space<vmem>>, vector<1x16xf32>,
      %get3A_514 = vector.shape_cast %get3A_513 : vector<1x16xf32> to vector<16xf32>
      %div3A_515 = arith.divf %get3A_514, %max3A : vector<16xf32>
      %swap3A_516 = arith.index_cast %add3A_478 : i32 to index
      %swap3A_517 = arith.constant 48 : index
      %swap3A_518 = tpu.vector_load %arg11[%swap3A_516, %swap3A_517] {strides = array<i32>} : memref<80x64xf32, #tpu.memory_space<vmem>>, vector<1x16xf32>,
      %swap3A_519 = vector.shape_cast %swap3A_518 : vector<1x16xf32> to vector<16xf32>
      %swap3A_520 = vector.shape_cast %div3A_515 : vector<16xf32> to vector<1x16xf32>
      tpu.vector_store %arg11[%swap3A_516, %swap3A_517], %swap3A_520 {strides = array<i32>} : memref<80x64xf32, #tpu.memory_space<vmem>>, vector<1x16xf32>,
    }
    %scan3A_438 = arith.constant 80 : i32
    %mul3A_439 = arith.constant 64 : i32
    %mul3A_440 = arith.muli %arg0, %mul3A_439 : i32
    %multiple_of3A_441 = tpu.assume_multiple %mul3A_440, 64 : i32
    "tpu.region"() ({
      %run_scoped3A_474 = tpu.sem_alloc : memref<!tpu.dma_semaphore, #tpu.memory_space<semaphore_mem>>
      %dma_start3A_475 = arith.constant 0 : i32
      %dma_start3A_476 = arith.constant 0 : i32
      %dma_start3A_477 = tpu.memref_slice %arg11[%dma_start3A_475, %dma_start3A_476] : memref<80x64xf32, #tpu.memory_space<vmem>> -> memref<80x64xf32, #tpu.memory_space<vmem>>
      %dma_start3A_478 = tpu.memref_slice %arg6[%add3A_433, %multiple_of3A_441] : memref<10000x128xf32, #tpu.memory_space<hbm>> -> memref<80x64xf32, #tpu.memory_space<hbm>>
      %dma_start3A_479 = tpu.memref_slice %arg6[%add3A_433, %multiple_of3A_441] : memref<10000x128xf32, #tpu.memory_space<hbm>> -> memref<80x64xf32, #tpu.memory_space<hbm>>
      %dma_start3A_480 = arith.constant 0 : i32
      %dma_start3A_481 = arith.constant 0 : i32
      %dma_start3A_482 = tpu.memref_slice %arg11[%dma_start3A_480, %dma_start3A_481] : memref<80x64xf32, #tpu.memory_space<vmem>> -> memref<80x64xf32, #tpu.memory_space<vmem>>
      tpu.enqueue_dma source(%dma_start3A_482 : memref<80x64xf32, #tpu.memory_space<vmem>>) target(%dma_start3A_479 : memref<80x64xf32, #tpu.memory_space<hbm>>) target_semaphore(%run_scoped3A_474 : memref<!tpu.dma_semaphore, #tpu.memory_space<semaphore_mem>>)
      %dma_wait3A_483 = arith.constant 0 : i32
      %dma_wait3A_484 = arith.constant 0 : i32
      %dma_wait3A_485 = tpu.memref_slice %arg11[%dma_wait3A_483, %dma_wait3A_484] : memref<80x64xf32, #tpu.memory_space<vmem>> -> memref<80x64xf32, #tpu.memory_space<vmem>>
      %dma_wait3A_486 = tpu.memref_slice %arg6[%add3A_433, %multiple_of3A_441] : memref<10000x128xf32, #tpu.memory_space<hbm>> -> memref<80x64xf32, #tpu.memory_space<hbm>>
      %dma_wait3A_487 = tpu.memref_slice %arg6[%add3A_433, %multiple_of3A_441] : memref<10000x128xf32, #tpu.memory_space<hbm>> -> memref<80x64xf32, #tpu.memory_space<hbm>>
      %dma_wait3A_488 = arith.constant 0 : i32
      %dma_wait3A_489 = arith.constant 0 : i32
      %dma_wait3A_490 = tpu.memref_slice %arg11[%dma_wait3A_488, %dma_wait3A_489] : memref<80x64xf32, #tpu.memory_space<vmem>> -> memref<80x64xf32, #tpu.memory_space<vmem>>
      tpu.wait_dma2 semaphore(%run_scoped3A_474 : memref<!tpu.dma_semaphore, #tpu.memory_space<semaphore_mem>>) src(%dma_wait3A_490 : memref<80x64xf32, #tpu.memory_space<vmem>>) dst(%dma_wait3A_487 : memref<80x64xf32, #tpu.memory_space<hbm>>)
      tpu.yield
    }) : () -> ()
    %add3A_442 = arith.constant 400 : i32
    %add3A_443 = arith.addi %mul3A_4, %add3A_442 : i32
    "tpu.region"() ({
      %run_scoped3A_474 = tpu.sem_alloc : memref<!tpu.dma_semaphore, #tpu.memory_space<semaphore_mem>>
      %dma_start3A_475 = arith.constant 0 : i32
      %dma_start3A_476 = arith.constant 0 : i32
      %dma_start3A_477 = tpu.memref_slice %arg12[%dma_start3A_475, %dma_start3A_476] : memref<80x64xf32, #tpu.memory_space<vmem>> -> memref<80x64xf32, #tpu.memory_space<vmem>>
      %dma_start3A_478 = arith.constant 0 : i32
      %dma_start3A_479 = tpu.memref_slice %arg7[%add3A_443, %dma_start3A_478] : memref<10000x64xf32, #tpu.memory_space<vmem_shared>> -> memref<80x64xf32, #tpu.memory_space<vmem_shared>>
      %dma_start3A_480 = arith.constant 0 : i32
      %dma_start3A_481 = arith.constant 0 : i32
      %dma_start3A_482 = tpu.memref_slice %arg12[%dma_start3A_480, %dma_start3A_481] : memref<80x64xf32, #tpu.memory_space<vmem>> -> memref<80x64xf32, #tpu.memory_space<vmem>>
      %dma_start3A_483 = arith.constant 0 : i32
      %dma_start3A_484 = tpu.memref_slice %arg7[%add3A_443, %dma_start3A_483] : memref<10000x64xf32, #tpu.memory_space<vmem_shared>> -> memref<80x64xf32, #tpu.memory_space<vmem_shared>>
      tpu.enqueue_dma source(%dma_start3A_484 : memref<80x64xf32, #tpu.memory_space<vmem_shared>>) target(%dma_start3A_482 : memref<80x64xf32, #tpu.memory_space<vmem>>) target_semaphore(%run_scoped3A_474 : memref<!tpu.dma_semaphore, #tpu.memory_space<semaphore_mem>>)
      %dma_wait3A_485 = arith.constant 0 : i32
      %dma_wait3A_486 = arith.constant 0 : i32
      %dma_wait3A_487 = tpu.memref_slice %arg12[%dma_wait3A_485, %dma_wait3A_486] : memref<80x64xf32, #tpu.memory_space<vmem>> -> memref<80x64xf32, #tpu.memory_space<vmem>>
      %dma_wait3A_488 = arith.constant 0 : i32
      %dma_wait3A_489 = tpu.memref_slice %arg7[%add3A_443, %dma_wait3A_488] : memref<10000x64xf32, #tpu.memory_space<vmem_shared>> -> memref<80x64xf32, #tpu.memory_space<vmem_shared>>
      %dma_wait3A_490 = arith.constant 0 : i32
      %dma_wait3A_491 = arith.constant 0 : i32
      %dma_wait3A_492 = tpu.memref_slice %arg12[%dma_wait3A_490, %dma_wait3A_491] : memref<80x64xf32, #tpu.memory_space<vmem>> -> memref<80x64xf32, #tpu.memory_space<vmem>>
      %dma_wait3A_493 = arith.constant 0 : i32
      %dma_wait3A_494 = tpu.memref_slice %arg7[%add3A_443, %dma_wait3A_493] : memref<10000x64xf32, #tpu.memory_space<vmem_shared>> -> memref<80x64xf32, #tpu.memory_space<vmem_shared>>
      tpu.wait_dma2 semaphore(%run_scoped3A_474 : memref<!tpu.dma_semaphore, #tpu.memory_space<semaphore_mem>>) src(%dma_wait3A_494 : memref<80x64xf32, #tpu.memory_space<vmem_shared>>) dst(%dma_wait3A_492 : memref<80x64xf32, #tpu.memory_space<vmem>>)
      tpu.yield
    }) : () -> ()
    "tpu.region"() ({
      %run_scoped3A_474 = tpu.sem_alloc : memref<!tpu.dma_semaphore, #tpu.memory_space<semaphore_mem>>
      %dma_start3A_475 = arith.constant 0 : i32
      %dma_start3A_476 = arith.constant 0 : i32
      %dma_start3A_477 = tpu.memref_slice %arg17[%dma_start3A_475, %dma_start3A_476] : memref<80x16xf32, #tpu.memory_space<vmem>> -> memref<80x16xf32, #tpu.memory_space<vmem>>
      %dma_start3A_478 = arith.constant 0 : i32
      %dma_start3A_479 = tpu.memref_slice %arg8[%add3A_443, %dma_start3A_478] : memref<10000x16xf32, #tpu.memory_space<vmem_shared>> -> memref<80x16xf32, #tpu.memory_space<vmem_shared>>
      %dma_start3A_480 = arith.constant 0 : i32
      %dma_start3A_481 = arith.constant 0 : i32
      %dma_start3A_482 = tpu.memref_slice %arg17[%dma_start3A_480, %dma_start3A_481] : memref<80x16xf32, #tpu.memory_space<vmem>> -> memref<80x16xf32, #tpu.memory_space<vmem>>
      %dma_start3A_483 = arith.constant 0 : i32
      %dma_start3A_484 = tpu.memref_slice %arg8[%add3A_443, %dma_start3A_483] : memref<10000x16xf32, #tpu.memory_space<vmem_shared>> -> memref<80x16xf32, #tpu.memory_space<vmem_shared>>
      tpu.enqueue_dma source(%dma_start3A_484 : memref<80x16xf32, #tpu.memory_space<vmem_shared>>) target(%dma_start3A_482 : memref<80x16xf32, #tpu.memory_space<vmem>>) target_semaphore(%run_scoped3A_474 : memref<!tpu.dma_semaphore, #tpu.memory_space<semaphore_mem>>)
      %dma_wait3A_485 = arith.constant 0 : i32
      %dma_wait3A_486 = arith.constant 0 : i32
      %dma_wait3A_487 = tpu.memref_slice %arg17[%dma_wait3A_485, %dma_wait3A_486] : memref<80x16xf32, #tpu.memory_space<vmem>> -> memref<80x16xf32, #tpu.memory_space<vmem>>
      %dma_wait3A_488 = arith.constant 0 : i32
      %dma_wait3A_489 = tpu.memref_slice %arg8[%add3A_443, %dma_wait3A_488] : memref<10000x16xf32, #tpu.memory_space<vmem_shared>> -> memref<80x16xf32, #tpu.memory_space<vmem_shared>>
      %dma_wait3A_490 = arith.constant 0 : i32
      %dma_wait3A_491 = arith.constant 0 : i32
      %dma_wait3A_492 = tpu.memref_slice %arg17[%dma_wait3A_490, %dma_wait3A_491] : memref<80x16xf32, #tpu.memory_space<vmem>> -> memref<80x16xf32, #tpu.memory_space<vmem>>
      %dma_wait3A_493 = arith.constant 0 : i32
      %dma_wait3A_494 = tpu.memref_slice %arg8[%add3A_443, %dma_wait3A_493] : memref<10000x16xf32, #tpu.memory_space<vmem_shared>> -> memref<80x16xf32, #tpu.memory_space<vmem_shared>>
      tpu.wait_dma2 semaphore(%run_scoped3A_474 : memref<!tpu.dma_semaphore, #tpu.memory_space<semaphore_mem>>) src(%dma_wait3A_494 : memref<80x16xf32, #tpu.memory_space<vmem_shared>>) dst(%dma_wait3A_492 : memref<80x16xf32, #tpu.memory_space<vmem>>)
      tpu.yield
    }) : () -> ()
    %scan3A_444 = arith.constant 0 : i32
    %scan3A_445 = arith.constant 80 : i32
    %scan3A_446 = arith.addi %scan3A_444, %scan3A_445 : i32
    %scan3A_447 = arith.constant 1 : i32
    scf.for %scan3A_474 = %scan3A_444 to %scan3A_446 step %scan3A_447  : i32 {
      %mul3A_475 = arith.constant 1 : i32
      %mul3A_476 = arith.muli %scan3A_474, %mul3A_475 : i32
      %add3A_477 = arith.constant 0 : i32
      %add3A_478 = arith.addi %add3A_477, %mul3A_476 : i32
      %get3A = arith.index_cast %add3A_478 : i32 to index
      %get3A_479 = arith.constant 0 : index
      %get3A_480 = tpu.vector_load %arg17[%get3A, %get3A_479] {strides = array<i32>} : memref<80x16xf32, #tpu.memory_space<vmem>>, vector<1x16xf32>,
      %get3A_481 = vector.shape_cast %get3A_480 : vector<1x16xf32> to vector<16xf32>
      %broadcast_in_dim3A = arith.constant 1.000000e+00 : f32
      %broadcast_in_dim3A_482 = vector.broadcast %broadcast_in_dim3A : f32 to vector<16xf32>
      %max3A = arith.maximumf %get3A_481, %broadcast_in_dim3A_482 : vector<16xf32>
      %get3A_483 = arith.index_cast %add3A_478 : i32 to index
      %get3A_484 = arith.constant 0 : index
      %get3A_485 = tpu.vector_load %arg12[%get3A_483, %get3A_484] {strides = array<i32>} : memref<80x64xf32, #tpu.memory_space<vmem>>, vector<1x16xf32>,
      %get3A_486 = vector.shape_cast %get3A_485 : vector<1x16xf32> to vector<16xf32>
      %div3A = arith.divf %get3A_486, %max3A : vector<16xf32>
      %swap3A = arith.index_cast %add3A_478 : i32 to index
      %swap3A_487 = arith.constant 0 : index
      %swap3A_488 = tpu.vector_load %arg12[%swap3A, %swap3A_487] {strides = array<i32>} : memref<80x64xf32, #tpu.memory_space<vmem>>, vector<1x16xf32>,
      %swap3A_489 = vector.shape_cast %swap3A_488 : vector<1x16xf32> to vector<16xf32>
      %swap3A_490 = vector.shape_cast %div3A : vector<16xf32> to vector<1x16xf32>
      tpu.vector_store %arg12[%swap3A, %swap3A_487], %swap3A_490 {strides = array<i32>} : memref<80x64xf32, #tpu.memory_space<vmem>>, vector<1x16xf32>,
      %get3A_491 = arith.index_cast %add3A_478 : i32 to index
      %get3A_492 = arith.constant 16 : index
      %get3A_493 = tpu.vector_load %arg12[%get3A_491, %get3A_492] {strides = array<i32>} : memref<80x64xf32, #tpu.memory_space<vmem>>, vector<1x16xf32>,
      %get3A_494 = vector.shape_cast %get3A_493 : vector<1x16xf32> to vector<16xf32>
      %div3A_495 = arith.divf %get3A_494, %max3A : vector<16xf32>
      %swap3A_496 = arith.index_cast %add3A_478 : i32 to index
      %swap3A_497 = arith.constant 16 : index
      %swap3A_498 = tpu.vector_load %arg12[%swap3A_496, %swap3A_497] {strides = array<i32>} : memref<80x64xf32, #tpu.memory_space<vmem>>, vector<1x16xf32>,
      %swap3A_499 = vector.shape_cast %swap3A_498 : vector<1x16xf32> to vector<16xf32>
      %swap3A_500 = vector.shape_cast %div3A_495 : vector<16xf32> to vector<1x16xf32>
      tpu.vector_store %arg12[%swap3A_496, %swap3A_497], %swap3A_500 {strides = array<i32>} : memref<80x64xf32, #tpu.memory_space<vmem>>, vector<1x16xf32>,
      %get3A_501 = arith.index_cast %add3A_478 : i32 to index
      %get3A_502 = arith.constant 32 : index
      %get3A_503 = tpu.vector_load %arg12[%get3A_501, %get3A_502] {strides = array<i32>} : memref<80x64xf32, #tpu.memory_space<vmem>>, vector<1x16xf32>,
      %get3A_504 = vector.shape_cast %get3A_503 : vector<1x16xf32> to vector<16xf32>
      %div3A_505 = arith.divf %get3A_504, %max3A : vector<16xf32>
      %swap3A_506 = arith.index_cast %add3A_478 : i32 to index
      %swap3A_507 = arith.constant 32 : index
      %swap3A_508 = tpu.vector_load %arg12[%swap3A_506, %swap3A_507] {strides = array<i32>} : memref<80x64xf32, #tpu.memory_space<vmem>>, vector<1x16xf32>,
      %swap3A_509 = vector.shape_cast %swap3A_508 : vector<1x16xf32> to vector<16xf32>
      %swap3A_510 = vector.shape_cast %div3A_505 : vector<16xf32> to vector<1x16xf32>
      tpu.vector_store %arg12[%swap3A_506, %swap3A_507], %swap3A_510 {strides = array<i32>} : memref<80x64xf32, #tpu.memory_space<vmem>>, vector<1x16xf32>,
      %get3A_511 = arith.index_cast %add3A_478 : i32 to index
      %get3A_512 = arith.constant 48 : index
      %get3A_513 = tpu.vector_load %arg12[%get3A_511, %get3A_512] {strides = array<i32>} : memref<80x64xf32, #tpu.memory_space<vmem>>, vector<1x16xf32>,
      %get3A_514 = vector.shape_cast %get3A_513 : vector<1x16xf32> to vector<16xf32>
      %div3A_515 = arith.divf %get3A_514, %max3A : vector<16xf32>
      %swap3A_516 = arith.index_cast %add3A_478 : i32 to index
      %swap3A_517 = arith.constant 48 : index
      %swap3A_518 = tpu.vector_load %arg12[%swap3A_516, %swap3A_517] {strides = array<i32>} : memref<80x64xf32, #tpu.memory_space<vmem>>, vector<1x16xf32>,
      %swap3A_519 = vector.shape_cast %swap3A_518 : vector<1x16xf32> to vector<16xf32>
      %swap3A_520 = vector.shape_cast %div3A_515 : vector<16xf32> to vector<1x16xf32>
      tpu.vector_store %arg12[%swap3A_516, %swap3A_517], %swap3A_520 {strides = array<i32>} : memref<80x64xf32, #tpu.memory_space<vmem>>, vector<1x16xf32>,
    }
    %scan3A_448 = arith.constant 80 : i32
    %mul3A_449 = arith.constant 64 : i32
    %mul3A_450 = arith.muli %arg0, %mul3A_449 : i32
    %multiple_of3A_451 = tpu.assume_multiple %mul3A_450, 64 : i32
    "tpu.region"() ({
      %run_scoped3A_474 = tpu.sem_alloc : memref<!tpu.dma_semaphore, #tpu.memory_space<semaphore_mem>>
      %dma_start3A_475 = arith.constant 0 : i32
      %dma_start3A_476 = arith.constant 0 : i32
      %dma_start3A_477 = tpu.memref_slice %arg12[%dma_start3A_475, %dma_start3A_476] : memref<80x64xf32, #tpu.memory_space<vmem>> -> memref<80x64xf32, #tpu.memory_space<vmem>>
      %dma_start3A_478 = tpu.memref_slice %arg6[%add3A_443, %multiple_of3A_451] : memref<10000x128xf32, #tpu.memory_space<hbm>> -> memref<80x64xf32, #tpu.memory_space<hbm>>
      %dma_start3A_479 = tpu.memref_slice %arg6[%add3A_443, %multiple_of3A_451] : memref<10000x128xf32, #tpu.memory_space<hbm>> -> memref<80x64xf32, #tpu.memory_space<hbm>>
      %dma_start3A_480 = arith.constant 0 : i32
      %dma_start3A_481 = arith.constant 0 : i32
      %dma_start3A_482 = tpu.memref_slice %arg12[%dma_start3A_480, %dma_start3A_481] : memref<80x64xf32, #tpu.memory_space<vmem>> -> memref<80x64xf32, #tpu.memory_space<vmem>>
      tpu.enqueue_dma source(%dma_start3A_482 : memref<80x64xf32, #tpu.memory_space<vmem>>) target(%dma_start3A_479 : memref<80x64xf32, #tpu.memory_space<hbm>>) target_semaphore(%run_scoped3A_474 : memref<!tpu.dma_semaphore, #tpu.memory_space<semaphore_mem>>)
      %dma_wait3A_483 = arith.constant 0 : i32
      %dma_wait3A_484 = arith.constant 0 : i32
      %dma_wait3A_485 = tpu.memref_slice %arg12[%dma_wait3A_483, %dma_wait3A_484] : memref<80x64xf32, #tpu.memory_space<vmem>> -> memref<80x64xf32, #tpu.memory_space<vmem>>
      %dma_wait3A_486 = tpu.memref_slice %arg6[%add3A_443, %multiple_of3A_451] : memref<10000x128xf32, #tpu.memory_space<hbm>> -> memref<80x64xf32, #tpu.memory_space<hbm>>
      %dma_wait3A_487 = tpu.memref_slice %arg6[%add3A_443, %multiple_of3A_451] : memref<10000x128xf32, #tpu.memory_space<hbm>> -> memref<80x64xf32, #tpu.memory_space<hbm>>
      %dma_wait3A_488 = arith.constant 0 : i32
      %dma_wait3A_489 = arith.constant 0 : i32
      %dma_wait3A_490 = tpu.memref_slice %arg12[%dma_wait3A_488, %dma_wait3A_489] : memref<80x64xf32, #tpu.memory_space<vmem>> -> memref<80x64xf32, #tpu.memory_space<vmem>>
      tpu.wait_dma2 semaphore(%run_scoped3A_474 : memref<!tpu.dma_semaphore, #tpu.memory_space<semaphore_mem>>) src(%dma_wait3A_490 : memref<80x64xf32, #tpu.memory_space<vmem>>) dst(%dma_wait3A_487 : memref<80x64xf32, #tpu.memory_space<hbm>>)
      tpu.yield
    }) : () -> ()
    %add3A_452 = arith.constant 480 : i32
    %add3A_453 = arith.addi %mul3A_4, %add3A_452 : i32
    "tpu.region"() ({
      %run_scoped3A_474 = tpu.sem_alloc : memref<!tpu.dma_semaphore, #tpu.memory_space<semaphore_mem>>
      %dma_start3A_475 = arith.constant 0 : i32
      %dma_start3A_476 = arith.constant 0 : i32
      %dma_start3A_477 = tpu.memref_slice %arg11[%dma_start3A_475, %dma_start3A_476] : memref<80x64xf32, #tpu.memory_space<vmem>> -> memref<80x64xf32, #tpu.memory_space<vmem>>
      %dma_start3A_478 = arith.constant 0 : i32
      %dma_start3A_479 = tpu.memref_slice %arg7[%add3A_453, %dma_start3A_478] : memref<10000x64xf32, #tpu.memory_space<vmem_shared>> -> memref<80x64xf32, #tpu.memory_space<vmem_shared>>
      %dma_start3A_480 = arith.constant 0 : i32
      %dma_start3A_481 = arith.constant 0 : i32
      %dma_start3A_482 = tpu.memref_slice %arg11[%dma_start3A_480, %dma_start3A_481] : memref<80x64xf32, #tpu.memory_space<vmem>> -> memref<80x64xf32, #tpu.memory_space<vmem>>
      %dma_start3A_483 = arith.constant 0 : i32
      %dma_start3A_484 = tpu.memref_slice %arg7[%add3A_453, %dma_start3A_483] : memref<10000x64xf32, #tpu.memory_space<vmem_shared>> -> memref<80x64xf32, #tpu.memory_space<vmem_shared>>
      tpu.enqueue_dma source(%dma_start3A_484 : memref<80x64xf32, #tpu.memory_space<vmem_shared>>) target(%dma_start3A_482 : memref<80x64xf32, #tpu.memory_space<vmem>>) target_semaphore(%run_scoped3A_474 : memref<!tpu.dma_semaphore, #tpu.memory_space<semaphore_mem>>)
      %dma_wait3A_485 = arith.constant 0 : i32
      %dma_wait3A_486 = arith.constant 0 : i32
      %dma_wait3A_487 = tpu.memref_slice %arg11[%dma_wait3A_485, %dma_wait3A_486] : memref<80x64xf32, #tpu.memory_space<vmem>> -> memref<80x64xf32, #tpu.memory_space<vmem>>
      %dma_wait3A_488 = arith.constant 0 : i32
      %dma_wait3A_489 = tpu.memref_slice %arg7[%add3A_453, %dma_wait3A_488] : memref<10000x64xf32, #tpu.memory_space<vmem_shared>> -> memref<80x64xf32, #tpu.memory_space<vmem_shared>>
      %dma_wait3A_490 = arith.constant 0 : i32
      %dma_wait3A_491 = arith.constant 0 : i32
      %dma_wait3A_492 = tpu.memref_slice %arg11[%dma_wait3A_490, %dma_wait3A_491] : memref<80x64xf32, #tpu.memory_space<vmem>> -> memref<80x64xf32, #tpu.memory_space<vmem>>
      %dma_wait3A_493 = arith.constant 0 : i32
      %dma_wait3A_494 = tpu.memref_slice %arg7[%add3A_453, %dma_wait3A_493] : memref<10000x64xf32, #tpu.memory_space<vmem_shared>> -> memref<80x64xf32, #tpu.memory_space<vmem_shared>>
      tpu.wait_dma2 semaphore(%run_scoped3A_474 : memref<!tpu.dma_semaphore, #tpu.memory_space<semaphore_mem>>) src(%dma_wait3A_494 : memref<80x64xf32, #tpu.memory_space<vmem_shared>>) dst(%dma_wait3A_492 : memref<80x64xf32, #tpu.memory_space<vmem>>)
      tpu.yield
    }) : () -> ()
    "tpu.region"() ({
      %run_scoped3A_474 = tpu.sem_alloc : memref<!tpu.dma_semaphore, #tpu.memory_space<semaphore_mem>>
      %dma_start3A_475 = arith.constant 0 : i32
      %dma_start3A_476 = arith.constant 0 : i32
      %dma_start3A_477 = tpu.memref_slice %arg17[%dma_start3A_475, %dma_start3A_476] : memref<80x16xf32, #tpu.memory_space<vmem>> -> memref<80x16xf32, #tpu.memory_space<vmem>>
      %dma_start3A_478 = arith.constant 0 : i32
      %dma_start3A_479 = tpu.memref_slice %arg8[%add3A_453, %dma_start3A_478] : memref<10000x16xf32, #tpu.memory_space<vmem_shared>> -> memref<80x16xf32, #tpu.memory_space<vmem_shared>>
      %dma_start3A_480 = arith.constant 0 : i32
      %dma_start3A_481 = arith.constant 0 : i32
      %dma_start3A_482 = tpu.memref_slice %arg17[%dma_start3A_480, %dma_start3A_481] : memref<80x16xf32, #tpu.memory_space<vmem>> -> memref<80x16xf32, #tpu.memory_space<vmem>>
      %dma_start3A_483 = arith.constant 0 : i32
      %dma_start3A_484 = tpu.memref_slice %arg8[%add3A_453, %dma_start3A_483] : memref<10000x16xf32, #tpu.memory_space<vmem_shared>> -> memref<80x16xf32, #tpu.memory_space<vmem_shared>>
      tpu.enqueue_dma source(%dma_start3A_484 : memref<80x16xf32, #tpu.memory_space<vmem_shared>>) target(%dma_start3A_482 : memref<80x16xf32, #tpu.memory_space<vmem>>) target_semaphore(%run_scoped3A_474 : memref<!tpu.dma_semaphore, #tpu.memory_space<semaphore_mem>>)
      %dma_wait3A_485 = arith.constant 0 : i32
      %dma_wait3A_486 = arith.constant 0 : i32
      %dma_wait3A_487 = tpu.memref_slice %arg17[%dma_wait3A_485, %dma_wait3A_486] : memref<80x16xf32, #tpu.memory_space<vmem>> -> memref<80x16xf32, #tpu.memory_space<vmem>>
      %dma_wait3A_488 = arith.constant 0 : i32
      %dma_wait3A_489 = tpu.memref_slice %arg8[%add3A_453, %dma_wait3A_488] : memref<10000x16xf32, #tpu.memory_space<vmem_shared>> -> memref<80x16xf32, #tpu.memory_space<vmem_shared>>
      %dma_wait3A_490 = arith.constant 0 : i32
      %dma_wait3A_491 = arith.constant 0 : i32
      %dma_wait3A_492 = tpu.memref_slice %arg17[%dma_wait3A_490, %dma_wait3A_491] : memref<80x16xf32, #tpu.memory_space<vmem>> -> memref<80x16xf32, #tpu.memory_space<vmem>>
      %dma_wait3A_493 = arith.constant 0 : i32
      %dma_wait3A_494 = tpu.memref_slice %arg8[%add3A_453, %dma_wait3A_493] : memref<10000x16xf32, #tpu.memory_space<vmem_shared>> -> memref<80x16xf32, #tpu.memory_space<vmem_shared>>
      tpu.wait_dma2 semaphore(%run_scoped3A_474 : memref<!tpu.dma_semaphore, #tpu.memory_space<semaphore_mem>>) src(%dma_wait3A_494 : memref<80x16xf32, #tpu.memory_space<vmem_shared>>) dst(%dma_wait3A_492 : memref<80x16xf32, #tpu.memory_space<vmem>>)
      tpu.yield
    }) : () -> ()
    %scan3A_454 = arith.constant 0 : i32
    %scan3A_455 = arith.constant 80 : i32
    %scan3A_456 = arith.addi %scan3A_454, %scan3A_455 : i32
    %scan3A_457 = arith.constant 1 : i32
    scf.for %scan3A_474 = %scan3A_454 to %scan3A_456 step %scan3A_457  : i32 {
      %mul3A_475 = arith.constant 1 : i32
      %mul3A_476 = arith.muli %scan3A_474, %mul3A_475 : i32
      %add3A_477 = arith.constant 0 : i32
      %add3A_478 = arith.addi %add3A_477, %mul3A_476 : i32
      %get3A = arith.index_cast %add3A_478 : i32 to index
      %get3A_479 = arith.constant 0 : index
      %get3A_480 = tpu.vector_load %arg17[%get3A, %get3A_479] {strides = array<i32>} : memref<80x16xf32, #tpu.memory_space<vmem>>, vector<1x16xf32>,
      %get3A_481 = vector.shape_cast %get3A_480 : vector<1x16xf32> to vector<16xf32>
      %broadcast_in_dim3A = arith.constant 1.000000e+00 : f32
      %broadcast_in_dim3A_482 = vector.broadcast %broadcast_in_dim3A : f32 to vector<16xf32>
      %max3A = arith.maximumf %get3A_481, %broadcast_in_dim3A_482 : vector<16xf32>
      %get3A_483 = arith.index_cast %add3A_478 : i32 to index
      %get3A_484 = arith.constant 0 : index
      %get3A_485 = tpu.vector_load %arg11[%get3A_483, %get3A_484] {strides = array<i32>} : memref<80x64xf32, #tpu.memory_space<vmem>>, vector<1x16xf32>,
      %get3A_486 = vector.shape_cast %get3A_485 : vector<1x16xf32> to vector<16xf32>
      %div3A = arith.divf %get3A_486, %max3A : vector<16xf32>
      %swap3A = arith.index_cast %add3A_478 : i32 to index
      %swap3A_487 = arith.constant 0 : index
      %swap3A_488 = tpu.vector_load %arg11[%swap3A, %swap3A_487] {strides = array<i32>} : memref<80x64xf32, #tpu.memory_space<vmem>>, vector<1x16xf32>,
      %swap3A_489 = vector.shape_cast %swap3A_488 : vector<1x16xf32> to vector<16xf32>
      %swap3A_490 = vector.shape_cast %div3A : vector<16xf32> to vector<1x16xf32>
      tpu.vector_store %arg11[%swap3A, %swap3A_487], %swap3A_490 {strides = array<i32>} : memref<80x64xf32, #tpu.memory_space<vmem>>, vector<1x16xf32>,
      %get3A_491 = arith.index_cast %add3A_478 : i32 to index
      %get3A_492 = arith.constant 16 : index
      %get3A_493 = tpu.vector_load %arg11[%get3A_491, %get3A_492] {strides = array<i32>} : memref<80x64xf32, #tpu.memory_space<vmem>>, vector<1x16xf32>,
      %get3A_494 = vector.shape_cast %get3A_493 : vector<1x16xf32> to vector<16xf32>
      %div3A_495 = arith.divf %get3A_494, %max3A : vector<16xf32>
      %swap3A_496 = arith.index_cast %add3A_478 : i32 to index
      %swap3A_497 = arith.constant 16 : index
      %swap3A_498 = tpu.vector_load %arg11[%swap3A_496, %swap3A_497] {strides = array<i32>} : memref<80x64xf32, #tpu.memory_space<vmem>>, vector<1x16xf32>,
      %swap3A_499 = vector.shape_cast %swap3A_498 : vector<1x16xf32> to vector<16xf32>
      %swap3A_500 = vector.shape_cast %div3A_495 : vector<16xf32> to vector<1x16xf32>
      tpu.vector_store %arg11[%swap3A_496, %swap3A_497], %swap3A_500 {strides = array<i32>} : memref<80x64xf32, #tpu.memory_space<vmem>>, vector<1x16xf32>,
      %get3A_501 = arith.index_cast %add3A_478 : i32 to index
      %get3A_502 = arith.constant 32 : index
      %get3A_503 = tpu.vector_load %arg11[%get3A_501, %get3A_502] {strides = array<i32>} : memref<80x64xf32, #tpu.memory_space<vmem>>, vector<1x16xf32>,
      %get3A_504 = vector.shape_cast %get3A_503 : vector<1x16xf32> to vector<16xf32>
      %div3A_505 = arith.divf %get3A_504, %max3A : vector<16xf32>
      %swap3A_506 = arith.index_cast %add3A_478 : i32 to index
      %swap3A_507 = arith.constant 32 : index
      %swap3A_508 = tpu.vector_load %arg11[%swap3A_506, %swap3A_507] {strides = array<i32>} : memref<80x64xf32, #tpu.memory_space<vmem>>, vector<1x16xf32>,
      %swap3A_509 = vector.shape_cast %swap3A_508 : vector<1x16xf32> to vector<16xf32>
      %swap3A_510 = vector.shape_cast %div3A_505 : vector<16xf32> to vector<1x16xf32>
      tpu.vector_store %arg11[%swap3A_506, %swap3A_507], %swap3A_510 {strides = array<i32>} : memref<80x64xf32, #tpu.memory_space<vmem>>, vector<1x16xf32>,
      %get3A_511 = arith.index_cast %add3A_478 : i32 to index
      %get3A_512 = arith.constant 48 : index
      %get3A_513 = tpu.vector_load %arg11[%get3A_511, %get3A_512] {strides = array<i32>} : memref<80x64xf32, #tpu.memory_space<vmem>>, vector<1x16xf32>,
      %get3A_514 = vector.shape_cast %get3A_513 : vector<1x16xf32> to vector<16xf32>
      %div3A_515 = arith.divf %get3A_514, %max3A : vector<16xf32>
      %swap3A_516 = arith.index_cast %add3A_478 : i32 to index
      %swap3A_517 = arith.constant 48 : index
      %swap3A_518 = tpu.vector_load %arg11[%swap3A_516, %swap3A_517] {strides = array<i32>} : memref<80x64xf32, #tpu.memory_space<vmem>>, vector<1x16xf32>,
      %swap3A_519 = vector.shape_cast %swap3A_518 : vector<1x16xf32> to vector<16xf32>
      %swap3A_520 = vector.shape_cast %div3A_515 : vector<16xf32> to vector<1x16xf32>
      tpu.vector_store %arg11[%swap3A_516, %swap3A_517], %swap3A_520 {strides = array<i32>} : memref<80x64xf32, #tpu.memory_space<vmem>>, vector<1x16xf32>,
    }
    %scan3A_458 = arith.constant 80 : i32
    %mul3A_459 = arith.constant 64 : i32
    %mul3A_460 = arith.muli %arg0, %mul3A_459 : i32
    %multiple_of3A_461 = tpu.assume_multiple %mul3A_460, 64 : i32
    "tpu.region"() ({
      %run_scoped3A_474 = tpu.sem_alloc : memref<!tpu.dma_semaphore, #tpu.memory_space<semaphore_mem>>
      %dma_start3A_475 = arith.constant 0 : i32
      %dma_start3A_476 = arith.constant 0 : i32
      %dma_start3A_477 = tpu.memref_slice %arg11[%dma_start3A_475, %dma_start3A_476] : memref<80x64xf32, #tpu.memory_space<vmem>> -> memref<80x64xf32, #tpu.memory_space<vmem>>
      %dma_start3A_478 = tpu.memref_slice %arg6[%add3A_453, %multiple_of3A_461] : memref<10000x128xf32, #tpu.memory_space<hbm>> -> memref<80x64xf32, #tpu.memory_space<hbm>>
      %dma_start3A_479 = tpu.memref_slice %arg6[%add3A_453, %multiple_of3A_461] : memref<10000x128xf32, #tpu.memory_space<hbm>> -> memref<80x64xf32, #tpu.memory_space<hbm>>
      %dma_start3A_480 = arith.constant 0 : i32
      %dma_start3A_481 = arith.constant 0 : i32
      %dma_start3A_482 = tpu.memref_slice %arg11[%dma_start3A_480, %dma_start3A_481] : memref<80x64xf32, #tpu.memory_space<vmem>> -> memref<80x64xf32, #tpu.memory_space<vmem>>
      tpu.enqueue_dma source(%dma_start3A_482 : memref<80x64xf32, #tpu.memory_space<vmem>>) target(%dma_start3A_479 : memref<80x64xf32, #tpu.memory_space<hbm>>) target_semaphore(%run_scoped3A_474 : memref<!tpu.dma_semaphore, #tpu.memory_space<semaphore_mem>>)
      %dma_wait3A_483 = arith.constant 0 : i32
      %dma_wait3A_484 = arith.constant 0 : i32
      %dma_wait3A_485 = tpu.memref_slice %arg11[%dma_wait3A_483, %dma_wait3A_484] : memref<80x64xf32, #tpu.memory_space<vmem>> -> memref<80x64xf32, #tpu.memory_space<vmem>>
      %dma_wait3A_486 = tpu.memref_slice %arg6[%add3A_453, %multiple_of3A_461] : memref<10000x128xf32, #tpu.memory_space<hbm>> -> memref<80x64xf32, #tpu.memory_space<hbm>>
      %dma_wait3A_487 = tpu.memref_slice %arg6[%add3A_453, %multiple_of3A_461] : memref<10000x128xf32, #tpu.memory_space<hbm>> -> memref<80x64xf32, #tpu.memory_space<hbm>>
      %dma_wait3A_488 = arith.constant 0 : i32
      %dma_wait3A_489 = arith.constant 0 : i32
      %dma_wait3A_490 = tpu.memref_slice %arg11[%dma_wait3A_488, %dma_wait3A_489] : memref<80x64xf32, #tpu.memory_space<vmem>> -> memref<80x64xf32, #tpu.memory_space<vmem>>
      tpu.wait_dma2 semaphore(%run_scoped3A_474 : memref<!tpu.dma_semaphore, #tpu.memory_space<semaphore_mem>>) src(%dma_wait3A_490 : memref<80x64xf32, #tpu.memory_space<vmem>>) dst(%dma_wait3A_487 : memref<80x64xf32, #tpu.memory_space<hbm>>)
      tpu.yield
    }) : () -> ()
    %add3A_462 = arith.constant 625 : i32
    %add3A_463 = arith.addi %mul3A_4, %add3A_462 : i32
    %sub3A_464 = arith.constant 65 : i32
    %sub3A_465 = arith.subi %add3A_463, %sub3A_464 : i32
    "tpu.region"() ({
      %run_scoped3A_474 = tpu.sem_alloc : memref<!tpu.dma_semaphore, #tpu.memory_space<semaphore_mem>>
      %dma_start3A_475 = arith.constant 0 : i32
      %dma_start3A_476 = arith.constant 0 : i32
      %dma_start3A_477 = tpu.memref_slice %arg13[%dma_start3A_475, %dma_start3A_476] : memref<80x64xf32, #tpu.memory_space<vmem>> -> memref<65x64xf32, #tpu.memory_space<vmem>>
      %dma_start3A_478 = arith.constant 0 : i32
      %dma_start3A_479 = tpu.memref_slice %arg7[%sub3A_465, %dma_start3A_478] : memref<10000x64xf32, #tpu.memory_space<vmem_shared>> -> memref<65x64xf32, #tpu.memory_space<vmem_shared>>
      %dma_start3A_480 = arith.constant 0 : i32
      %dma_start3A_481 = arith.constant 0 : i32
      %dma_start3A_482 = tpu.memref_slice %arg13[%dma_start3A_480, %dma_start3A_481] : memref<80x64xf32, #tpu.memory_space<vmem>> -> memref<65x64xf32, #tpu.memory_space<vmem>>
      %dma_start3A_483 = arith.constant 0 : i32
      %dma_start3A_484 = tpu.memref_slice %arg7[%sub3A_465, %dma_start3A_483] : memref<10000x64xf32, #tpu.memory_space<vmem_shared>> -> memref<65x64xf32, #tpu.memory_space<vmem_shared>>
      tpu.enqueue_dma source(%dma_start3A_484 : memref<65x64xf32, #tpu.memory_space<vmem_shared>>) target(%dma_start3A_482 : memref<65x64xf32, #tpu.memory_space<vmem>>) target_semaphore(%run_scoped3A_474 : memref<!tpu.dma_semaphore, #tpu.memory_space<semaphore_mem>>)
      %dma_wait3A_485 = arith.constant 0 : i32
      %dma_wait3A_486 = arith.constant 0 : i32
      %dma_wait3A_487 = tpu.memref_slice %arg13[%dma_wait3A_485, %dma_wait3A_486] : memref<80x64xf32, #tpu.memory_space<vmem>> -> memref<65x64xf32, #tpu.memory_space<vmem>>
      %dma_wait3A_488 = arith.constant 0 : i32
      %dma_wait3A_489 = tpu.memref_slice %arg7[%sub3A_465, %dma_wait3A_488] : memref<10000x64xf32, #tpu.memory_space<vmem_shared>> -> memref<65x64xf32, #tpu.memory_space<vmem_shared>>
      %dma_wait3A_490 = arith.constant 0 : i32
      %dma_wait3A_491 = arith.constant 0 : i32
      %dma_wait3A_492 = tpu.memref_slice %arg13[%dma_wait3A_490, %dma_wait3A_491] : memref<80x64xf32, #tpu.memory_space<vmem>> -> memref<65x64xf32, #tpu.memory_space<vmem>>
      %dma_wait3A_493 = arith.constant 0 : i32
      %dma_wait3A_494 = tpu.memref_slice %arg7[%sub3A_465, %dma_wait3A_493] : memref<10000x64xf32, #tpu.memory_space<vmem_shared>> -> memref<65x64xf32, #tpu.memory_space<vmem_shared>>
      tpu.wait_dma2 semaphore(%run_scoped3A_474 : memref<!tpu.dma_semaphore, #tpu.memory_space<semaphore_mem>>) src(%dma_wait3A_494 : memref<65x64xf32, #tpu.memory_space<vmem_shared>>) dst(%dma_wait3A_492 : memref<65x64xf32, #tpu.memory_space<vmem>>)
      tpu.yield
    }) : () -> ()
    "tpu.region"() ({
      %run_scoped3A_474 = tpu.sem_alloc : memref<!tpu.dma_semaphore, #tpu.memory_space<semaphore_mem>>
      %dma_start3A_475 = arith.constant 0 : i32
      %dma_start3A_476 = arith.constant 0 : i32
      %dma_start3A_477 = tpu.memref_slice %arg17[%dma_start3A_475, %dma_start3A_476] : memref<80x16xf32, #tpu.memory_space<vmem>> -> memref<65x16xf32, #tpu.memory_space<vmem>>
      %dma_start3A_478 = arith.constant 0 : i32
      %dma_start3A_479 = tpu.memref_slice %arg8[%sub3A_465, %dma_start3A_478] : memref<10000x16xf32, #tpu.memory_space<vmem_shared>> -> memref<65x16xf32, #tpu.memory_space<vmem_shared>>
      %dma_start3A_480 = arith.constant 0 : i32
      %dma_start3A_481 = arith.constant 0 : i32
      %dma_start3A_482 = tpu.memref_slice %arg17[%dma_start3A_480, %dma_start3A_481] : memref<80x16xf32, #tpu.memory_space<vmem>> -> memref<65x16xf32, #tpu.memory_space<vmem>>
      %dma_start3A_483 = arith.constant 0 : i32
      %dma_start3A_484 = tpu.memref_slice %arg8[%sub3A_465, %dma_start3A_483] : memref<10000x16xf32, #tpu.memory_space<vmem_shared>> -> memref<65x16xf32, #tpu.memory_space<vmem_shared>>
      tpu.enqueue_dma source(%dma_start3A_484 : memref<65x16xf32, #tpu.memory_space<vmem_shared>>) target(%dma_start3A_482 : memref<65x16xf32, #tpu.memory_space<vmem>>) target_semaphore(%run_scoped3A_474 : memref<!tpu.dma_semaphore, #tpu.memory_space<semaphore_mem>>)
      %dma_wait3A_485 = arith.constant 0 : i32
      %dma_wait3A_486 = arith.constant 0 : i32
      %dma_wait3A_487 = tpu.memref_slice %arg17[%dma_wait3A_485, %dma_wait3A_486] : memref<80x16xf32, #tpu.memory_space<vmem>> -> memref<65x16xf32, #tpu.memory_space<vmem>>
      %dma_wait3A_488 = arith.constant 0 : i32
      %dma_wait3A_489 = tpu.memref_slice %arg8[%sub3A_465, %dma_wait3A_488] : memref<10000x16xf32, #tpu.memory_space<vmem_shared>> -> memref<65x16xf32, #tpu.memory_space<vmem_shared>>
      %dma_wait3A_490 = arith.constant 0 : i32
      %dma_wait3A_491 = arith.constant 0 : i32
      %dma_wait3A_492 = tpu.memref_slice %arg17[%dma_wait3A_490, %dma_wait3A_491] : memref<80x16xf32, #tpu.memory_space<vmem>> -> memref<65x16xf32, #tpu.memory_space<vmem>>
      %dma_wait3A_493 = arith.constant 0 : i32
      %dma_wait3A_494 = tpu.memref_slice %arg8[%sub3A_465, %dma_wait3A_493] : memref<10000x16xf32, #tpu.memory_space<vmem_shared>> -> memref<65x16xf32, #tpu.memory_space<vmem_shared>>
      tpu.wait_dma2 semaphore(%run_scoped3A_474 : memref<!tpu.dma_semaphore, #tpu.memory_space<semaphore_mem>>) src(%dma_wait3A_494 : memref<65x16xf32, #tpu.memory_space<vmem_shared>>) dst(%dma_wait3A_492 : memref<65x16xf32, #tpu.memory_space<vmem>>)
      tpu.yield
    }) : () -> ()
    %scan3A_466 = arith.constant 0 : i32
    %scan3A_467 = arith.constant 65 : i32
    %scan3A_468 = arith.addi %scan3A_466, %scan3A_467 : i32
    %scan3A_469 = arith.constant 1 : i32
    scf.for %scan3A_474 = %scan3A_466 to %scan3A_468 step %scan3A_469  : i32 {
      %mul3A_475 = arith.constant 1 : i32
      %mul3A_476 = arith.muli %scan3A_474, %mul3A_475 : i32
      %add3A_477 = arith.constant 0 : i32
      %add3A_478 = arith.addi %add3A_477, %mul3A_476 : i32
      %get3A = arith.index_cast %add3A_478 : i32 to index
      %get3A_479 = arith.constant 0 : index
      %get3A_480 = tpu.vector_load %arg17[%get3A, %get3A_479] {strides = array<i32>} : memref<80x16xf32, #tpu.memory_space<vmem>>, vector<1x16xf32>,
      %get3A_481 = vector.shape_cast %get3A_480 : vector<1x16xf32> to vector<16xf32>
      %broadcast_in_dim3A = arith.constant 1.000000e+00 : f32
      %broadcast_in_dim3A_482 = vector.broadcast %broadcast_in_dim3A : f32 to vector<16xf32>
      %max3A = arith.maximumf %get3A_481, %broadcast_in_dim3A_482 : vector<16xf32>
      %get3A_483 = arith.index_cast %add3A_478 : i32 to index
      %get3A_484 = arith.constant 0 : index
      %get3A_485 = tpu.vector_load %arg13[%get3A_483, %get3A_484] {strides = array<i32>} : memref<80x64xf32, #tpu.memory_space<vmem>>, vector<1x16xf32>,
      %get3A_486 = vector.shape_cast %get3A_485 : vector<1x16xf32> to vector<16xf32>
      %div3A = arith.divf %get3A_486, %max3A : vector<16xf32>
      %swap3A = arith.index_cast %add3A_478 : i32 to index
      %swap3A_487 = arith.constant 0 : index
      %swap3A_488 = tpu.vector_load %arg13[%swap3A, %swap3A_487] {strides = array<i32>} : memref<80x64xf32, #tpu.memory_space<vmem>>, vector<1x16xf32>,
      %swap3A_489 = vector.shape_cast %swap3A_488 : vector<1x16xf32> to vector<16xf32>
      %swap3A_490 = vector.shape_cast %div3A : vector<16xf32> to vector<1x16xf32>
      tpu.vector_store %arg13[%swap3A, %swap3A_487], %swap3A_490 {strides = array<i32>} : memref<80x64xf32, #tpu.memory_space<vmem>>, vector<1x16xf32>,
      %get3A_491 = arith.index_cast %add3A_478 : i32 to index
      %get3A_492 = arith.constant 16 : index
      %get3A_493 = tpu.vector_load %arg13[%get3A_491, %get3A_492] {strides = array<i32>} : memref<80x64xf32, #tpu.memory_space<vmem>>, vector<1x16xf32>,
      %get3A_494 = vector.shape_cast %get3A_493 : vector<1x16xf32> to vector<16xf32>
      %div3A_495 = arith.divf %get3A_494, %max3A : vector<16xf32>
      %swap3A_496 = arith.index_cast %add3A_478 : i32 to index
      %swap3A_497 = arith.constant 16 : index
      %swap3A_498 = tpu.vector_load %arg13[%swap3A_496, %swap3A_497] {strides = array<i32>} : memref<80x64xf32, #tpu.memory_space<vmem>>, vector<1x16xf32>,
      %swap3A_499 = vector.shape_cast %swap3A_498 : vector<1x16xf32> to vector<16xf32>
      %swap3A_500 = vector.shape_cast %div3A_495 : vector<16xf32> to vector<1x16xf32>
      tpu.vector_store %arg13[%swap3A_496, %swap3A_497], %swap3A_500 {strides = array<i32>} : memref<80x64xf32, #tpu.memory_space<vmem>>, vector<1x16xf32>,
      %get3A_501 = arith.index_cast %add3A_478 : i32 to index
      %get3A_502 = arith.constant 32 : index
      %get3A_503 = tpu.vector_load %arg13[%get3A_501, %get3A_502] {strides = array<i32>} : memref<80x64xf32, #tpu.memory_space<vmem>>, vector<1x16xf32>,
      %get3A_504 = vector.shape_cast %get3A_503 : vector<1x16xf32> to vector<16xf32>
      %div3A_505 = arith.divf %get3A_504, %max3A : vector<16xf32>
      %swap3A_506 = arith.index_cast %add3A_478 : i32 to index
      %swap3A_507 = arith.constant 32 : index
      %swap3A_508 = tpu.vector_load %arg13[%swap3A_506, %swap3A_507] {strides = array<i32>} : memref<80x64xf32, #tpu.memory_space<vmem>>, vector<1x16xf32>,
      %swap3A_509 = vector.shape_cast %swap3A_508 : vector<1x16xf32> to vector<16xf32>
      %swap3A_510 = vector.shape_cast %div3A_505 : vector<16xf32> to vector<1x16xf32>
      tpu.vector_store %arg13[%swap3A_506, %swap3A_507], %swap3A_510 {strides = array<i32>} : memref<80x64xf32, #tpu.memory_space<vmem>>, vector<1x16xf32>,
      %get3A_511 = arith.index_cast %add3A_478 : i32 to index
      %get3A_512 = arith.constant 48 : index
      %get3A_513 = tpu.vector_load %arg13[%get3A_511, %get3A_512] {strides = array<i32>} : memref<80x64xf32, #tpu.memory_space<vmem>>, vector<1x16xf32>,
      %get3A_514 = vector.shape_cast %get3A_513 : vector<1x16xf32> to vector<16xf32>
      %div3A_515 = arith.divf %get3A_514, %max3A : vector<16xf32>
      %swap3A_516 = arith.index_cast %add3A_478 : i32 to index
      %swap3A_517 = arith.constant 48 : index
      %swap3A_518 = tpu.vector_load %arg13[%swap3A_516, %swap3A_517] {strides = array<i32>} : memref<80x64xf32, #tpu.memory_space<vmem>>, vector<1x16xf32>,
      %swap3A_519 = vector.shape_cast %swap3A_518 : vector<1x16xf32> to vector<16xf32>
      %swap3A_520 = vector.shape_cast %div3A_515 : vector<16xf32> to vector<1x16xf32>
      tpu.vector_store %arg13[%swap3A_516, %swap3A_517], %swap3A_520 {strides = array<i32>} : memref<80x64xf32, #tpu.memory_space<vmem>>, vector<1x16xf32>,
    }
    %scan3A_470 = arith.constant 65 : i32
    %mul3A_471 = arith.constant 64 : i32
    %mul3A_472 = arith.muli %arg0, %mul3A_471 : i32
    %multiple_of3A_473 = tpu.assume_multiple %mul3A_472, 64 : i32
    "tpu.region"() ({
      %run_scoped3A_474 = tpu.sem_alloc : memref<!tpu.dma_semaphore, #tpu.memory_space<semaphore_mem>>
      %dma_start3A_475 = arith.constant 0 : i32
      %dma_start3A_476 = arith.constant 0 : i32
      %dma_start3A_477 = tpu.memref_slice %arg13[%dma_start3A_475, %dma_start3A_476] : memref<80x64xf32, #tpu.memory_space<vmem>> -> memref<65x64xf32, #tpu.memory_space<vmem>>
      %dma_start3A_478 = tpu.memref_slice %arg6[%sub3A_465, %multiple_of3A_473] : memref<10000x128xf32, #tpu.memory_space<hbm>> -> memref<65x64xf32, #tpu.memory_space<hbm>>
      %dma_start3A_479 = tpu.memref_slice %arg6[%sub3A_465, %multiple_of3A_473] : memref<10000x128xf32, #tpu.memory_space<hbm>> -> memref<65x64xf32, #tpu.memory_space<hbm>>
      %dma_start3A_480 = arith.constant 0 : i32
      %dma_start3A_481 = arith.constant 0 : i32
      %dma_start3A_482 = tpu.memref_slice %arg13[%dma_start3A_480, %dma_start3A_481] : memref<80x64xf32, #tpu.memory_space<vmem>> -> memref<65x64xf32, #tpu.memory_space<vmem>>
      tpu.enqueue_dma source(%dma_start3A_482 : memref<65x64xf32, #tpu.memory_space<vmem>>) target(%dma_start3A_479 : memref<65x64xf32, #tpu.memory_space<hbm>>) target_semaphore(%run_scoped3A_474 : memref<!tpu.dma_semaphore, #tpu.memory_space<semaphore_mem>>)
      %dma_wait3A_483 = arith.constant 0 : i32
      %dma_wait3A_484 = arith.constant 0 : i32
      %dma_wait3A_485 = tpu.memref_slice %arg13[%dma_wait3A_483, %dma_wait3A_484] : memref<80x64xf32, #tpu.memory_space<vmem>> -> memref<65x64xf32, #tpu.memory_space<vmem>>
      %dma_wait3A_486 = tpu.memref_slice %arg6[%sub3A_465, %multiple_of3A_473] : memref<10000x128xf32, #tpu.memory_space<hbm>> -> memref<65x64xf32, #tpu.memory_space<hbm>>
      %dma_wait3A_487 = tpu.memref_slice %arg6[%sub3A_465, %multiple_of3A_473] : memref<10000x128xf32, #tpu.memory_space<hbm>> -> memref<65x64xf32, #tpu.memory_space<hbm>>
      %dma_wait3A_488 = arith.constant 0 : i32
      %dma_wait3A_489 = arith.constant 0 : i32
      %dma_wait3A_490 = tpu.memref_slice %arg13[%dma_wait3A_488, %dma_wait3A_489] : memref<80x64xf32, #tpu.memory_space<vmem>> -> memref<65x64xf32, #tpu.memory_space<vmem>>
      tpu.wait_dma2 semaphore(%run_scoped3A_474 : memref<!tpu.dma_semaphore, #tpu.memory_space<semaphore_mem>>) src(%dma_wait3A_490 : memref<65x64xf32, #tpu.memory_space<vmem>>) dst(%dma_wait3A_487 : memref<65x64xf32, #tpu.memory_space<hbm>>)
      tpu.yield
    }) : () -> ()
    return
  }
}

module attributes {stable_mosaic.version = 14 : i64} {
  func.func @_tc_body(%arg0: i32, %arg1: memref<1000x128xf32, #tpu.memory_space<vmem>>, %arg2: memref<1000x128xf32, #tpu.memory_space<vmem>>, %arg3: memref<128x256xf32, #tpu.memory_space<vmem>>, %arg4: memref<1x128xf32, #tpu.memory_space<vmem>>, %arg5: memref<1000x129xf32, #tpu.memory_space<vmem>>) attributes {dimension_semantics = [#tpu.dimension_semantics<arbitrary>], iteration_bounds = array<i64: 10>, scalar_prefetch = 0 : i64, scratch_operands = 0 : i64, tpu.core_type = #tpu.core_type<tc>, window_params = [{transform_indices = @transform_0, window_bounds = array<i64: 1000, 128>}, {transform_indices = @transform_1, window_bounds = array<i64: 1000, 128>}, {pipeline_mode = #tpu.pipeline_mode<synchronous>, transform_indices = @transform_2, window_bounds = array<i64: 128, 256>}, {pipeline_mode = #tpu.pipeline_mode<synchronous>, transform_indices = @transform_3, window_bounds = array<i64: 1, 128>}, {transform_indices = @transform_4, window_bounds = array<i64: 1000, 129>}]} {
    %get3A = arith.constant 0 : index
    %get3A_0 = arith.constant 0 : index
    %get3A_1 = vector.load %arg3[%get3A, %get3A_0] : memref<128x256xf32, #tpu.memory_space<vmem>>, vector<128x128xf32>
    %get3A_2 = arith.constant 0 : index
    %get3A_3 = arith.constant 128 : index
    %get3A_4 = vector.load %arg3[%get3A_2, %get3A_3] : memref<128x256xf32, #tpu.memory_space<vmem>>, vector<128x128xf32>
    %get3A_5 = arith.constant 0 : index
    %get3A_6 = arith.constant 0 : index
    %get3A_7 = vector.load %arg1[%get3A_5, %get3A_6] : memref<1000x128xf32, #tpu.memory_space<vmem>>, vector<1000x128xf32>
    %dot_general3A = arith.constant dense<0.000000e+00> : vector<1000x128xf32>
    %dot_general3A_8 = tpu.matmul %get3A_7, %get3A_1, %dot_general3A {dimension_numbers = #tpu.dot_dimension_numbers<[1], [1], [0], [0], [0, 0, 1, 0], [], []>, transpose_lhs_hint = false} : vector<1000x128xf32>, vector<128x128xf32>, vector<1000x128xf32> -> vector<1000x128xf32>
    %get3A_9 = arith.constant 0 : index
    %get3A_10 = arith.constant 0 : index
    %get3A_11 = vector.load %arg2[%get3A_9, %get3A_10] : memref<1000x128xf32, #tpu.memory_space<vmem>>, vector<1000x128xf32>
    %dot_general3A_12 = arith.constant dense<0.000000e+00> : vector<1000x128xf32>
    %dot_general3A_13 = tpu.matmul %get3A_11, %get3A_4, %dot_general3A_12 {dimension_numbers = #tpu.dot_dimension_numbers<[1], [1], [0], [0], [0, 0, 1, 0], [], []>, transpose_lhs_hint = false} : vector<1000x128xf32>, vector<128x128xf32>, vector<1000x128xf32> -> vector<1000x128xf32>
    %add3A = arith.addf %dot_general3A_8, %dot_general3A_13 : vector<1000x128xf32>
    %get3A_14 = arith.constant 0 : index
    %get3A_15 = arith.constant 0 : index
    %get3A_16 = vector.load %arg4[%get3A_14, %get3A_15] : memref<1x128xf32, #tpu.memory_space<vmem>>, vector<1x128xf32>
    %add3A_17 = vector.broadcast %get3A_16 : vector<1x128xf32> to vector<1000x128xf32>
    %add3A_18 = arith.addf %add3A, %add3A_17 : vector<1000x128xf32>
    %max3A = arith.constant 0.000000e+00 : f32
    %max3A_19 = vector.broadcast %max3A : f32 to vector<1000x128xf32>
    %max3A_20 = arith.maximumf %add3A_18, %max3A_19 : vector<1000x128xf32>
    %mul3A = arith.mulf %max3A_20, %max3A_20 : vector<1000x128xf32>
    %reduce_sum3A = arith.constant dense<0.000000e+00> : vector<1000xf32>
    %reduce_sum3A_21 = vector.multi_reduction <add>, %mul3A, %reduce_sum3A [1] : vector<1000x128xf32> to vector<1000xf32>
    %broadcast_in_dim3A = vector.shape_cast %reduce_sum3A_21 : vector<1000xf32> to vector<1000x1xf32>
    %sub3A = arith.constant 1.000000e+00 : f32
    %sub3A_22 = vector.broadcast %sub3A : f32 to vector<1000x1xf32>
    %sub3A_23 = arith.subf %broadcast_in_dim3A, %sub3A_22 : vector<1000x1xf32>
    %jit3A = arith.constant 9.99999993E-9 : f32
    %max3A_24 = vector.broadcast %jit3A : f32 to vector<1000x1xf32>
    %max3A_25 = arith.maximumf %max3A_24, %sub3A_23 : vector<1000x1xf32>
    %sqrt3A = math.sqrt %max3A_25 : vector<1000x1xf32>
    %div3A = vector.broadcast %sqrt3A : vector<1000x1xf32> to vector<1000x128xf32>
    %div3A_26 = arith.divf %max3A_20, %div3A : vector<1000x128xf32>
    %eq3A = arith.constant 0.000000e+00 : f32
    %eq3A_27 = vector.broadcast %eq3A : f32 to vector<1000x128xf32>
    %eq3A_28 = arith.cmpf oeq, %div3A_26, %eq3A_27 : vector<1000x128xf32>
    %reduce_and3A = arith.constant 1.000000e+00 : f32
    %reduce_and3A_29 = arith.constant 0.000000e+00 : f32
    %reduce_and3A_30 = vector.broadcast %reduce_and3A : f32 to vector<1000x128xf32>
    %reduce_and3A_31 = vector.broadcast %reduce_and3A_29 : f32 to vector<1000x128xf32>
    %reduce_and3A_32 = arith.select %eq3A_28, %reduce_and3A_30, %reduce_and3A_31 : vector<1000x128xi1>, vector<1000x128xf32>
    %reduce_and3A_33 = arith.constant dense<0x7F800000> : vector<1000xf32>
    %reduce_and3A_34 = vector.multi_reduction <minimumf>, %reduce_and3A_32, %reduce_and3A_33 [1] : vector<1000x128xf32> to vector<1000xf32>
    %reduce_and3A_35 = arith.constant 0.000000e+00 : f32
    %reduce_and3A_36 = vector.broadcast %reduce_and3A_35 : f32 to vector<1000xf32>
    %reduce_and3A_37 = arith.cmpf ogt, %reduce_and3A_34, %reduce_and3A_36 : vector<1000xf32>
    %broadcast_in_dim3A_38 = vector.shape_cast %reduce_and3A_37 : vector<1000xi1> to vector<1000x1xi1>
    %jit3A_39 = arith.constant 1.000000e+00 : f32
    %broadcast_in_dim3A_40 = vector.shape_cast %broadcast_in_dim3A_38 : vector<1000x1xi1> to vector<1000x1xi1>
    %broadcast_in_dim3A_41 = vector.broadcast %broadcast_in_dim3A_40 : vector<1000x1xi1> to vector<1000x128xi1>
    %broadcast_in_dim3A_42 = vector.broadcast %jit3A_39 : f32 to vector<1000x128xf32>
    %select_n3A = arith.select %broadcast_in_dim3A_41, %broadcast_in_dim3A_42, %div3A_26 : vector<1000x128xi1>, vector<1000x128xf32>
    %mul3A_43 = arith.mulf %select_n3A, %select_n3A : vector<1000x128xf32>
    %reduce_sum3A_44 = arith.constant dense<0.000000e+00> : vector<1000xf32>
    %reduce_sum3A_45 = vector.multi_reduction <add>, %mul3A_43, %reduce_sum3A_44 [1] : vector<1000x128xf32> to vector<1000xf32>
    %broadcast_in_dim3A_46 = vector.shape_cast %reduce_sum3A_45 : vector<1000xf32> to vector<1000x1xf32>
    %sqrt3A_47 = math.sqrt %broadcast_in_dim3A_46 : vector<1000x1xf32>
    %jit3A_48 = arith.constant 9.99999993E-9 : f32
    %max3A_49 = vector.broadcast %jit3A_48 : f32 to vector<1000x1xf32>
    %max3A_50 = arith.maximumf %max3A_49, %sqrt3A_47 : vector<1000x1xf32>
    %div3A_51 = vector.broadcast %max3A_50 : vector<1000x1xf32> to vector<1000x128xf32>
    %div3A_52 = arith.divf %select_n3A, %div3A_51 : vector<1000x128xf32>
    %broadcast_in_dim3A_53 = arith.constant 1.000000e+00 : f32
    %broadcast_in_dim3A_54 = vector.broadcast %broadcast_in_dim3A_53 : f32 to vector<1000x1xf32>
    %concatenate3A = tpu.concatenate %div3A_52, %broadcast_in_dim3A_54 in 1 : vector<1000x128xf32>, vector<1000x1xf32> -> vector<1000x129xf32>
    %swap3A = arith.constant 0 : index
    %swap3A_55 = arith.constant 0 : index
    %swap3A_56 = vector.load %arg5[%swap3A, %swap3A_55] : memref<1000x129xf32, #tpu.memory_space<vmem>>, vector<1000x129xf32>
    tpu.vector_store %arg5[%swap3A, %swap3A_55], %concatenate3A {strides = array<i32>} : memref<1000x129xf32, #tpu.memory_space<vmem>>, vector<1000x129xf32>,
    return
  }
  func.func @transform_0(%arg0: i32) -> (i32, i32) {
    %c0_i32 = arith.constant 0 : i32
    %c0_i32_0 = arith.constant 0 : i32
    return %arg0, %c0_i32 : i32, i32
  }
  func.func @transform_1(%arg0: i32) -> (i32, i32) {
    %c0_i32 = arith.constant 0 : i32
    %c0_i32_0 = arith.constant 0 : i32
    return %arg0, %c0_i32 : i32, i32
  }
  func.func @transform_2(%arg0: i32) -> (i32, i32) {
    %c0_i32 = arith.constant 0 : i32
    %c0_i32_0 = arith.constant 0 : i32
    %c0_i32_1 = arith.constant 0 : i32
    return %c0_i32, %c0_i32_0 : i32, i32
  }
  func.func @transform_3(%arg0: i32) -> (i32, i32) {
    %c0_i32 = arith.constant 0 : i32
    %c0_i32_0 = arith.constant 0 : i32
    %c0_i32_1 = arith.constant 0 : i32
    return %c0_i32, %c0_i32_0 : i32, i32
  }
  func.func @transform_4(%arg0: i32) -> (i32, i32) {
    %c0_i32 = arith.constant 0 : i32
    %c0_i32_0 = arith.constant 0 : i32
    return %arg0, %c0_i32 : i32, i32
  }
}

</mosaic_0001>

<sc_bundles>
// kernel: kernel.4.cloned.1.call-start
scs
__scs_entry_jumppad:
0x0: {  	(pc) =	sbr.rel $0x88, $3  }
0x1: {  	(tag) =	ssettag $0x0;
	lr =	simm.s32 $0x1  }
0x2: {  	[smem:$0x3F9D] =	sst lr;
	_ =	strace $0xD0000000  }
0x3: {  	_ = 	snop  }
0x4: {  	_ = 	snop  }
0x5: {  	_ = 	snop  }
0x6: {  	_ = 	snop  }
0x7: {  	_ = 	snop  }
__scs_overlays_trampoline_lowered:
0x8: {  	[smem:$0x3FAC] =	sst s0  }
0x9: {  	[smem:$0x3FAD] =	sst s1  }
0xa: {  	[smem:$0x3FAE] =	sst s2  }
0xb: {  	[smem:$0x3FAF] =	sst s3  }
0xc: {  	[smem:$0x3FB0] =	sst s4  }
0xd: {  	[smem:$0x3FB1] =	sst s5  }
0xe: {  	[smem:$0x3FB2] =	sst s6  }
0xf: {  	[smem:$0x3FB3] =	sst s7  }
0x10: {  	[smem:$0x3FB4] =	sst s8  }
0x11: {  	[smem:$0x3FB5] =	sst s9;
	s0 =	simm.s32 @!p0 $0x0  }
0x12: {  	s1 =	sld [smem:$0x3F9B];
	s0 =	simm.s32 @p0 $0x1  }
0x13: {  	[smem:$0x3FB6] =	sst s0;
	s0 =	simm.s32 @!p1 $0x0  }
0x14: {  	s2 =	sld [smem:$0x3F9A];
	s0 =	simm.s32 @p1 $0x1  }
0x15: {  	[smem:$0x3FB7] =	sst s0;
	s0 =	simm.s32 @!p2 $0x0  }
0x16: {  	s3 =	sld [smem:$0x3FDB];
	s0 =	simm.s32 @p2 $0x1  }
0x17: {  	s4 =	simm.s32 $0x1BF5;
	[smem:$0x3FB9] =	sst s0  }
0x18: {  	s0 =	sld [smem:$0x3F9C];
	_ =	swait.ge [sflag:s4], $0x0  }
0x19: {  	s7 =	sld [smem:$0x3F9D]  }
0x1a: {  	s8 =	sadd.s32 $0xFFFFE003, lr  }
0x1b: {  	s9 =	sadd.s32 $0xFFFFFEF7, lr;
	s5 =	simm.s32 $0xFFFFFFFF;
	p2 =	slt.u32 s8, $0xFFFFF086  }
0x1c: {  	p1 =	slt.u32 s9, $0xF7A;
	s5 =	simm.s32 @!p2 $0x0  }
0x1d: {  	s5 =	simm.s32 @p1 $0x1;
	p0 =	seq.s32 s7, s2  }
0x1e: {  	s7 =	smul.u32 @!p0 $0xF7A, s2;
	p2 =	seq.s32 @!p0 s5, $0x0  }
0x1f: {  	s9 =	smul.u32 $0xF7A, s1;
	s8 =	simm.s32 @!p0 $0x1BF5;
	p2 =	por !p2, p0  }
0x20: {  	[sflag:s8] =	ssyncset.s32 @!p0 $0xFFFFF086;
	s6 =	sadd.s32 @!p0 s3, s7;
	s7 =	simm.s32 @!p0 $0x108  }
0x21: {  	s3 =	sadd.s32 s3, s9;
	s6 =	sadd.s32 @!p0 $0x88, s6;
	s7 =	simm.s32 @p2 $0x1082  }
0x22: {  	[simem:s7], [sflag:s8] =	dma.local @!p0 [hbm:s6], $0xF7A  }
0x23: {  	s9 =	sor.u32 $0xD0000000, s2;
	s6 =	simm.s32 $0x108;
	_ =	swait.ge @!p0 [sflag:s8], $0x0  }
0x24: {  	s3 =	sadd.s32 $0x88, s3;
	s6 =	simm.s32 @!p1 $0x1082;
	[sflag:s4] =	ssyncset.s32 $0xFFFFF086  }
0x25: {  	[simem:s6], [sflag:s4] =	dma.local [hbm:s3], $0xF7A  }
0x26: {  	[smem:$0x3F9D] =	sst s1;
	(tag) =	ssettag s2;
	_ =	strace s9  }
0x27: {  	s1 =	sld [smem:$0x3FAD]  }
0x28: {  	s2 =	sld [smem:$0x3FAE]  }
0x29: {  	s4 =	sld [smem:$0x3FB0]  }
0x2a: {  	p0 =	seq.s32 s5, $0x0;
	s5 =	sld [smem:$0x3FB1]  }
0x2b: {  	s6 =	sld [smem:$0x3FB2]  }
0x2c: {  	s7 =	sld [smem:$0x3FB3]  }
0x2d: {  	s3 =	simm.s32 $0x108;
	s8 =	sld [smem:$0x3FB4]  }
0x2e: {  	s3 =	simm.s32 @!p0 $0x1082;
	s9 =	sld [smem:$0x3FB5]  }
0x2f: {  	lr =	sadd.s32 s0, s3;
	s0 =	sld [smem:$0x3FAC]  }
0x30: {  	s3 =	sld [smem:$0x3FAF]  }
0x31: {  	[smem:$0x3FB8] =	sst s10  }
0x32: {  	s10 =	sld [smem:$0x3FB6];
	_ =	sdelay $0x3  }
0x33: {  	p0 =	seq.s32 s10, $0x1;
	s10 =	sld [smem:$0x3FB8];
	_ =	sdelay $0x3  }
0x34: {  	[smem:$0x3FB8] =	sst s10  }
0x35: {  	s10 =	sld [smem:$0x3FB7];
	_ =	sdelay $0x3  }
0x36: {  	p1 =	seq.s32 s10, $0x1;
	s10 =	sld [smem:$0x3FB8];
	_ =	sdelay $0x3  }
0x37: {  	[smem:$0x3FB8] =	sst s10  }
0x38: {  	s10 =	sld [smem:$0x3FB9]  }
0x39: {  	_ = 	snop;
	(pc) =	sbr.ind lr, $3  }
0x3a: {  	_ = 	snop  }
0x3b: {  	_ = 	snop  }
0x3c: {  	p2 =	seq.s32 s10, $0x1;
	s10 =	sld [smem:$0x3FB8]  }
0x3d: {  	_ =	shalt  }
0x3e: {  	_ =	shalt  }
0x3f: {  	_ =	shalt  }
0x40: {  	_ =	shalt  }
0x41: {  	_ =	shalt  }
0x42: {  	_ =	shalt  }
0x43: {  	_ =	shalt  }
0x44: {  	_ =	shalt  }
0x45: {  	_ =	shalt  }
0x46: {  	_ =	shalt  }
0x47: {  	_ =	shalt  }
0x48: {  	_ =	shalt  }
0x49: {  	_ =	shalt  }
0x4a: {  	_ =	shalt  }
0x4b: {  	_ =	shalt  }
0x4c: {  	_ =	shalt  }
0x4d: {  	_ =	shalt  }
0x4e: {  	_ =	shalt  }
0x4f: {  	_ =	shalt  }
0x50: {  	_ =	shalt  }
0x51: {  	_ =	shalt  }
0x52: {  	_ =	shalt  }
0x53: {  	_ =	shalt  }
0x54: {  	_ =	shalt  }
0x55: {  	_ =	shalt  }
0x56: {  	_ =	shalt  }
0x57: {  	_ =	shalt  }
0x58: {  	_ =	shalt  }
0x59: {  	_ =	shalt  }
0x5a: {  	_ =	shalt  }
0x5b: {  	_ =	shalt  }
0x5c: {  	_ =	shalt  }
0x5d: {  	_ =	shalt  }
0x5e: {  	_ =	shalt  }
0x5f: {  	_ =	shalt  }
0x60: {  	_ =	shalt  }
0x61: {  	_ =	shalt  }
0x62: {  	_ =	shalt  }
0x63: {  	_ =	shalt  }
0x64: {  	_ =	shalt  }
0x65: {  	_ =	shalt  }
0x66: {  	_ =	shalt  }
0x67: {  	_ =	shalt  }
0x68: {  	_ =	shalt  }
0x69: {  	_ =	shalt  }
0x6a: {  	_ =	shalt  }
0x6b: {  	_ =	shalt  }
0x6c: {  	_ =	shalt  }
0x6d: {  	_ =	shalt  }
0x6e: {  	_ =	shalt  }
0x6f: {  	_ =	shalt  }
0x70: {  	_ =	shalt  }
0x71: {  	_ =	shalt  }
0x72: {  	_ =	shalt  }
0x73: {  	_ =	shalt  }
0x74: {  	_ =	shalt  }
0x75: {  	_ =	shalt  }
0x76: {  	_ =	shalt  }
0x77: {  	_ =	shalt  }
0x78: {  	_ =	shalt  }
0x79: {  	_ =	shalt  }
0x7a: {  	_ =	shalt  }
0x7b: {  	_ =	shalt  }
0x7c: {  	_ =	shalt  }
0x7d: {  	_ =	shalt  }
0x7e: {  	_ =	shalt  }
0x7f: {  	_ =	shalt  }
0x80: {  	_ =	shalt  }
0x81: {  	_ =	shalt  }
0x82: {  	_ =	shalt  }
0x83: {  	_ =	shalt  }
0x84: {  	_ =	shalt  }
0x85: {  	_ =	shalt  }
0x86: {  	_ =	shalt  }
0x87: {  	_ =	shalt  }
.Lfunc_end0:
.L_simem_size_0:
called_computation_lowered:
.L_overlay_start_0:
0x88: {  	s2 =	sld [smem:$0x3FD9]  }
0x89: {  	s3 =	sld [smem:$0x3FFE];
	_ =	sdelay $0x1  }
0x8a: {  	s1 =	srdreg.scid  }
0x8b: {  	s0 =	sand.u32 $0x1, s1  }
0x8c: {  	s17 =	sshll.u32 s0, $0xA;
	s2 =	sadd.s32 s3, s2  }
0x8d: {  	s2 =	sadd.s32 s2, s17  }
0x8e: {  	[smem:$0x3FC4] =	sst s2  }
0x8f: {  	_ = 	snop  }
0x90: {  	s2 =	sld [smem:$0x3FC9]  }
0x91: {  	s18 =	sld [smem:$0x3FD0];
	(tm) =	ssettm $0x1  }
0x92: {  	s4 =	sld [smem:$0x3FFB];
	_ =	sdelay $0x3  }
0x93: {  	_ =	strace s4  }
0x94: {  	s4 =	sld [smem:$0x3FFC];
	_ =	sdelay $0x3  }
0x95: {  	_ =	strace s4  }
0x96: {  	s4 =	sld [smem:$0x3FFD];
	_ =	sdelay $0x3  }
0x97: {  	_ =	strace s4  }
0x98: {  	_ =	strace $0x8FFFFFFF  }
0x99: {  	s19 =	sld [smem:$0x3FDB];
	_ =	sdelay $0x1  }
0x9a: {  	s5 =	simm.s32 $_scs_section_size  }
0x9b: {  	s6 =	simm.s32 $_size__tile_overlayer_lowered;
	s7 =	simm.s32 $_tile_overlayer_lowered  }
0x9c: {  	s22 =	simm.s32 $0x1BFF;
	s21 =	sshll.u32 s7, $0x1;
	s4 =	sadd.s32 s5, s19  }
0x9d: {  	s8 =	simm.s32 $0x0;
	s20 =	sshll.u32 s6, $0x1;
	s6 =	sadd.s32 s21, s4  }
0x9e: {  	[timem:s8], [sflag:s22] =	dma.local [hbm:s6], s20  }
0x9f: {  	_ =	swait.ge [sflag:s22], s20  }
0xa0: {  	s5 =	ssub.s32 $0x0, s20;
	[sflag:s22] =	ssyncset.done $0x0  }
0xa1: {  	[sflag:s22] =	ssyncadd.s32 s5;
	_ =	sdelay $0x1  }
0xa2: {  	s23 =	simm.s32 $0x1B8B  }
0xa3: {  	_ =	swait.ge [sflag:s23], $0x1  }
0xa4: {  	[sflag:s23] =	ssyncset.done $0x0  }
0xa5: {  	s25 =	simm.s32 $0x1B8E;
	s24 =	sld [smem:$0x3FFE];
	[sflag:s23] =	ssyncadd.s32 $0xFFFFFFFF  }
0xa6: {  	s26 =	simm.s32 $execute0_lowered;
	[smem:$0x3FD2] =	sst s25  }
0xa7: {  	s6 =	sshll.u32 s26, $0x1;
	_ =	strace $0x80000046;
	[dreg:$0x1] =	wrdreg $0xFFFFFFFF  }
0xa8: {  	s28 =	simm.s32 $_size_execute0_lowered;
	s4 =	sadd.s32 s4, s6;
	[dreg:$0x0] =	wrdreg $0x0  }
0xa9: {  	s6 =	sshll.u32 s28, $0x1;
	[dreg:$0x2] =	wrdreg s4  }
0xaa: {  	[dreg:$0x3] =	wrdreg s6  }
0xab: {  	[dreg:$0x4] =	wrdreg $0xC0  }
0xac: {  	_ =	task [dreg:s8], $0x5FFFF  }
0xad: {  	[dreg:$0x1] =	wrdreg $0xFFFFFFFF  }
0xae: {  	[dreg:$0x0] =	wrdreg $0x60  }
0xaf: {  	[dreg:$0x2] =	wrdreg s2  }
0xb0: {  	[dreg:$0x3] =	wrdreg s24  }
0xb1: {  	[dreg:$0x4] =	wrdreg s18  }
0xb2: {  	[dreg:$0x5] =	wrdreg $0x0  }
0xb3: {  	[dreg:$0x6] =	wrdreg $0x9C400  }
0xb4: {  	[dreg:$0x7] =	wrdreg $0x9  }
0xb5: {  	_ =	task.clear_ibuf [dreg:s8], $0x8FFFF;
	_ =	strace $0x90000046  }
0xb6: {  	s29 =	simm.s32 $0x9;
	_ =	strace $0x80000048  }
0xb7: {  	_ =	swait.ge [sflag:s29], $0x1  }
0xb8: {  	[sflag:s29] =	ssyncadd.s32 $0xFFFFFFFF  }
0xb9: {  	_ =	strace $0x90000048  }
0xba: {  	_ =	sfence  }
0xbb: {  	s30 =	sld [smem:$0x0];
	_ =	sdelay $0x2  }
0xbc: {  	s31 =	sshll.u32 s1, $0xD;
	s1 =	sshrl.u32 s1, $0x2  }
0xbd: {  	s3 =	sand.u32 $0x4000, s31;
	s1 =	sadd.s32 s1, s30  }
0xbe: {  	s0 =	sor.u32 s3, s0;
	s1 =	sshll.u32 s1, $0x11  }
0xbf: {  	s0 =	sor.u32 s1, s0  }
0xc0: {  	s0 =	sadd.s32 $0x8F2B, s0  }
0xc1: {  	[sflag:s0] =	ssyncadd.remote.s32 $0x1  }
0xc2: {  	_ =	sfence.sel $0xFFFF  }
0xc3: {  	[dreg:$0x0] =	wrdreg $0xFFFFFFFF;
	(pc) =	sbr.abs _section_cstart, $3  }
0xc4: {  	[dreg:$0x1] =	wrdreg $0xFFFFFFFF  }
0xc5: {  	_ =	task.clear_ibuf [dreg:s8], $0x2FFFF;
	_ =	strace $0x9FFFFFFF  }
0xc6: {  	(tm) =	ssettm $0x7FFFFFFF  }
0xc7: {  	_ =	shalt  }
tec
execute0_lowered:
.L_overlay_start_1:
0x0: {  	(tag) =	ssettag $0x1  }
0x1: {  	s0 =	rddreg [dreg:$0x0]  }
0x2: {  	s12 =	rddreg [dreg:$0x1]  }
0x3: {  	s13 =	rddreg [dreg:$0x2];
	s1 =	srdreg.scid  }
0x4: {  	s3 =	rddreg [dreg:$0x3];
	s25 =	stileid.u32  }
0x5: {  	s4 =	rddreg [dreg:$0x4];
	s28 =	simm.s32 $0x2;
	s2 =	smul.u32 $0x271, s25  }
0x6: {  	s30 =	simm.s32 $0x1C390;
	s31 =	simm.s32 $0x3;
	s14 =	smul.u32 $0x4E20, s25  }
0x7: {  	s29 =	simm.s32 $0x4;
	s19 =	sand.u32 $0x1, s1;
	s20 =	smul.u32 $0x13880, s25  }
0x8: {  	s1 =	ssub.s32 $0x2, s19;
	s15 =	sshll.u32 s19, $0x6;
	v0 =	vmov s19;
	s19 =	simm.s32 $0x40  }
0x9: {  	s5 =	sshrl.u32 s1, $0x1;
	s11 =	sadd.s32 $0x50, s2;
	s9 =	sadd.s32 $0xA0, s2  }
0xa: {  	s10 =	sadd.s32 $0xF0, s2;
	s8 =	sadd.s32 $0x140, s2;
	s6 =	sadd.s32 $0x190, s2  }
0xb: {  	s7 =	sadd.s32 $0x1E0, s2;
	s2 =	sadd.s32 $0x230, s2;
	s17 =	sor.u32 s15, s20  }
0xc: {  	s14 =	sshrl.u32 s14, $0x3;
	s1 =	ssub.s32 s1, s5;
	s16 =	sshll.u32 s11, $0x7  }
0xd: {  	s21 =	sshll.u32 s9, $0x7;
	s22 =	sshll.u32 s10, $0x7;
	s20 =	sshll.u32 s8, $0x7  }
0xe: {  	s23 =	sshll.u32 s6, $0x7;
	s24 =	sshll.u32 s7, $0x7;
	s5 =	simm.s32 $0x0  }
0xf: {  	s17 =	sshrl.u32 s17, $0x3;
	s16 =	sor.u32 s15, s16;
	s18 =	sor.u32 s15, s21  }
0x10: {  	s21 =	sor.u32 s15, s22;
	s20 =	sor.u32 s15, s20;
	s22 =	sor.u32 s15, s23  }
0x11: {  	s23 =	sshll.u32 s2, $0x7;
	s24 =	sor.u32 s15, s24;
	[smem:$0x7FF] =	sst s5  }
0x12: {  	s17 =	sadd.s32 s13, s17;
	s1 =	smax.u32 s1, $0x1;
	s15 =	sor.u32 s15, s23  }
0x13: {  	[dreg:$0x6] =	wrdreg s17;
	s16 =	sshrl.u32 s16, $0x3;
	s26 =	sshrl.u32 s18, $0x3  }
0x14: {  	s18 =	sshrl.u32 s21, $0x3;
	s21 =	sshrl.u32 s20, $0x3;
	s22 =	sshrl.u32 s22, $0x3  }
0x15: {  	s24 =	sshrl.u32 s24, $0x3;
	s20 =	sshll.u32 s9, $0x6;
	s9 =	sshll.u32 s9, $0x4  }
0x16: {  	s16 =	sadd.s32 s13, s16;
	s17 =	sadd.s32 s13, s26;
	s23 =	sadd.s32 s13, s22  }
0x17: {  	s15 =	sshrl.u32 s15, $0x3;
	s26 =	smul.u32 $0x27100, s25;
	[dreg:$0x7] =	wrdreg s16  }
0x18: {  	s22 =	sshll.u32 s10, $0x6;
	s10 =	sshll.u32 s10, $0x4;
	[dreg:$0x8] =	wrdreg s17  }
0x19: {  	s9 =	sadd.s32 s9, s4;
	s16 =	sadd.s32 s13, s18;
	[dreg:$0xb] =	wrdreg s23  }
0x1a: {  	s18 =	sshll.u32 s11, $0x6;
	s23 =	sshll.u32 s8, $0x6;
	s11 =	sshll.u32 s11, $0x4  }
0x1b: {  	s8 =	sshll.u32 s8, $0x4;
	[dreg:$0x9] =	wrdreg s16;
	s16 =	sadd.s32 s13, s21  }
0x1c: {  	s17 =	sshrl.u32 s26, $0x2;
	s21 =	sadd.s32 s20, s3;
	s26 =	smul.u32 $0x9C40, s25  }
0x1d: {  	s20 =	sshll.u32 s7, $0x6;
	[dreg:$0xa] =	wrdreg s16;
	s16 =	sadd.s32 s13, s24  }
0x1e: {  	s11 =	sadd.s32 s11, s4;
	s13 =	sadd.s32 s13, s15;
	[dreg:$0xc] =	wrdreg s16  }
0x1f: {  	s15 =	sadd.s32 $0x14E00, s12;
	[dreg:$0xd] =	wrdreg s13;
	s13 =	sadd.s32 s14, s12  }
0x20: {  	s12 =	sadd.s32 $0x14C00, s12;
	_ =	strace $0x80000047;
	[dreg:$0xe] =	wrdreg s15  }
0x21: {  	s25 =	sadd.s32 s10, s4;
	s8 =	sadd.s32 s8, s4;
	[dreg:$0xf] =	wrdreg s12  }
0x22: {  	s7 =	sshll.u32 s7, $0x4;
	s14 =	sadd.s32 s23, s3;
	[dreg:$0x12] =	wrdreg s21  }
0x23: {  	s24 =	sshll.u32 s6, $0x6;
	s6 =	sshll.u32 s6, $0x4;
	[dreg:$0x14] =	wrdreg s14  }
0x24: {  	s10 =	simm.s32 $0x1D790;
	s6 =	sadd.s32 s6, s4;
	[dreg:$0x1a] =	wrdreg s11  }
0x25: {  	s16 =	simm.s32 $0xA;
	s12 =	sadd.s32 s17, s3;
	[dreg:$0x1b] =	wrdreg s9  }
0x26: {  	s17 =	sadd.s32 s24, s3;
	s21 =	sshll.u32 s2, $0x6;
	[dreg:$0x1c] =	wrdreg s25  }
0x27: {  	s14 =	sadd.s32 s20, s3;
	s23 =	sadd.s32 $0x1200, s13;
	[dreg:$0x1d] =	wrdreg s8  }
0x28: {  	s24 =	sadd.s32 $0xAE40, s13;
	[dreg:$0x1e] =	wrdreg s6;
	s2 =	sshll.u32 s2, $0x4  }
0x29: {  	[smem:$0x7FD] =	sst s1;
	s8 =	simm.s32 $0x15F90;
	s9 =	simm.s32 $0xD  }
0x2a: {  	s13 =	simm.s32 $0x50;
	s15 =	simm.s32 $0x18790;
	[dreg:$0x10] =	wrdreg s12  }
0x2b: {  	s11 =	simm.s32 $0x19B90;
	s25 =	simm.s32 $0x1;
	[dreg:$0x15] =	wrdreg s17  }
0x2c: {  	s1 =	simm.s32 $0x7;
	s6 =	simm.s32 $0x9;
	[dreg:$0x16] =	wrdreg s14  }
0x2d: {  	s20 =	simm.s32 $0x80;
	s12 =	sadd.s32 s18, s3;
	[dreg:$0x18] =	wrdreg s23  }
0x2e: {  	s18 =	sshrl.u32 s26, $0x2;
	[dreg:$0x19] =	wrdreg s24;
	s26 =	sadd.s32 s7, s4  }
0x2f: {  	s2 =	sadd.s32 s2, s4;
	s24 =	simm.s32 $0x11170;
	[dreg:$0x11] =	wrdreg s12  }
0x30: {  	s14 =	simm.s32 $0x17390;
	s7 =	simm.s32 $0x8;
	[dreg:$0x1f] =	wrdreg s26  }
0x31: {  	s17 =	simm.s32 $0xB;
	s12 =	sadd.s32 s22, s3;
	[smem:$0x7FC] =	sst s2  }
0x32: {  	s22 =	sadd.s32 s21, s3;
	s26 =	simm.s32 $0x1AF90;
	[dreg:$0x13] =	wrdreg s12  }
0x33: {  	s2 =	simm.s32 $0x5;
	[dreg:$0x17] =	wrdreg s22;
	s12 =	sadd.s32 s18, s4  }
0x34: {  	v1 =	vimm.f32 $0.0e+00;
	s18 =	simm.s32 $0xC;
	[smem:$0x7FB] =	sst s12;
	s12 =	simm.s32 $0x6  }
.LBB2_1:
0x35: {  	s22 =	simm.s32 $0x100;
	s21 =	simm.s32 $0x0  }
.LBB2_2:
0x36: {  	p0 =	sne.s32 s22, $0x4F00;
	[tilespmem:s21+$0x15FC0] =	vst v1;
	s23 =	smov.u32 s22;
	s22 =	sadd.s32 $0x100, s22  }
.Ltmp0:
0x37: {  	[tilespmem:s21+$0x15FB0] =	vst v1;
	(pc) =	sbr.rel @p0 .LBB2_2-.Ltmp0, $3  }
0x38: {  	[tilespmem:s21+$0x15F90] =	vst v1  }
0x39: {  	[tilespmem:s21+$0x15FA0] =	vst v1;
	_ =	sdelay $0x1  }
0x3a: {  	s21 =	sshra.s32 s23, $0x2  }
0x3b: {  	[tilespmem:s21+$0x15FC0] =	vst v1  }
0x3c: {  	[tilespmem:s21+$0x15FB0] =	vst v1  }
0x3d: {  	[tilespmem:s21+$0x15F90] =	vst v1  }
0x3e: {  	[tilespmem:s21+$0x15FA0] =	vst v1;
	s22 =	rddreg [dreg:$0x10]  }
0x3f: {  	[spmem:s22] =	stream.linear.scatter [tilespmem:s8], [sflag:$0xD], $0x1400, $0x38;
	[tilespmem:$0x1DC90] =	vst v63  }
0x40: {  	_ =	swait.ge [sflag:s9], $0x1400  }
0x41: {  	[sflag:s9] =	ssyncset.done $0x0  }
0x42: {  	s23 =	rddreg [dreg:$0x11];
	[sflag:s9] =	ssyncadd.s32 $0xFFFFEC00  }
0x43: {  	[spmem:s23] =	stream.linear.scatter [tilespmem:s8], [sflag:$0xD], $0x1400, $0x38;
	[tilespmem:$0x1DC90] =	vst v63  }
0x44: {  	_ =	swait.ge [sflag:s9], $0x1400  }
0x45: {  	[sflag:s9] =	ssyncset.done $0x0  }
0x46: {  	s22 =	rddreg [dreg:$0x12];
	[sflag:s9] =	ssyncadd.s32 $0xFFFFEC00  }
0x47: {  	[spmem:s22] =	stream.linear.scatter [tilespmem:s8], [sflag:$0xD], $0x1400, $0x38;
	[tilespmem:$0x1DC90] =	vst v63  }
0x48: {  	_ =	swait.ge [sflag:s9], $0x1400  }
0x49: {  	[sflag:s9] =	ssyncset.done $0x0  }
0x4a: {  	s23 =	rddreg [dreg:$0x13];
	[sflag:s9] =	ssyncadd.s32 $0xFFFFEC00  }
0x4b: {  	[spmem:s23] =	stream.linear.scatter [tilespmem:s8], [sflag:$0xD], $0x1400, $0x38;
	[tilespmem:$0x1DC90] =	vst v63  }
0x4c: {  	_ =	swait.ge [sflag:s9], $0x1400  }
0x4d: {  	[sflag:s9] =	ssyncset.done $0x0  }
0x4e: {  	s22 =	rddreg [dreg:$0x14];
	[sflag:s9] =	ssyncadd.s32 $0xFFFFEC00  }
0x4f: {  	[spmem:s22] =	stream.linear.scatter [tilespmem:s8], [sflag:$0xD], $0x1400, $0x38;
	[tilespmem:$0x1DC90] =	vst v63  }
0x50: {  	_ =	swait.ge [sflag:s9], $0x1400  }
0x51: {  	[sflag:s9] =	ssyncset.done $0x0  }
0x52: {  	s23 =	rddreg [dreg:$0x15];
	[sflag:s9] =	ssyncadd.s32 $0xFFFFEC00  }
0x53: {  	[spmem:s23] =	stream.linear.scatter [tilespmem:s8], [sflag:$0xD], $0x1400, $0x38;
	[tilespmem:$0x1DC90] =	vst v63  }
0x54: {  	_ =	swait.ge [sflag:s9], $0x1400  }
0x55: {  	[sflag:s9] =	ssyncset.done $0x0  }
0x56: {  	s22 =	rddreg [dreg:$0x16];
	[sflag:s9] =	ssyncadd.s32 $0xFFFFEC00  }
0x57: {  	[spmem:s22] =	stream.linear.scatter [tilespmem:s8], [sflag:$0xD], $0x1400, $0x38;
	[tilespmem:$0x1DC90] =	vst v63  }
0x58: {  	_ =	swait.ge [sflag:s9], $0x1400  }
0x59: {  	[sflag:s9] =	ssyncset.done $0x0  }
0x5a: {  	s23 =	rddreg [dreg:$0x17];
	[sflag:s9] =	ssyncadd.s32 $0xFFFFEC00  }
0x5b: {  	[spmem:s23] =	stream.linear.scatter [tilespmem:s8], [sflag:$0xD], $0x1040, $0x38;
	[tilespmem:$0x1DC90] =	vst v63  }
0x5c: {  	s22 =	stileid.u32;
	_ =	swait.ge [sflag:s9], $0x1040  }
0x5d: {  	s21 =	sshll.u32 s22, $0x6;
	s22 =	sld [smem:$0x7FB];
	_ =	sdelay $0x1  }
0x5e: {  	s21 =	sor.u32 $0x1C0D, s21;
	[sflag:s9] =	ssyncset.done $0x0  }
0x5f: {  	s23 =	rddreg [dreg:$0xe];
	[sflag:s9] =	ssyncadd.s32 $0xFFFFEFC0;
	s22 =	sshrl.u32 s22, $0x3  }
0x60: {  	[spmem:s22], [sflag:s21] =	dma.local [hbm:s23], $0x4E2  }
0x61: {  	_ =	swait.ge [sflag:s9], $0x4E2  }
0x62: {  	[sflag:s9] =	ssyncset.done $0x0  }
0x63: {  	s21 =	simm.s32 $0x0;
	s23 =	rddreg [dreg:$0xf];
	[sflag:s9] =	ssyncadd.s32 $0xFFFFFB1E  }
0x64: {  	[tilespmem:s10], [sflag:$0xD] =	stream.linear.gather [hbm4b:s23+s21], $0x500, $0x38;
	[tilespmem:$0x1DC90] =	vst v63  }
0x65: {  	_ =	swait.ge [sflag:s9], $0x500  }
0x66: {  	[sflag:s9] =	ssyncset.done $0x0  }
0x67: {  	s23 =	simm.s32 $0xC350;
	s22 =	rddreg [dreg:$0x18];
	[sflag:s9] =	ssyncadd.s32 $0xFFFFFB00  }
0x68: {  	[tilespmem:s23], [sflag:$0xD] =	stream.linear.gather [hbm4b:s22+s21], $0x4E20, $0x38;
	[tilespmem:$0x1DC90] =	vst v63  }
0x69: {  	_ =	swait.ge [sflag:s9], $0x4E20  }
0x6a: {  	[sflag:s9] =	ssyncset.done $0x0  }
0x6b: {  	s23 =	rddreg [dreg:$0x19];
	[sflag:s9] =	ssyncadd.s32 $0xFFFFB1E0  }
0x6c: {  	[tilespmem:s24], [sflag:$0xD] =	stream.linear.gather [hbm4b:s23+s21], $0x4E20, $0x38;
	[tilespmem:$0x1DC90] =	vst v63  }
0x6d: {  	_ =	swait.ge [sflag:s9], $0x4E20  }
0x6e: {  	[sflag:s9] =	ssyncset.done $0x0  }
0x6f: {  	s22 =	simm.s32 $0x40;
	s21 =	simm.s32 $0x0;
	[sflag:s9] =	ssyncadd.s32 $0xFFFFB1E0  }
.LBB2_4:
0x70: {  	p0 =	sne.s32 s22, $0x13840;
	v2 =	vld [tilespmem:s21+$0xC350];
	_ =	sdelay $0x2  }
.Ltmp1:
0x71: {  	(pc) =	sbr.rel @p0 .LBB2_4-.Ltmp1, $4  }
0x72: {  	_ = 	snop  }
0x73: {  	v2 =	vshll.u32 v2, $0x1  }
0x74: {  	v2 =	vor.u32 v0, v2  }
0x75: {  	[tilespmem:s21+$0xC350] =	vst v2;
	s21 =	sshra.s32 s22, $0x2;
	s22 =	sadd.s32 $0x40, s22  }
0x76: {  	v2 =	vld [tilespmem:s21+$0xC350];
	_ =	sdelay $0x4  }
0x77: {  	v2 =	vshll.u32 v2, $0x1  }
0x78: {  	v2 =	vor.u32 v0, v2  }
0x79: {  	[tilespmem:s21+$0xC350] =	vst v2  }
0x7a: {  	s22 =	simm.s32 $0xC350;
	[bflag:$0x0] =	sbarrier.arrive $0xFFFF  }
0x7b: {  	[tilespmem:s8], [sflag:$0x1] =	stream.indirect.gather [hbm4b:s0+s13], $0x40, s22, s13, $0xb8;
	[tilespmem:$0x1DC90] =	vst v63  }
0x7c: {  	s23 =	simm.s32 $0xC3A0  }
0x7d: {  	[tilespmem:s14], [sflag:$0x2] =	stream.indirect.gather [hbm4b:s0+s13], $0x40, s23, s13, $0xb8;
	[tilespmem:$0x1DC90] =	vst v63  }
0x7e: {  	s24 =	simm.s32 $0xC3F0  }
0x7f: {  	[tilespmem:s15], [sflag:$0x3] =	stream.indirect.gather [hbm4b:s0+s13], $0x40, s24, s13, $0xb8;
	[tilespmem:$0x1DC90] =	vst v63  }
0x80: {  	s22 =	simm.s32 $0xC440  }
0x81: {  	[tilespmem:s11], [sflag:$0x4] =	stream.indirect.gather [hbm4b:s0+s13], $0x40, s22, s13, $0xb8;
	[tilespmem:$0x1DC90] =	vst v63  }
0x82: {  	_ =	swait.ge [sflag:s25], $0x1400  }
0x83: {  	[sflag:s25] =	ssyncset.done $0x0  }
0x84: {  	s23 =	simm.s32 $0x11170;
	[sflag:s25] =	ssyncadd.s32 $0xFFFFEC00  }
0x85: {  	[spmem:s3] =	stream.indirect.scatter.add.f32 [tilespmem:s8], [sflag:$0x7], $0x40, s23, s13, $0xb8;
	[tilespmem:$0x1DC90] =	vst v63  }
0x86: {  	_ = 	snop  }
0x87: {  	[spmem:s4] =	stream.indirect.scatter.add.f32 [tilespmem:s10], [sflag:$0x7], $0x10, s23, s13, $0xb8;
	[tilespmem:$0x1DC90] =	vst v63  }
0x88: {  	s22 =	simm.s32 $0xC490  }
0x89: {  	[tilespmem:s26], [sflag:$0x5] =	stream.indirect.gather [hbm4b:s0+s13], $0x40, s22, s13, $0xb8;
	[tilespmem:$0x1DC90] =	vst v63  }
0x8a: {  	_ =	swait.ge [sflag:s28], $0x1400  }
0x8b: {  	[sflag:s28] =	ssyncset.done $0x0  }
0x8c: {  	s23 =	simm.s32 $0x111C0;
	[sflag:s28] =	ssyncadd.s32 $0xFFFFEC00  }
0x8d: {  	[spmem:s3] =	stream.indirect.scatter.add.f32 [tilespmem:s14], [sflag:$0x8], $0x40, s23, s13, $0xb8;
	[tilespmem:$0x1DC90] =	vst v63  }
0x8e: {  	_ = 	snop  }
0x8f: {  	[spmem:s4] =	stream.indirect.scatter.add.f32 [tilespmem:s10], [sflag:$0x8], $0x10, s23, s13, $0xb8;
	[tilespmem:$0x1DC90] =	vst v63  }
0x90: {  	s22 =	simm.s32 $0xC4E0  }
0x91: {  	[tilespmem:s30], [sflag:$0x6] =	stream.indirect.gather [hbm4b:s0+s13], $0x40, s22, s13, $0xb8;
	[tilespmem:$0x1DC90] =	vst v63  }
0x92: {  	_ =	swait.ge [sflag:s31], $0x1400  }
0x93: {  	[sflag:s31] =	ssyncset.done $0x0  }
0x94: {  	s23 =	simm.s32 $0x11210;
	[sflag:s31] =	ssyncadd.s32 $0xFFFFEC00  }
0x95: {  	[spmem:s3] =	stream.indirect.scatter.add.f32 [tilespmem:s15], [sflag:$0x9], $0x40, s23, s13, $0xb8;
	[tilespmem:$0x1DC90] =	vst v63  }
0x96: {  	_ = 	snop  }
0x97: {  	[spmem:s4] =	stream.indirect.scatter.add.f32 [tilespmem:s10], [sflag:$0x9], $0x10, s23, s13, $0xb8;
	[tilespmem:$0x1DC90] =	vst v63  }
0x98: {  	_ =	swait.ge [sflag:s1], $0x1400  }
0x99: {  	[sflag:s1] =	ssyncset.done $0x0  }
0x9a: {  	[sflag:s1] =	ssyncadd.s32 $0xFFFFEC00  }
0x9b: {  	_ =	swait.ge [sflag:s1], $0x500  }
0x9c: {  	[sflag:s1] =	ssyncset.done $0x0  }
0x9d: {  	s22 =	simm.s32 $0xC530;
	[sflag:s1] =	ssyncadd.s32 $0xFFFFFB00  }
0x9e: {  	[tilespmem:s8], [sflag:$0x1] =	stream.indirect.gather [hbm4b:s0+s13], $0x40, s22, s13, $0xb8;
	[tilespmem:$0x1DC90] =	vst v63  }
0x9f: {  	_ =	swait.ge [sflag:s29], $0x1400  }
0xa0: {  	[sflag:s29] =	ssyncset.done $0x0  }
0xa1: {  	s23 =	simm.s32 $0x11260;
	[sflag:s29] =	ssyncadd.s32 $0xFFFFEC00  }
0xa2: {  	[spmem:s3] =	stream.indirect.scatter.add.f32 [tilespmem:s11], [sflag:$0xA], $0x40, s23, s13, $0xb8;
	[tilespmem:$0x1DC90] =	vst v63  }
0xa3: {  	_ = 	snop  }
0xa4: {  	[spmem:s4] =	stream.indirect.scatter.add.f32 [tilespmem:s10], [sflag:$0xA], $0x10, s23, s13, $0xb8;
	[tilespmem:$0x1DC90] =	vst v63  }
0xa5: {  	_ =	swait.ge [sflag:s7], $0x1400  }
0xa6: {  	[sflag:s7] =	ssyncset.done $0x0  }
0xa7: {  	[sflag:s7] =	ssyncadd.s32 $0xFFFFEC00  }
0xa8: {  	_ =	swait.ge [sflag:s7], $0x500  }
0xa9: {  	[sflag:s7] =	ssyncset.done $0x0  }
0xaa: {  	s22 =	simm.s32 $0xC580;
	[sflag:s7] =	ssyncadd.s32 $0xFFFFFB00  }
0xab: {  	[tilespmem:s14], [sflag:$0x2] =	stream.indirect.gather [hbm4b:s0+s13], $0x40, s22, s13, $0xb8;
	[tilespmem:$0x1DC90] =	vst v63  }
0xac: {  	_ =	swait.ge [sflag:s2], $0x1400  }
0xad: {  	[sflag:s2] =	ssyncset.done $0x0  }
0xae: {  	s23 =	simm.s32 $0x112B0;
	[sflag:s2] =	ssyncadd.s32 $0xFFFFEC00  }
0xaf: {  	[spmem:s3] =	stream.indirect.scatter.add.f32 [tilespmem:s26], [sflag:$0xB], $0x40, s23, s13, $0xb8;
	[tilespmem:$0x1DC90] =	vst v63  }
0xb0: {  	_ = 	snop  }
0xb1: {  	[spmem:s4] =	stream.indirect.scatter.add.f32 [tilespmem:s10], [sflag:$0xB], $0x10, s23, s13, $0xb8;
	[tilespmem:$0x1DC90] =	vst v63  }
0xb2: {  	_ =	swait.ge [sflag:s6], $0x1400  }
0xb3: {  	[sflag:s6] =	ssyncset.done $0x0  }
0xb4: {  	[sflag:s6] =	ssyncadd.s32 $0xFFFFEC00  }
0xb5: {  	_ =	swait.ge [sflag:s6], $0x500  }
0xb6: {  	[sflag:s6] =	ssyncset.done $0x0  }
0xb7: {  	s22 =	simm.s32 $0xC5D0;
	[sflag:s6] =	ssyncadd.s32 $0xFFFFFB00  }
0xb8: {  	[tilespmem:s15], [sflag:$0x3] =	stream.indirect.gather [hbm4b:s0+s13], $0x40, s22, s13, $0xb8;
	[tilespmem:$0x1DC90] =	vst v63  }
0xb9: {  	_ =	swait.ge [sflag:s12], $0x1400  }
0xba: {  	[sflag:s12] =	ssyncset.done $0x0  }
0xbb: {  	s23 =	simm.s32 $0x11300;
	[sflag:s12] =	ssyncadd.s32 $0xFFFFEC00  }
0xbc: {  	[spmem:s3] =	stream.indirect.scatter.add.f32 [tilespmem:s30], [sflag:$0xC], $0x40, s23, s13, $0xb8;
	[tilespmem:$0x1DC90] =	vst v63  }
0xbd: {  	_ = 	snop  }
0xbe: {  	[spmem:s4] =	stream.indirect.scatter.add.f32 [tilespmem:s10], [sflag:$0xC], $0x10, s23, s13, $0xb8;
	[tilespmem:$0x1DC90] =	vst v63  }
0xbf: {  	_ =	swait.ge [sflag:s16], $0x1400  }
0xc0: {  	[sflag:s16] =	ssyncset.done $0x0  }
0xc1: {  	[sflag:s16] =	ssyncadd.s32 $0xFFFFEC00  }
0xc2: {  	_ =	swait.ge [sflag:s16], $0x500  }
0xc3: {  	[sflag:s16] =	ssyncset.done $0x0  }
0xc4: {  	s22 =	simm.s32 $0xC620;
	[sflag:s16] =	ssyncadd.s32 $0xFFFFFB00  }
0xc5: {  	[tilespmem:s11], [sflag:$0x4] =	stream.indirect.gather [hbm4b:s0+s13], $0x40, s22, s13, $0xb8;
	[tilespmem:$0x1DC90] =	vst v63  }
0xc6: {  	_ =	swait.ge [sflag:s25], $0x1400  }
0xc7: {  	[sflag:s25] =	ssyncset.done $0x0  }
0xc8: {  	s23 =	simm.s32 $0x11350;
	[sflag:s25] =	ssyncadd.s32 $0xFFFFEC00  }
0xc9: {  	[spmem:s3] =	stream.indirect.scatter.add.f32 [tilespmem:s8], [sflag:$0x7], $0x40, s23, s13, $0xb8;
	[tilespmem:$0x1DC90] =	vst v63  }
0xca: {  	_ = 	snop  }
0xcb: {  	[spmem:s4] =	stream.indirect.scatter.add.f32 [tilespmem:s10], [sflag:$0x7], $0x10, s23, s13, $0xb8;
	[tilespmem:$0x1DC90] =	vst v63  }
0xcc: {  	_ =	swait.ge [sflag:s17], $0x1400  }
0xcd: {  	[sflag:s17] =	ssyncset.done $0x0  }
0xce: {  	[sflag:s17] =	ssyncadd.s32 $0xFFFFEC00  }
0xcf: {  	_ =	swait.ge [sflag:s17], $0x500  }
0xd0: {  	[sflag:s17] =	ssyncset.done $0x0  }
0xd1: {  	s22 =	simm.s32 $0xC670;
	[sflag:s17] =	ssyncadd.s32 $0xFFFFFB00  }
0xd2: {  	[tilespmem:s26], [sflag:$0x5] =	stream.indirect.gather [hbm4b:s0+s13], $0x40, s22, s13, $0xb8;
	[tilespmem:$0x1DC90] =	vst v63  }
0xd3: {  	_ =	swait.ge [sflag:s28], $0x1400  }
0xd4: {  	[sflag:s28] =	ssyncset.done $0x0  }
0xd5: {  	s23 =	simm.s32 $0x113A0;
	[sflag:s28] =	ssyncadd.s32 $0xFFFFEC00  }
0xd6: {  	[spmem:s3] =	stream.indirect.scatter.add.f32 [tilespmem:s14], [sflag:$0x8], $0x40, s23, s13, $0xb8;
	[tilespmem:$0x1DC90] =	vst v63  }
0xd7: {  	_ = 	snop  }
0xd8: {  	[spmem:s4] =	stream.indirect.scatter.add.f32 [tilespmem:s10], [sflag:$0x8], $0x10, s23, s13, $0xb8;
	[tilespmem:$0x1DC90] =	vst v63  }
0xd9: {  	_ =	swait.ge [sflag:s18], $0x1400  }
0xda: {  	[sflag:s18] =	ssyncset.done $0x0  }
0xdb: {  	[sflag:s18] =	ssyncadd.s32 $0xFFFFEC00  }
0xdc: {  	_ =	swait.ge [sflag:s18], $0x500  }
0xdd: {  	[sflag:s18] =	ssyncset.done $0x0  }
0xde: {  	s22 =	simm.s32 $0xC6C0;
	[sflag:s18] =	ssyncadd.s32 $0xFFFFFB00  }
0xdf: {  	[tilespmem:s30], [sflag:$0x6] =	stream.indirect.gather [hbm4b:s0+s13], $0x40, s22, s13, $0xb8;
	[tilespmem:$0x1DC90] =	vst v63  }
0xe0: {  	_ =	swait.ge [sflag:s31], $0x1400  }
0xe1: {  	[sflag:s31] =	ssyncset.done $0x0  }
0xe2: {  	s23 =	simm.s32 $0x113F0;
	[sflag:s31] =	ssyncadd.s32 $0xFFFFEC00  }
0xe3: {  	[spmem:s3] =	stream.indirect.scatter.add.f32 [tilespmem:s15], [sflag:$0x9], $0x40, s23, s13, $0xb8;
	[tilespmem:$0x1DC90] =	vst v63  }
0xe4: {  	_ = 	snop  }
0xe5: {  	[spmem:s4] =	stream.indirect.scatter.add.f32 [tilespmem:s10], [sflag:$0x9], $0x10, s23, s13, $0xb8;
	[tilespmem:$0x1DC90] =	vst v63  }
0xe6: {  	_ =	swait.ge [sflag:s1], $0x1400  }
0xe7: {  	[sflag:s1] =	ssyncset.done $0x0  }
0xe8: {  	[sflag:s1] =	ssyncadd.s32 $0xFFFFEC00  }
0xe9: {  	_ =	swait.ge [sflag:s1], $0x500  }
0xea: {  	[sflag:s1] =	ssyncset.done $0x0  }
0xeb: {  	s22 =	simm.s32 $0xC710;
	[sflag:s1] =	ssyncadd.s32 $0xFFFFFB00  }
0xec: {  	[tilespmem:s8], [sflag:$0x1] =	stream.indirect.gather [hbm4b:s0+s13], $0x40, s22, s13, $0xb8;
	[tilespmem:$0x1DC90] =	vst v63  }
0xed: {  	_ =	swait.ge [sflag:s29], $0x1400  }
0xee: {  	[sflag:s29] =	ssyncset.done $0x0  }
0xef: {  	s23 =	simm.s32 $0x11440;
	[sflag:s29] =	ssyncadd.s32 $0xFFFFEC00  }
0xf0: {  	[spmem:s3] =	stream.indirect.scatter.add.f32 [tilespmem:s11], [sflag:$0xA], $0x40, s23, s13, $0xb8;
	[tilespmem:$0x1DC90] =	vst v63  }
0xf1: {  	_ = 	snop  }
0xf2: {  	[spmem:s4] =	stream.indirect.scatter.add.f32 [tilespmem:s10], [sflag:$0xA], $0x10, s23, s13, $0xb8;
	[tilespmem:$0x1DC90] =	vst v63  }
0xf3: {  	_ =	swait.ge [sflag:s7], $0x1400  }
0xf4: {  	[sflag:s7] =	ssyncset.done $0x0  }
0xf5: {  	[sflag:s7] =	ssyncadd.s32 $0xFFFFEC00  }
0xf6: {  	_ =	swait.ge [sflag:s7], $0x500  }
0xf7: {  	[sflag:s7] =	ssyncset.done $0x0  }
0xf8: {  	s22 =	simm.s32 $0xC760;
	[sflag:s7] =	ssyncadd.s32 $0xFFFFFB00  }
0xf9: {  	[tilespmem:s14], [sflag:$0x2] =	stream.indirect.gather [hbm4b:s0+s13], $0x40, s22, s13, $0xb8;
	[tilespmem:$0x1DC90] =	vst v63  }
0xfa: {  	_ =	swait.ge [sflag:s2], $0x1400  }
0xfb: {  	[sflag:s2] =	ssyncset.done $0x0  }
0xfc: {  	s23 =	simm.s32 $0x11490;
	[sflag:s2] =	ssyncadd.s32 $0xFFFFEC00  }
0xfd: {  	[spmem:s3] =	stream.indirect.scatter.add.f32 [tilespmem:s26], [sflag:$0xB], $0x40, s23, s13, $0xb8;
	[tilespmem:$0x1DC90] =	vst v63  }
0xfe: {  	_ = 	snop  }
0xff: {  	[spmem:s4] =	stream.indirect.scatter.add.f32 [tilespmem:s10], [sflag:$0xB], $0x10, s23, s13, $0xb8;
	[tilespmem:$0x1DC90] =	vst v63  }
0x100: {  	_ =	swait.ge [sflag:s6], $0x1400  }
0x101: {  	[sflag:s6] =	ssyncset.done $0x0  }
0x102: {  	[sflag:s6] =	ssyncadd.s32 $0xFFFFEC00  }
0x103: {  	_ =	swait.ge [sflag:s6], $0x500  }
0x104: {  	[sflag:s6] =	ssyncset.done $0x0  }
0x105: {  	s22 =	simm.s32 $0xC7B0;
	[sflag:s6] =	ssyncadd.s32 $0xFFFFFB00  }
0x106: {  	[tilespmem:s15], [sflag:$0x3] =	stream.indirect.gather [hbm4b:s0+s13], $0x40, s22, s13, $0xb8;
	[tilespmem:$0x1DC90] =	vst v63  }
0x107: {  	_ =	swait.ge [sflag:s12], $0x1400  }
0x108: {  	[sflag:s12] =	ssyncset.done $0x0  }
0x109: {  	s23 =	simm.s32 $0x114E0;
	[sflag:s12] =	ssyncadd.s32 $0xFFFFEC00  }
0x10a: {  	[spmem:s3] =	stream.indirect.scatter.add.f32 [tilespmem:s30], [sflag:$0xC], $0x40, s23, s13, $0xb8;
	[tilespmem:$0x1DC90] =	vst v63  }
0x10b: {  	_ = 	snop  }
0x10c: {  	[spmem:s4] =	stream.indirect.scatter.add.f32 [tilespmem:s10], [sflag:$0xC], $0x10, s23, s13, $0xb8;
	[tilespmem:$0x1DC90] =	vst v63  }
0x10d: {  	_ =	swait.ge [sflag:s16], $0x1400  }
0x10e: {  	[sflag:s16] =	ssyncset.done $0x0  }
0x10f: {  	[sflag:s16] =	ssyncadd.s32 $0xFFFFEC00  }
0x110: {  	_ =	swait.ge [sflag:s16], $0x500  }
0x111: {  	s21 =	simm.s32 $0x780;
	[sflag:s16] =	ssyncset.done $0x0  }
0x112: {  	s24 =	simm.s32 $0x11170;
	s22 =	simm.s32 $0xC800;
	[sflag:s16] =	ssyncadd.s32 $0xFFFFFB00  }
.LBB2_6:
0x113: {  	[tilespmem:s11], [sflag:$0x4] =	stream.indirect.gather [hbm4b:s0+s13], $0x40, s22, s13, $0xb8;
	[tilespmem:$0x1DC90] =	vst v63  }
0x114: {  	s22 =	smov.u32 s21  }
0x115: {  	p0 =	sne.s32 s21, $0x12480;
	s21 =	sadd.s32 $0x780, s21;
	_ =	swait.ge [sflag:s25], $0x1400  }
0x116: {  	s22 =	sshra.s32 s22, $0x2;
	[sflag:s25] =	ssyncset.done $0x0  }
0x117: {  	s23 =	sadd.s32 $0x11350, s22;
	[sflag:s25] =	ssyncadd.s32 $0xFFFFEC00  }
0x118: {  	[spmem:s3] =	stream.indirect.scatter.add.f32 [tilespmem:s8], [sflag:$0x7], $0x40, s23, s13, $0xb8;
	[tilespmem:$0x1DC90] =	vst v63  }
0x119: {  	_ = 	snop  }
0x11a: {  	[spmem:s4] =	stream.indirect.scatter.add.f32 [tilespmem:s10], [sflag:$0x7], $0x10, s23, s13, $0xb8;
	[tilespmem:$0x1DC90] =	vst v63  }
0x11b: {  	_ =	swait.ge [sflag:s17], $0x1400  }
0x11c: {  	[sflag:s17] =	ssyncset.done $0x0  }
0x11d: {  	[sflag:s17] =	ssyncadd.s32 $0xFFFFEC00  }
0x11e: {  	_ =	swait.ge [sflag:s17], $0x500  }
0x11f: {  	[sflag:s17] =	ssyncset.done $0x0  }
0x120: {  	s23 =	sadd.s32 $0xC670, s22;
	[sflag:s17] =	ssyncadd.s32 $0xFFFFFB00  }
0x121: {  	[tilespmem:s26], [sflag:$0x5] =	stream.indirect.gather [hbm4b:s0+s13], $0x40, s23, s13, $0xb8;
	[tilespmem:$0x1DC90] =	vst v63  }
0x122: {  	_ =	swait.ge [sflag:s28], $0x1400  }
0x123: {  	[sflag:s28] =	ssyncset.done $0x0  }
0x124: {  	s23 =	sadd.s32 $0x113A0, s22;
	[sflag:s28] =	ssyncadd.s32 $0xFFFFEC00  }
0x125: {  	[spmem:s3] =	stream.indirect.scatter.add.f32 [tilespmem:s14], [sflag:$0x8], $0x40, s23, s13, $0xb8;
	[tilespmem:$0x1DC90] =	vst v63  }
0x126: {  	_ = 	snop  }
0x127: {  	[spmem:s4] =	stream.indirect.scatter.add.f32 [tilespmem:s10], [sflag:$0x8], $0x10, s23, s13, $0xb8;
	[tilespmem:$0x1DC90] =	vst v63  }
0x128: {  	_ =	swait.ge [sflag:s18], $0x1400  }
0x129: {  	[sflag:s18] =	ssyncset.done $0x0  }
0x12a: {  	[sflag:s18] =	ssyncadd.s32 $0xFFFFEC00  }
0x12b: {  	_ =	swait.ge [sflag:s18], $0x500  }
0x12c: {  	[sflag:s18] =	ssyncset.done $0x0  }
0x12d: {  	s23 =	sadd.s32 $0xC6C0, s22;
	[sflag:s18] =	ssyncadd.s32 $0xFFFFFB00  }
0x12e: {  	[tilespmem:s30], [sflag:$0x6] =	stream.indirect.gather [hbm4b:s0+s13], $0x40, s23, s13, $0xb8;
	[tilespmem:$0x1DC90] =	vst v63  }
0x12f: {  	_ =	swait.ge [sflag:s31], $0x1400  }
0x130: {  	[sflag:s31] =	ssyncset.done $0x0  }
0x131: {  	s23 =	sadd.s32 $0x113F0, s22;
	[sflag:s31] =	ssyncadd.s32 $0xFFFFEC00  }
0x132: {  	[spmem:s3] =	stream.indirect.scatter.add.f32 [tilespmem:s15], [sflag:$0x9], $0x40, s23, s13, $0xb8;
	[tilespmem:$0x1DC90] =	vst v63  }
0x133: {  	_ = 	snop  }
0x134: {  	[spmem:s4] =	stream.indirect.scatter.add.f32 [tilespmem:s10], [sflag:$0x9], $0x10, s23, s13, $0xb8;
	[tilespmem:$0x1DC90] =	vst v63  }
0x135: {  	_ =	swait.ge [sflag:s1], $0x1400  }
0x136: {  	[sflag:s1] =	ssyncset.done $0x0  }
0x137: {  	[sflag:s1] =	ssyncadd.s32 $0xFFFFEC00  }
0x138: {  	_ =	swait.ge [sflag:s1], $0x500  }
0x139: {  	[sflag:s1] =	ssyncset.done $0x0  }
0x13a: {  	s23 =	sadd.s32 $0xC710, s22;
	[sflag:s1] =	ssyncadd.s32 $0xFFFFFB00  }
0x13b: {  	[tilespmem:s8], [sflag:$0x1] =	stream.indirect.gather [hbm4b:s0+s13], $0x40, s23, s13, $0xb8;
	[tilespmem:$0x1DC90] =	vst v63  }
0x13c: {  	_ =	swait.ge [sflag:s29], $0x1400  }
0x13d: {  	[sflag:s29] =	ssyncset.done $0x0  }
0x13e: {  	s23 =	sadd.s32 $0x11440, s22;
	[sflag:s29] =	ssyncadd.s32 $0xFFFFEC00  }
0x13f: {  	[spmem:s3] =	stream.indirect.scatter.add.f32 [tilespmem:s11], [sflag:$0xA], $0x40, s23, s13, $0xb8;
	[tilespmem:$0x1DC90] =	vst v63  }
0x140: {  	_ = 	snop  }
0x141: {  	[spmem:s4] =	stream.indirect.scatter.add.f32 [tilespmem:s10], [sflag:$0xA], $0x10, s23, s13, $0xb8;
	[tilespmem:$0x1DC90] =	vst v63  }
0x142: {  	_ =	swait.ge [sflag:s7], $0x1400  }
0x143: {  	[sflag:s7] =	ssyncset.done $0x0  }
0x144: {  	[sflag:s7] =	ssyncadd.s32 $0xFFFFEC00  }
0x145: {  	_ =	swait.ge [sflag:s7], $0x500  }
0x146: {  	[sflag:s7] =	ssyncset.done $0x0  }
0x147: {  	s23 =	sadd.s32 $0xC760, s22;
	[sflag:s7] =	ssyncadd.s32 $0xFFFFFB00  }
0x148: {  	[tilespmem:s14], [sflag:$0x2] =	stream.indirect.gather [hbm4b:s0+s13], $0x40, s23, s13, $0xb8;
	[tilespmem:$0x1DC90] =	vst v63  }
0x149: {  	_ =	swait.ge [sflag:s2], $0x1400  }
0x14a: {  	[sflag:s2] =	ssyncset.done $0x0  }
0x14b: {  	s23 =	sadd.s32 $0x11490, s22;
	[sflag:s2] =	ssyncadd.s32 $0xFFFFEC00  }
0x14c: {  	[spmem:s3] =	stream.indirect.scatter.add.f32 [tilespmem:s26], [sflag:$0xB], $0x40, s23, s13, $0xb8;
	[tilespmem:$0x1DC90] =	vst v63  }
0x14d: {  	_ = 	snop  }
0x14e: {  	[spmem:s4] =	stream.indirect.scatter.add.f32 [tilespmem:s10], [sflag:$0xB], $0x10, s23, s13, $0xb8;
	[tilespmem:$0x1DC90] =	vst v63  }
0x14f: {  	_ =	swait.ge [sflag:s6], $0x1400  }
0x150: {  	[sflag:s6] =	ssyncset.done $0x0  }
0x151: {  	[sflag:s6] =	ssyncadd.s32 $0xFFFFEC00  }
0x152: {  	_ =	swait.ge [sflag:s6], $0x500  }
0x153: {  	[sflag:s6] =	ssyncset.done $0x0  }
0x154: {  	s23 =	sadd.s32 $0xC7B0, s22;
	[sflag:s6] =	ssyncadd.s32 $0xFFFFFB00  }
0x155: {  	[tilespmem:s15], [sflag:$0x3] =	stream.indirect.gather [hbm4b:s0+s13], $0x40, s23, s13, $0xb8;
	[tilespmem:$0x1DC90] =	vst v63  }
0x156: {  	_ =	swait.ge [sflag:s12], $0x1400  }
0x157: {  	[sflag:s12] =	ssyncset.done $0x0  }
0x158: {  	s23 =	sadd.s32 $0x114E0, s22;
	[sflag:s12] =	ssyncadd.s32 $0xFFFFEC00  }
0x159: {  	[spmem:s3] =	stream.indirect.scatter.add.f32 [tilespmem:s30], [sflag:$0xC], $0x40, s23, s13, $0xb8;
	[tilespmem:$0x1DC90] =	vst v63  }
0x15a: {  	_ = 	snop  }
0x15b: {  	[spmem:s4] =	stream.indirect.scatter.add.f32 [tilespmem:s10], [sflag:$0xC], $0x10, s23, s13, $0xb8;
	[tilespmem:$0x1DC90] =	vst v63  }
0x15c: {  	_ =	swait.ge [sflag:s16], $0x1400  }
.Ltmp2:
0x15d: {  	[sflag:s16] =	ssyncset.done $0x0;
	(pc) =	sbr.rel @p0 .LBB2_6-.Ltmp2, $4  }
0x15e: {  	[sflag:s16] =	ssyncadd.s32 $0xFFFFEC00  }
0x15f: {  	_ =	swait.ge [sflag:s16], $0x500  }
0x160: {  	[sflag:s16] =	ssyncset.done $0x0  }
0x161: {  	s22 =	sadd.s32 $0xC800, s22;
	[sflag:s16] =	ssyncadd.s32 $0xFFFFFB00  }
0x162: {  	[tilespmem:s11], [sflag:$0x4] =	stream.indirect.gather [hbm4b:s0+s13], $0x40, s22, s13, $0xb8;
	[tilespmem:$0x1DC90] =	vst v63  }
0x163: {  	_ =	swait.ge [sflag:s25], $0x1400  }
0x164: {  	[sflag:s25] =	ssyncset.done $0x0  }
0x165: {  	s21 =	simm.s32 $0x15E50;
	[sflag:s25] =	ssyncadd.s32 $0xFFFFEC00  }
0x166: {  	[spmem:s3] =	stream.indirect.scatter.add.f32 [tilespmem:s8], [sflag:$0x7], $0x40, s21, s13, $0xb8;
	[tilespmem:$0x1DC90] =	vst v63  }
0x167: {  	_ = 	snop  }
0x168: {  	[spmem:s4] =	stream.indirect.scatter.add.f32 [tilespmem:s10], [sflag:$0x7], $0x10, s21, s13, $0xb8;
	[tilespmem:$0x1DC90] =	vst v63  }
0x169: {  	_ =	swait.ge [sflag:s28], $0x1400  }
0x16a: {  	[sflag:s28] =	ssyncset.done $0x0  }
0x16b: {  	s22 =	simm.s32 $0x15EA0;
	[sflag:s28] =	ssyncadd.s32 $0xFFFFEC00  }
0x16c: {  	[spmem:s3] =	stream.indirect.scatter.add.f32 [tilespmem:s14], [sflag:$0x8], $0x40, s22, s13, $0xb8;
	[tilespmem:$0x1DC90] =	vst v63  }
0x16d: {  	_ = 	snop  }
0x16e: {  	[spmem:s4] =	stream.indirect.scatter.add.f32 [tilespmem:s10], [sflag:$0x8], $0x10, s22, s13, $0xb8;
	[tilespmem:$0x1DC90] =	vst v63  }
0x16f: {  	_ =	swait.ge [sflag:s31], $0x1400  }
0x170: {  	[sflag:s31] =	ssyncset.done $0x0  }
0x171: {  	s23 =	simm.s32 $0x15EF0;
	[sflag:s31] =	ssyncadd.s32 $0xFFFFEC00  }
0x172: {  	[spmem:s3] =	stream.indirect.scatter.add.f32 [tilespmem:s15], [sflag:$0x9], $0x40, s23, s13, $0xb8;
	[tilespmem:$0x1DC90] =	vst v63  }
0x173: {  	_ = 	snop  }
0x174: {  	[spmem:s4] =	stream.indirect.scatter.add.f32 [tilespmem:s10], [sflag:$0x9], $0x10, s23, s13, $0xb8;
	[tilespmem:$0x1DC90] =	vst v63  }
0x175: {  	_ =	swait.ge [sflag:s29], $0x1400  }
0x176: {  	[sflag:s29] =	ssyncset.done $0x0  }
0x177: {  	s22 =	simm.s32 $0x15F40;
	[sflag:s29] =	ssyncadd.s32 $0xFFFFEC00  }
0x178: {  	[spmem:s3] =	stream.indirect.scatter.add.f32 [tilespmem:s11], [sflag:$0xA], $0x40, s22, s13, $0xb8;
	[tilespmem:$0x1DC90] =	vst v63  }
0x179: {  	_ = 	snop  }
0x17a: {  	[spmem:s4] =	stream.indirect.scatter.add.f32 [tilespmem:s10], [sflag:$0xA], $0x10, s22, s13, $0xb8;
	[tilespmem:$0x1DC90] =	vst v63  }
0x17b: {  	_ =	swait.ge [sflag:s17], $0x1400  }
0x17c: {  	[sflag:s17] =	ssyncset.done $0x0  }
0x17d: {  	[sflag:s17] =	ssyncadd.s32 $0xFFFFEC00  }
0x17e: {  	_ =	swait.ge [sflag:s17], $0x500  }
0x17f: {  	[sflag:s17] =	ssyncset.done $0x0  }
0x180: {  	[sflag:s17] =	ssyncadd.s32 $0xFFFFFB00  }
0x181: {  	_ =	swait.ge [sflag:s18], $0x1400  }
0x182: {  	[sflag:s18] =	ssyncset.done $0x0  }
0x183: {  	[sflag:s18] =	ssyncadd.s32 $0xFFFFEC00  }
0x184: {  	_ =	swait.ge [sflag:s18], $0x500  }
0x185: {  	[sflag:s18] =	ssyncset.done $0x0  }
0x186: {  	[sflag:s18] =	ssyncadd.s32 $0xFFFFFB00  }
0x187: {  	_ =	swait.ge [sflag:s1], $0x1400  }
0x188: {  	[sflag:s1] =	ssyncset.done $0x0  }
0x189: {  	[sflag:s1] =	ssyncadd.s32 $0xFFFFEC00  }
0x18a: {  	_ =	swait.ge [sflag:s1], $0x500  }
0x18b: {  	[sflag:s1] =	ssyncset.done $0x0  }
0x18c: {  	[sflag:s1] =	ssyncadd.s32 $0xFFFFFB00  }
0x18d: {  	_ =	swait.ge [sflag:s7], $0x1400  }
0x18e: {  	[sflag:s7] =	ssyncset.done $0x0  }
0x18f: {  	[sflag:s7] =	ssyncadd.s32 $0xFFFFEC00  }
0x190: {  	_ =	swait.ge [sflag:s7], $0x500  }
0x191: {  	[sflag:s7] =	ssyncset.done $0x0  }
0x192: {  	[sflag:s7] =	ssyncadd.s32 $0xFFFFFB00  }
0x193: {  	_ =	swait.ge [sflag:s6], $0x1400  }
0x194: {  	[sflag:s6] =	ssyncset.done $0x0  }
0x195: {  	[sflag:s6] =	ssyncadd.s32 $0xFFFFEC00  }
0x196: {  	_ =	swait.ge [sflag:s6], $0x500  }
0x197: {  	[sflag:s6] =	ssyncset.done $0x0  }
0x198: {  	[sflag:s6] =	ssyncadd.s32 $0xFFFFFB00  }
0x199: {  	_ =	swait.ge [sflag:s16], $0x1400  }
0x19a: {  	[sflag:s16] =	ssyncset.done $0x0  }
0x19b: {  	[sflag:s16] =	ssyncadd.s32 $0xFFFFEC00  }
0x19c: {  	_ =	swait.ge [sflag:s16], $0x500  }
0x19d: {  	[sflag:s16] =	ssyncset.done $0x0  }
0x19e: {  	[sflag:s16] =	ssyncadd.s32 $0xFFFFFB00  }
0x19f: {  	[bflag:$0x0] =	sbarrier.arrive $0xFFFF  }
0x1a0: {  	s23 =	rddreg [dreg:$0x10]  }
0x1a1: {  	[tilespmem:s8], [sflag:$0xD] =	stream.linear.gather [spmem:s23], $0x1400, $0x38;
	[tilespmem:$0x1DC90] =	vst v63  }
0x1a2: {  	_ =	swait.ge [sflag:s9], $0x1400  }
0x1a3: {  	s22 =	sld [smem:$0x7FB]  }
0x1a4: {  	[sflag:s9] =	ssyncset.done $0x0  }
0x1a5: {  	[sflag:s9] =	ssyncadd.s32 $0xFFFFEC00  }
0x1a6: {  	[tilespmem:s10], [sflag:$0xD] =	stream.linear.gather [spmem:s22], $0x500, $0x38;
	[tilespmem:$0x1DC90] =	vst v63  }
0x1a7: {  	_ =	swait.ge [sflag:s9], $0x500  }
0x1a8: {  	[sflag:s9] =	ssyncset.done $0x0  }
0x1a9: {  	s23 =	simm.s32 $0x0;
	[sflag:s9] =	ssyncadd.s32 $0xFFFFFB00  }
0x1aa: {  	v2 =	vld [tilespmem:s23+$0x1D790];
	_ =	sdelay $0x4  }
0x1ab: {  	v2 =	vmax.f32 v2, $1.000000000e+00  }
0x1ac: {  	(erf) = vrcp.f32 v2;
	_ =	sdelay $0x3  }
0x1ad: {  	s21 =	simm.s32 $0x15FB0  }
0x1ae: {  	v2 =	vld [tilespmem:s21+$0xFFFFFFE0]  }
0x1af: {  	v3 =	vld [tilespmem:s21+$0xFFFFFFF0]  }
0x1b0: {  	v4 =	vld [tilespmem:s21+$0x0]  }
0x1b1: {  	v5 =	vld [tilespmem:s21+$0x10]  }
0x1b2: {  	v6 =	vpop (erf)  }
0x1b3: {  	v2 =	vmul.f32 v6, v2  }
0x1b4: {  	v3 =	vmul.f32 v3, v6  }
0x1b5: {  	v4 =	vmul.f32 v4, v6;
	[tilespmem:s21+$0xFFFFFFE0] =	vst v2  }
0x1b6: {  	v2 =	vmul.f32 v5, v6;
	[tilespmem:s21+$0xFFFFFFF0] =	vst v3  }
0x1b7: {  	[tilespmem:s21+$0x0] =	vst v4  }
0x1b8: {  	s22 =	simm.s32 $0x80;
	s23 =	simm.s32 $0x10;
	[tilespmem:s21+$0x10] =	vst v2  }
.LBB2_8:
0x1b9: {  	p0 =	sne.s32 s22, $0x13C0;
	v2 =	vld [tilespmem:s23+$0x1D790];
	_ =	sdelay $0x4  }
0x1ba: {  	v2 =	vmax.f32 v2, $1.000000000e+00  }
0x1bb: {  	(erf) = vrcp.f32 v2;
	_ =	sdelay $0x1  }
0x1bc: {  	s21 =	sadd.s32 $0x40, s21  }
0x1bd: {  	v2 =	vld [tilespmem:s21+$0xFFFFFFF0]  }
0x1be: {  	v3 =	vld [tilespmem:s21+$0x10]  }
0x1bf: {  	v4 =	vld [tilespmem:s21+$0xFFFFFFE0]  }
0x1c0: {  	v5 =	vld [tilespmem:s21+$0x0];
	_ =	sdelay $0x2  }
0x1c1: {  	v6 =	vpop (erf)  }
0x1c2: {  	v4 =	vmul.f32 v6, v4;
	v2 =	vmul.f32 v2, v6  }
.Ltmp3:
0x1c3: {  	v3 =	vmul.f32 v3, v6;
	v5 =	vmul.f32 v5, v6;
	(pc) =	sbr.rel @p0 .LBB2_8-.Ltmp3, $4  }
0x1c4: {  	[tilespmem:s21+$0xFFFFFFE0] =	vst v4  }
0x1c5: {  	[tilespmem:s21+$0xFFFFFFF0] =	vst v2  }
0x1c6: {  	[tilespmem:s21+$0x0] =	vst v5  }
0x1c7: {  	s23 =	sshra.s32 s22, $0x2;
	s22 =	sadd.s32 $0x40, s22;
	[tilespmem:s21+$0x10] =	vst v3  }
0x1c8: {  	v2 =	vld [tilespmem:s23+$0x1D790];
	_ =	sdelay $0x4  }
0x1c9: {  	v2 =	vmax.f32 v2, $1.000000000e+00  }
0x1ca: {  	(erf) = vrcp.f32 v2;
	_ =	sdelay $0x3  }
0x1cb: {  	s21 =	sadd.s32 $0x40, s21  }
0x1cc: {  	v2 =	vld [tilespmem:s21+$0xFFFFFFE0]  }
0x1cd: {  	v3 =	vld [tilespmem:s21+$0xFFFFFFF0]  }
0x1ce: {  	v4 =	vld [tilespmem:s21+$0x0]  }
0x1cf: {  	v5 =	vld [tilespmem:s21+$0x10]  }
0x1d0: {  	v6 =	vpop (erf)  }
0x1d1: {  	v2 =	vmul.f32 v6, v2  }
0x1d2: {  	v3 =	vmul.f32 v3, v6  }
0x1d3: {  	v4 =	vmul.f32 v4, v6;
	[tilespmem:s21+$0xFFFFFFE0] =	vst v2  }
0x1d4: {  	v2 =	vmul.f32 v5, v6;
	[tilespmem:s21+$0xFFFFFFF0] =	vst v3  }
0x1d5: {  	[tilespmem:s21+$0x0] =	vst v4  }
0x1d6: {  	s22 =	rddreg [dreg:$0x6];
	[tilespmem:s21+$0x10] =	vst v2  }
0x1d7: {  	[hbm4b:s22+s19] =	stream.strided.scatter [tilespmem:s8], [sflag:$0xD], $0x1400, s20, s19, $0x38;
	[tilespmem:$0x1DC90] =	vst v63  }
0x1d8: {  	_ =	swait.ge [sflag:s9], $0x1400  }
0x1d9: {  	[sflag:s9] =	ssyncset.done $0x0  }
0x1da: {  	s23 =	rddreg [dreg:$0x11];
	[sflag:s9] =	ssyncadd.s32 $0xFFFFEC00  }
0x1db: {  	[tilespmem:s14], [sflag:$0xD] =	stream.linear.gather [spmem:s23], $0x1400, $0x38;
	[tilespmem:$0x1DC90] =	vst v63  }
0x1dc: {  	_ =	swait.ge [sflag:s9], $0x1400  }
0x1dd: {  	[sflag:s9] =	ssyncset.done $0x0  }
0x1de: {  	s22 =	rddreg [dreg:$0x1a];
	[sflag:s9] =	ssyncadd.s32 $0xFFFFEC00  }
0x1df: {  	[tilespmem:s10], [sflag:$0xD] =	stream.linear.gather [spmem:s22], $0x500, $0x38;
	[tilespmem:$0x1DC90] =	vst v63  }
0x1e0: {  	_ =	swait.ge [sflag:s9], $0x500  }
0x1e1: {  	[sflag:s9] =	ssyncset.done $0x0  }
0x1e2: {  	s23 =	simm.s32 $0x0;
	[sflag:s9] =	ssyncadd.s32 $0xFFFFFB00  }
0x1e3: {  	v2 =	vld [tilespmem:s23+$0x1D790];
	_ =	sdelay $0x4  }
0x1e4: {  	v2 =	vmax.f32 v2, $1.000000000e+00  }
0x1e5: {  	(erf) = vrcp.f32 v2;
	_ =	sdelay $0x3  }
0x1e6: {  	s21 =	simm.s32 $0x173B0  }
0x1e7: {  	v2 =	vld [tilespmem:s21+$0xFFFFFFE0]  }
0x1e8: {  	v3 =	vld [tilespmem:s21+$0xFFFFFFF0]  }
0x1e9: {  	v61 =	vld [tilespmem:s21+$0x0]  }
0x1ea: {  	v62 =	vld [tilespmem:s21+$0x10]  }
0x1eb: {  	v63 =	vpop (erf)  }
0x1ec: {  	v2 =	vmul.f32 v63, v2  }
0x1ed: {  	v3 =	vmul.f32 v3, v63  }
0x1ee: {  	v4 =	vmul.f32 v61, v63;
	[tilespmem:s21+$0xFFFFFFE0] =	vst v2  }
0x1ef: {  	v2 =	vmul.f32 v62, v63;
	[tilespmem:s21+$0xFFFFFFF0] =	vst v3  }
0x1f0: {  	[tilespmem:s21+$0x0] =	vst v4  }
0x1f1: {  	s22 =	simm.s32 $0x80;
	s23 =	simm.s32 $0x10;
	[tilespmem:s21+$0x10] =	vst v2  }
.LBB2_10:
0x1f2: {  	p0 =	sne.s32 s22, $0x13C0;
	v2 =	vld [tilespmem:s23+$0x1D790];
	_ =	sdelay $0x4  }
0x1f3: {  	v2 =	vmax.f32 v2, $1.000000000e+00  }
0x1f4: {  	(erf) = vrcp.f32 v2;
	_ =	sdelay $0x1  }
0x1f5: {  	s21 =	sadd.s32 $0x40, s21  }
0x1f6: {  	v2 =	vld [tilespmem:s21+$0xFFFFFFF0]  }
0x1f7: {  	v3 =	vld [tilespmem:s21+$0x10]  }
0x1f8: {  	v4 =	vld [tilespmem:s21+$0xFFFFFFE0]  }
0x1f9: {  	v5 =	vld [tilespmem:s21+$0x0];
	_ =	sdelay $0x2  }
0x1fa: {  	v6 =	vpop (erf)  }
0x1fb: {  	v4 =	vmul.f32 v6, v4;
	v2 =	vmul.f32 v2, v6  }
.Ltmp4:
0x1fc: {  	v3 =	vmul.f32 v3, v6;
	v5 =	vmul.f32 v5, v6;
	(pc) =	sbr.rel @p0 .LBB2_10-.Ltmp4, $4  }
0x1fd: {  	[tilespmem:s21+$0xFFFFFFE0] =	vst v4  }
0x1fe: {  	[tilespmem:s21+$0xFFFFFFF0] =	vst v2  }
0x1ff: {  	[tilespmem:s21+$0x0] =	vst v5  }
0x200: {  	s23 =	sshra.s32 s22, $0x2;
	s22 =	sadd.s32 $0x40, s22;
	[tilespmem:s21+$0x10] =	vst v3  }
0x201: {  	v2 =	vld [tilespmem:s23+$0x1D790];
	_ =	sdelay $0x4  }
0x202: {  	v2 =	vmax.f32 v2, $1.000000000e+00  }
0x203: {  	(erf) = vrcp.f32 v2;
	_ =	sdelay $0x3  }
0x204: {  	s21 =	sadd.s32 $0x40, s21  }
0x205: {  	v2 =	vld [tilespmem:s21+$0xFFFFFFE0]  }
0x206: {  	v3 =	vld [tilespmem:s21+$0xFFFFFFF0]  }
0x207: {  	v4 =	vld [tilespmem:s21+$0x0]  }
0x208: {  	v5 =	vld [tilespmem:s21+$0x10]  }
0x209: {  	v6 =	vpop (erf)  }
0x20a: {  	v2 =	vmul.f32 v6, v2  }
0x20b: {  	v3 =	vmul.f32 v3, v6  }
0x20c: {  	v4 =	vmul.f32 v4, v6;
	[tilespmem:s21+$0xFFFFFFE0] =	vst v2  }
0x20d: {  	v2 =	vmul.f32 v5, v6;
	[tilespmem:s21+$0xFFFFFFF0] =	vst v3  }
0x20e: {  	[tilespmem:s21+$0x0] =	vst v4  }
0x20f: {  	s22 =	rddreg [dreg:$0x7];
	[tilespmem:s21+$0x10] =	vst v2  }
0x210: {  	[hbm4b:s22+s19] =	stream.strided.scatter [tilespmem:s14], [sflag:$0xD], $0x1400, s20, s19, $0x38;
	[tilespmem:$0x1DC90] =	vst v63  }
0x211: {  	_ =	swait.ge [sflag:s9], $0x1400  }
0x212: {  	[sflag:s9] =	ssyncset.done $0x0  }
0x213: {  	s23 =	rddreg [dreg:$0x12];
	[sflag:s9] =	ssyncadd.s32 $0xFFFFEC00  }
0x214: {  	[tilespmem:s8], [sflag:$0xD] =	stream.linear.gather [spmem:s23], $0x1400, $0x38;
	[tilespmem:$0x1DC90] =	vst v63  }
0x215: {  	_ =	swait.ge [sflag:s9], $0x1400  }
0x216: {  	[sflag:s9] =	ssyncset.done $0x0  }
0x217: {  	s22 =	rddreg [dreg:$0x1b];
	[sflag:s9] =	ssyncadd.s32 $0xFFFFEC00  }
0x218: {  	[tilespmem:s10], [sflag:$0xD] =	stream.linear.gather [spmem:s22], $0x500, $0x38;
	[tilespmem:$0x1DC90] =	vst v63  }
0x219: {  	_ =	swait.ge [sflag:s9], $0x500  }
0x21a: {  	[sflag:s9] =	ssyncset.done $0x0  }
0x21b: {  	s23 =	simm.s32 $0x0;
	[sflag:s9] =	ssyncadd.s32 $0xFFFFFB00  }
0x21c: {  	v2 =	vld [tilespmem:s23+$0x1D790];
	_ =	sdelay $0x4  }
0x21d: {  	v2 =	vmax.f32 v2, $1.000000000e+00  }
0x21e: {  	(erf) = vrcp.f32 v2;
	_ =	sdelay $0x3  }
0x21f: {  	s21 =	simm.s32 $0x15FB0  }
0x220: {  	v2 =	vld [tilespmem:s21+$0xFFFFFFE0]  }
0x221: {  	v3 =	vld [tilespmem:s21+$0xFFFFFFF0]  }
0x222: {  	v61 =	vld [tilespmem:s21+$0x0]  }
0x223: {  	v62 =	vld [tilespmem:s21+$0x10]  }
0x224: {  	v63 =	vpop (erf)  }
0x225: {  	v2 =	vmul.f32 v63, v2  }
0x226: {  	v3 =	vmul.f32 v3, v63  }
0x227: {  	v4 =	vmul.f32 v61, v63;
	[tilespmem:s21+$0xFFFFFFE0] =	vst v2  }
0x228: {  	v2 =	vmul.f32 v62, v63;
	[tilespmem:s21+$0xFFFFFFF0] =	vst v3  }
0x229: {  	[tilespmem:s21+$0x0] =	vst v4  }
0x22a: {  	s22 =	simm.s32 $0x80;
	s23 =	simm.s32 $0x10;
	[tilespmem:s21+$0x10] =	vst v2  }
.LBB2_12:
0x22b: {  	p0 =	sne.s32 s22, $0x13C0;
	v2 =	vld [tilespmem:s23+$0x1D790];
	_ =	sdelay $0x4  }
0x22c: {  	v2 =	vmax.f32 v2, $1.000000000e+00  }
0x22d: {  	(erf) = vrcp.f32 v2;
	_ =	sdelay $0x1  }
0x22e: {  	s21 =	sadd.s32 $0x40, s21  }
0x22f: {  	v2 =	vld [tilespmem:s21+$0xFFFFFFF0]  }
0x230: {  	v3 =	vld [tilespmem:s21+$0x10]  }
0x231: {  	v4 =	vld [tilespmem:s21+$0xFFFFFFE0]  }
0x232: {  	v5 =	vld [tilespmem:s21+$0x0];
	_ =	sdelay $0x2  }
0x233: {  	v6 =	vpop (erf)  }
0x234: {  	v4 =	vmul.f32 v6, v4;
	v2 =	vmul.f32 v2, v6  }
.Ltmp5:
0x235: {  	v3 =	vmul.f32 v3, v6;
	v5 =	vmul.f32 v5, v6;
	(pc) =	sbr.rel @p0 .LBB2_12-.Ltmp5, $4  }
0x236: {  	[tilespmem:s21+$0xFFFFFFE0] =	vst v4  }
0x237: {  	[tilespmem:s21+$0xFFFFFFF0] =	vst v2  }
0x238: {  	[tilespmem:s21+$0x0] =	vst v5  }
0x239: {  	s23 =	sshra.s32 s22, $0x2;
	s22 =	sadd.s32 $0x40, s22;
	[tilespmem:s21+$0x10] =	vst v3  }
0x23a: {  	v2 =	vld [tilespmem:s23+$0x1D790];
	_ =	sdelay $0x4  }
0x23b: {  	v2 =	vmax.f32 v2, $1.000000000e+00  }
0x23c: {  	(erf) = vrcp.f32 v2;
	_ =	sdelay $0x3  }
0x23d: {  	s21 =	sadd.s32 $0x40, s21  }
0x23e: {  	v2 =	vld [tilespmem:s21+$0xFFFFFFE0]  }
0x23f: {  	v3 =	vld [tilespmem:s21+$0xFFFFFFF0]  }
0x240: {  	v4 =	vld [tilespmem:s21+$0x0]  }
0x241: {  	v5 =	vld [tilespmem:s21+$0x10]  }
0x242: {  	v6 =	vpop (erf)  }
0x243: {  	v2 =	vmul.f32 v6, v2  }
0x244: {  	v3 =	vmul.f32 v3, v6  }
0x245: {  	v4 =	vmul.f32 v4, v6;
	[tilespmem:s21+$0xFFFFFFE0] =	vst v2  }
0x246: {  	v2 =	vmul.f32 v5, v6;
	[tilespmem:s21+$0xFFFFFFF0] =	vst v3  }
0x247: {  	[tilespmem:s21+$0x0] =	vst v4  }
0x248: {  	s22 =	rddreg [dreg:$0x8];
	[tilespmem:s21+$0x10] =	vst v2  }
0x249: {  	[hbm4b:s22+s19] =	stream.strided.scatter [tilespmem:s8], [sflag:$0xD], $0x1400, s20, s19, $0x38;
	[tilespmem:$0x1DC90] =	vst v63  }
0x24a: {  	_ =	swait.ge [sflag:s9], $0x1400  }
0x24b: {  	[sflag:s9] =	ssyncset.done $0x0  }
0x24c: {  	s23 =	rddreg [dreg:$0x13];
	[sflag:s9] =	ssyncadd.s32 $0xFFFFEC00  }
0x24d: {  	[tilespmem:s14], [sflag:$0xD] =	stream.linear.gather [spmem:s23], $0x1400, $0x38;
	[tilespmem:$0x1DC90] =	vst v63  }
0x24e: {  	_ =	swait.ge [sflag:s9], $0x1400  }
0x24f: {  	[sflag:s9] =	ssyncset.done $0x0  }
0x250: {  	s22 =	rddreg [dreg:$0x1c];
	[sflag:s9] =	ssyncadd.s32 $0xFFFFEC00  }
0x251: {  	[tilespmem:s10], [sflag:$0xD] =	stream.linear.gather [spmem:s22], $0x500, $0x38;
	[tilespmem:$0x1DC90] =	vst v63  }
0x252: {  	_ =	swait.ge [sflag:s9], $0x500  }
0x253: {  	[sflag:s9] =	ssyncset.done $0x0  }
0x254: {  	s23 =	simm.s32 $0x0;
	[sflag:s9] =	ssyncadd.s32 $0xFFFFFB00  }
0x255: {  	v2 =	vld [tilespmem:s23+$0x1D790];
	_ =	sdelay $0x4  }
0x256: {  	v2 =	vmax.f32 v2, $1.000000000e+00  }
0x257: {  	(erf) = vrcp.f32 v2;
	_ =	sdelay $0x3  }
0x258: {  	s21 =	simm.s32 $0x173B0  }
0x259: {  	v2 =	vld [tilespmem:s21+$0xFFFFFFE0]  }
0x25a: {  	v3 =	vld [tilespmem:s21+$0xFFFFFFF0]  }
0x25b: {  	v61 =	vld [tilespmem:s21+$0x0]  }
0x25c: {  	v62 =	vld [tilespmem:s21+$0x10]  }
0x25d: {  	v63 =	vpop (erf)  }
0x25e: {  	v2 =	vmul.f32 v63, v2  }
0x25f: {  	v3 =	vmul.f32 v3, v63  }
0x260: {  	v4 =	vmul.f32 v61, v63;
	[tilespmem:s21+$0xFFFFFFE0] =	vst v2  }
0x261: {  	v2 =	vmul.f32 v62, v63;
	[tilespmem:s21+$0xFFFFFFF0] =	vst v3  }
0x262: {  	[tilespmem:s21+$0x0] =	vst v4  }
0x263: {  	s22 =	simm.s32 $0x80;
	s23 =	simm.s32 $0x10;
	[tilespmem:s21+$0x10] =	vst v2  }
.LBB2_14:
0x264: {  	p0 =	sne.s32 s22, $0x13C0;
	v2 =	vld [tilespmem:s23+$0x1D790];
	_ =	sdelay $0x4  }
0x265: {  	v2 =	vmax.f32 v2, $1.000000000e+00  }
0x266: {  	(erf) = vrcp.f32 v2;
	_ =	sdelay $0x1  }
0x267: {  	s21 =	sadd.s32 $0x40, s21  }
0x268: {  	v2 =	vld [tilespmem:s21+$0xFFFFFFF0]  }
0x269: {  	v3 =	vld [tilespmem:s21+$0x10]  }
0x26a: {  	v4 =	vld [tilespmem:s21+$0xFFFFFFE0]  }
0x26b: {  	v5 =	vld [tilespmem:s21+$0x0];
	_ =	sdelay $0x2  }
0x26c: {  	v6 =	vpop (erf)  }
0x26d: {  	v4 =	vmul.f32 v6, v4;
	v2 =	vmul.f32 v2, v6  }
.Ltmp6:
0x26e: {  	v3 =	vmul.f32 v3, v6;
	v5 =	vmul.f32 v5, v6;
	(pc) =	sbr.rel @p0 .LBB2_14-.Ltmp6, $4  }
0x26f: {  	[tilespmem:s21+$0xFFFFFFE0] =	vst v4  }
0x270: {  	[tilespmem:s21+$0xFFFFFFF0] =	vst v2  }
0x271: {  	[tilespmem:s21+$0x0] =	vst v5  }
0x272: {  	s23 =	sshra.s32 s22, $0x2;
	s22 =	sadd.s32 $0x40, s22;
	[tilespmem:s21+$0x10] =	vst v3  }
0x273: {  	v2 =	vld [tilespmem:s23+$0x1D790];
	_ =	sdelay $0x4  }
0x274: {  	v2 =	vmax.f32 v2, $1.000000000e+00  }
0x275: {  	(erf) = vrcp.f32 v2;
	_ =	sdelay $0x3  }
0x276: {  	s21 =	sadd.s32 $0x40, s21  }
0x277: {  	v2 =	vld [tilespmem:s21+$0xFFFFFFE0]  }
0x278: {  	v3 =	vld [tilespmem:s21+$0xFFFFFFF0]  }
0x279: {  	v4 =	vld [tilespmem:s21+$0x0]  }
0x27a: {  	v5 =	vld [tilespmem:s21+$0x10]  }
0x27b: {  	v6 =	vpop (erf)  }
0x27c: {  	v2 =	vmul.f32 v6, v2  }
0x27d: {  	v3 =	vmul.f32 v3, v6  }
0x27e: {  	v4 =	vmul.f32 v4, v6;
	[tilespmem:s21+$0xFFFFFFE0] =	vst v2  }
0x27f: {  	v2 =	vmul.f32 v5, v6;
	[tilespmem:s21+$0xFFFFFFF0] =	vst v3  }
0x280: {  	[tilespmem:s21+$0x0] =	vst v4  }
0x281: {  	s22 =	rddreg [dreg:$0x9];
	[tilespmem:s21+$0x10] =	vst v2  }
0x282: {  	[hbm4b:s22+s19] =	stream.strided.scatter [tilespmem:s14], [sflag:$0xD], $0x1400, s20, s19, $0x38;
	[tilespmem:$0x1DC90] =	vst v63  }
0x283: {  	_ =	swait.ge [sflag:s9], $0x1400  }
0x284: {  	[sflag:s9] =	ssyncset.done $0x0  }
0x285: {  	s23 =	rddreg [dreg:$0x14];
	[sflag:s9] =	ssyncadd.s32 $0xFFFFEC00  }
0x286: {  	[tilespmem:s8], [sflag:$0xD] =	stream.linear.gather [spmem:s23], $0x1400, $0x38;
	[tilespmem:$0x1DC90] =	vst v63  }
0x287: {  	_ =	swait.ge [sflag:s9], $0x1400  }
0x288: {  	[sflag:s9] =	ssyncset.done $0x0  }
0x289: {  	s22 =	rddreg [dreg:$0x1d];
	[sflag:s9] =	ssyncadd.s32 $0xFFFFEC00  }
0x28a: {  	[tilespmem:s10], [sflag:$0xD] =	stream.linear.gather [spmem:s22], $0x500, $0x38;
	[tilespmem:$0x1DC90] =	vst v63  }
0x28b: {  	_ =	swait.ge [sflag:s9], $0x500  }
0x28c: {  	[sflag:s9] =	ssyncset.done $0x0  }
0x28d: {  	s23 =	simm.s32 $0x0;
	[sflag:s9] =	ssyncadd.s32 $0xFFFFFB00  }
0x28e: {  	v2 =	vld [tilespmem:s23+$0x1D790];
	_ =	sdelay $0x4  }
0x28f: {  	v2 =	vmax.f32 v2, $1.000000000e+00  }
0x290: {  	(erf) = vrcp.f32 v2;
	_ =	sdelay $0x3  }
0x291: {  	s21 =	simm.s32 $0x15FB0  }
0x292: {  	v2 =	vld [tilespmem:s21+$0xFFFFFFE0]  }
0x293: {  	v3 =	vld [tilespmem:s21+$0xFFFFFFF0]  }
0x294: {  	v61 =	vld [tilespmem:s21+$0x0]  }
0x295: {  	v62 =	vld [tilespmem:s21+$0x10]  }
0x296: {  	v63 =	vpop (erf)  }
0x297: {  	v2 =	vmul.f32 v63, v2  }
0x298: {  	v3 =	vmul.f32 v3, v63  }
0x299: {  	v4 =	vmul.f32 v61, v63;
	[tilespmem:s21+$0xFFFFFFE0] =	vst v2  }
0x29a: {  	v2 =	vmul.f32 v62, v63;
	[tilespmem:s21+$0xFFFFFFF0] =	vst v3  }
0x29b: {  	[tilespmem:s21+$0x0] =	vst v4  }
0x29c: {  	s22 =	simm.s32 $0x80;
	s23 =	simm.s32 $0x10;
	[tilespmem:s21+$0x10] =	vst v2  }
.LBB2_16:
0x29d: {  	p0 =	sne.s32 s22, $0x13C0;
	v2 =	vld [tilespmem:s23+$0x1D790];
	_ =	sdelay $0x4  }
0x29e: {  	v2 =	vmax.f32 v2, $1.000000000e+00  }
0x29f: {  	(erf) = vrcp.f32 v2;
	_ =	sdelay $0x1  }
0x2a0: {  	s21 =	sadd.s32 $0x40, s21  }
0x2a1: {  	v2 =	vld [tilespmem:s21+$0xFFFFFFF0]  }
0x2a2: {  	v3 =	vld [tilespmem:s21+$0x10]  }
0x2a3: {  	v4 =	vld [tilespmem:s21+$0xFFFFFFE0]  }
0x2a4: {  	v5 =	vld [tilespmem:s21+$0x0];
	_ =	sdelay $0x2  }
0x2a5: {  	v6 =	vpop (erf)  }
0x2a6: {  	v4 =	vmul.f32 v6, v4;
	v2 =	vmul.f32 v2, v6  }
.Ltmp7:
0x2a7: {  	v3 =	vmul.f32 v3, v6;
	v5 =	vmul.f32 v5, v6;
	(pc) =	sbr.rel @p0 .LBB2_16-.Ltmp7, $4  }
0x2a8: {  	[tilespmem:s21+$0xFFFFFFE0] =	vst v4  }
0x2a9: {  	[tilespmem:s21+$0xFFFFFFF0] =	vst v2  }
0x2aa: {  	[tilespmem:s21+$0x0] =	vst v5  }
0x2ab: {  	s23 =	sshra.s32 s22, $0x2;
	s22 =	sadd.s32 $0x40, s22;
	[tilespmem:s21+$0x10] =	vst v3  }
0x2ac: {  	v2 =	vld [tilespmem:s23+$0x1D790];
	_ =	sdelay $0x4  }
0x2ad: {  	v2 =	vmax.f32 v2, $1.000000000e+00  }
0x2ae: {  	(erf) = vrcp.f32 v2;
	_ =	sdelay $0x3  }
0x2af: {  	s21 =	sadd.s32 $0x40, s21  }
0x2b0: {  	v2 =	vld [tilespmem:s21+$0xFFFFFFE0]  }
0x2b1: {  	v3 =	vld [tilespmem:s21+$0xFFFFFFF0]  }
0x2b2: {  	v4 =	vld [tilespmem:s21+$0x0]  }
0x2b3: {  	v5 =	vld [tilespmem:s21+$0x10]  }
0x2b4: {  	v6 =	vpop (erf)  }
0x2b5: {  	v2 =	vmul.f32 v6, v2  }
0x2b6: {  	v3 =	vmul.f32 v3, v6  }
0x2b7: {  	v4 =	vmul.f32 v4, v6;
	[tilespmem:s21+$0xFFFFFFE0] =	vst v2  }
0x2b8: {  	v2 =	vmul.f32 v5, v6;
	[tilespmem:s21+$0xFFFFFFF0] =	vst v3  }
0x2b9: {  	[tilespmem:s21+$0x0] =	vst v4  }
0x2ba: {  	s22 =	rddreg [dreg:$0xa];
	[tilespmem:s21+$0x10] =	vst v2  }
0x2bb: {  	[hbm4b:s22+s19] =	stream.strided.scatter [tilespmem:s8], [sflag:$0xD], $0x1400, s20, s19, $0x38;
	[tilespmem:$0x1DC90] =	vst v63  }
0x2bc: {  	_ =	swait.ge [sflag:s9], $0x1400  }
0x2bd: {  	[sflag:s9] =	ssyncset.done $0x0  }
0x2be: {  	s23 =	rddreg [dreg:$0x15];
	[sflag:s9] =	ssyncadd.s32 $0xFFFFEC00  }
0x2bf: {  	[tilespmem:s14], [sflag:$0xD] =	stream.linear.gather [spmem:s23], $0x1400, $0x38;
	[tilespmem:$0x1DC90] =	vst v63  }
0x2c0: {  	_ =	swait.ge [sflag:s9], $0x1400  }
0x2c1: {  	[sflag:s9] =	ssyncset.done $0x0  }
0x2c2: {  	s22 =	rddreg [dreg:$0x1e];
	[sflag:s9] =	ssyncadd.s32 $0xFFFFEC00  }
0x2c3: {  	[tilespmem:s10], [sflag:$0xD] =	stream.linear.gather [spmem:s22], $0x500, $0x38;
	[tilespmem:$0x1DC90] =	vst v63  }
0x2c4: {  	_ =	swait.ge [sflag:s9], $0x500  }
0x2c5: {  	[sflag:s9] =	ssyncset.done $0x0  }
0x2c6: {  	s23 =	simm.s32 $0x0;
	[sflag:s9] =	ssyncadd.s32 $0xFFFFFB00  }
0x2c7: {  	v2 =	vld [tilespmem:s23+$0x1D790];
	_ =	sdelay $0x4  }
0x2c8: {  	v2 =	vmax.f32 v2, $1.000000000e+00  }
0x2c9: {  	(erf) = vrcp.f32 v2;
	_ =	sdelay $0x3  }
0x2ca: {  	s21 =	simm.s32 $0x173B0  }
0x2cb: {  	v2 =	vld [tilespmem:s21+$0xFFFFFFE0]  }
0x2cc: {  	v3 =	vld [tilespmem:s21+$0xFFFFFFF0]  }
0x2cd: {  	v61 =	vld [tilespmem:s21+$0x0]  }
0x2ce: {  	v62 =	vld [tilespmem:s21+$0x10]  }
0x2cf: {  	v63 =	vpop (erf)  }
0x2d0: {  	v2 =	vmul.f32 v63, v2  }
0x2d1: {  	v3 =	vmul.f32 v3, v63  }
0x2d2: {  	v4 =	vmul.f32 v61, v63;
	[tilespmem:s21+$0xFFFFFFE0] =	vst v2  }
0x2d3: {  	v2 =	vmul.f32 v62, v63;
	[tilespmem:s21+$0xFFFFFFF0] =	vst v3  }
0x2d4: {  	[tilespmem:s21+$0x0] =	vst v4  }
0x2d5: {  	s22 =	simm.s32 $0x80;
	s23 =	simm.s32 $0x10;
	[tilespmem:s21+$0x10] =	vst v2  }
.LBB2_18:
0x2d6: {  	p0 =	sne.s32 s22, $0x13C0;
	v2 =	vld [tilespmem:s23+$0x1D790];
	_ =	sdelay $0x4  }
0x2d7: {  	v2 =	vmax.f32 v2, $1.000000000e+00  }
0x2d8: {  	(erf) = vrcp.f32 v2;
	_ =	sdelay $0x1  }
0x2d9: {  	s21 =	sadd.s32 $0x40, s21  }
0x2da: {  	v2 =	vld [tilespmem:s21+$0xFFFFFFF0]  }
0x2db: {  	v3 =	vld [tilespmem:s21+$0x10]  }
0x2dc: {  	v4 =	vld [tilespmem:s21+$0xFFFFFFE0]  }
0x2dd: {  	v5 =	vld [tilespmem:s21+$0x0];
	_ =	sdelay $0x2  }
0x2de: {  	v6 =	vpop (erf)  }
0x2df: {  	v4 =	vmul.f32 v6, v4;
	v2 =	vmul.f32 v2, v6  }
.Ltmp8:
0x2e0: {  	v3 =	vmul.f32 v3, v6;
	v5 =	vmul.f32 v5, v6;
	(pc) =	sbr.rel @p0 .LBB2_18-.Ltmp8, $4  }
0x2e1: {  	[tilespmem:s21+$0xFFFFFFE0] =	vst v4  }
0x2e2: {  	[tilespmem:s21+$0xFFFFFFF0] =	vst v2  }
0x2e3: {  	[tilespmem:s21+$0x0] =	vst v5  }
0x2e4: {  	s23 =	sshra.s32 s22, $0x2;
	s22 =	sadd.s32 $0x40, s22;
	[tilespmem:s21+$0x10] =	vst v3  }
0x2e5: {  	v2 =	vld [tilespmem:s23+$0x1D790];
	_ =	sdelay $0x4  }
0x2e6: {  	v2 =	vmax.f32 v2, $1.000000000e+00  }
0x2e7: {  	(erf) = vrcp.f32 v2;
	_ =	sdelay $0x3  }
0x2e8: {  	s21 =	sadd.s32 $0x40, s21  }
0x2e9: {  	v2 =	vld [tilespmem:s21+$0xFFFFFFE0]  }
0x2ea: {  	v3 =	vld [tilespmem:s21+$0xFFFFFFF0]  }
0x2eb: {  	v4 =	vld [tilespmem:s21+$0x0]  }
0x2ec: {  	v5 =	vld [tilespmem:s21+$0x10]  }
0x2ed: {  	v6 =	vpop (erf)  }
0x2ee: {  	v2 =	vmul.f32 v6, v2  }
0x2ef: {  	v3 =	vmul.f32 v3, v6  }
0x2f0: {  	v4 =	vmul.f32 v4, v6;
	[tilespmem:s21+$0xFFFFFFE0] =	vst v2  }
0x2f1: {  	v2 =	vmul.f32 v5, v6;
	[tilespmem:s21+$0xFFFFFFF0] =	vst v3  }
0x2f2: {  	[tilespmem:s21+$0x0] =	vst v4  }
0x2f3: {  	s22 =	rddreg [dreg:$0xb];
	[tilespmem:s21+$0x10] =	vst v2  }
0x2f4: {  	[hbm4b:s22+s19] =	stream.strided.scatter [tilespmem:s14], [sflag:$0xD], $0x1400, s20, s19, $0x38;
	[tilespmem:$0x1DC90] =	vst v63  }
0x2f5: {  	_ =	swait.ge [sflag:s9], $0x1400  }
0x2f6: {  	[sflag:s9] =	ssyncset.done $0x0  }
0x2f7: {  	s23 =	rddreg [dreg:$0x16];
	[sflag:s9] =	ssyncadd.s32 $0xFFFFEC00  }
0x2f8: {  	[tilespmem:s8], [sflag:$0xD] =	stream.linear.gather [spmem:s23], $0x1400, $0x38;
	[tilespmem:$0x1DC90] =	vst v63  }
0x2f9: {  	_ =	swait.ge [sflag:s9], $0x1400  }
0x2fa: {  	[sflag:s9] =	ssyncset.done $0x0  }
0x2fb: {  	s22 =	rddreg [dreg:$0x1f];
	[sflag:s9] =	ssyncadd.s32 $0xFFFFEC00  }
0x2fc: {  	[tilespmem:s10], [sflag:$0xD] =	stream.linear.gather [spmem:s22], $0x500, $0x38;
	[tilespmem:$0x1DC90] =	vst v63  }
0x2fd: {  	_ =	swait.ge [sflag:s9], $0x500  }
0x2fe: {  	[sflag:s9] =	ssyncset.done $0x0  }
0x2ff: {  	s23 =	simm.s32 $0x0;
	[sflag:s9] =	ssyncadd.s32 $0xFFFFFB00  }
0x300: {  	v2 =	vld [tilespmem:s23+$0x1D790];
	_ =	sdelay $0x4  }
0x301: {  	v2 =	vmax.f32 v2, $1.000000000e+00  }
0x302: {  	(erf) = vrcp.f32 v2;
	_ =	sdelay $0x3  }
0x303: {  	s21 =	simm.s32 $0x15FB0  }
0x304: {  	v2 =	vld [tilespmem:s21+$0xFFFFFFE0]  }
0x305: {  	v3 =	vld [tilespmem:s21+$0xFFFFFFF0]  }
0x306: {  	v61 =	vld [tilespmem:s21+$0x0]  }
0x307: {  	v62 =	vld [tilespmem:s21+$0x10]  }
0x308: {  	v63 =	vpop (erf)  }
0x309: {  	v2 =	vmul.f32 v63, v2  }
0x30a: {  	v3 =	vmul.f32 v3, v63  }
0x30b: {  	v4 =	vmul.f32 v61, v63;
	[tilespmem:s21+$0xFFFFFFE0] =	vst v2  }
0x30c: {  	v2 =	vmul.f32 v62, v63;
	[tilespmem:s21+$0xFFFFFFF0] =	vst v3  }
0x30d: {  	[tilespmem:s21+$0x0] =	vst v4  }
0x30e: {  	s22 =	simm.s32 $0x80;
	s23 =	simm.s32 $0x10;
	[tilespmem:s21+$0x10] =	vst v2  }
.LBB2_20:
0x30f: {  	p0 =	sne.s32 s22, $0x13C0;
	v2 =	vld [tilespmem:s23+$0x1D790];
	_ =	sdelay $0x4  }
0x310: {  	v2 =	vmax.f32 v2, $1.000000000e+00  }
0x311: {  	(erf) = vrcp.f32 v2;
	_ =	sdelay $0x1  }
0x312: {  	s21 =	sadd.s32 $0x40, s21  }
0x313: {  	v2 =	vld [tilespmem:s21+$0xFFFFFFF0]  }
0x314: {  	v3 =	vld [tilespmem:s21+$0x10]  }
0x315: {  	v4 =	vld [tilespmem:s21+$0xFFFFFFE0]  }
0x316: {  	v5 =	vld [tilespmem:s21+$0x0];
	_ =	sdelay $0x2  }
0x317: {  	v6 =	vpop (erf)  }
0x318: {  	v4 =	vmul.f32 v6, v4;
	v2 =	vmul.f32 v2, v6  }
.Ltmp9:
0x319: {  	v3 =	vmul.f32 v3, v6;
	v5 =	vmul.f32 v5, v6;
	(pc) =	sbr.rel @p0 .LBB2_20-.Ltmp9, $4  }
0x31a: {  	[tilespmem:s21+$0xFFFFFFE0] =	vst v4  }
0x31b: {  	[tilespmem:s21+$0xFFFFFFF0] =	vst v2  }
0x31c: {  	[tilespmem:s21+$0x0] =	vst v5  }
0x31d: {  	s23 =	sshra.s32 s22, $0x2;
	s22 =	sadd.s32 $0x40, s22;
	[tilespmem:s21+$0x10] =	vst v3  }
0x31e: {  	v2 =	vld [tilespmem:s23+$0x1D790];
	_ =	sdelay $0x4  }
0x31f: {  	v2 =	vmax.f32 v2, $1.000000000e+00  }
0x320: {  	(erf) = vrcp.f32 v2;
	_ =	sdelay $0x3  }
0x321: {  	s21 =	sadd.s32 $0x40, s21  }
0x322: {  	v2 =	vld [tilespmem:s21+$0xFFFFFFE0]  }
0x323: {  	v3 =	vld [tilespmem:s21+$0xFFFFFFF0]  }
0x324: {  	v4 =	vld [tilespmem:s21+$0x0]  }
0x325: {  	v5 =	vld [tilespmem:s21+$0x10]  }
0x326: {  	v6 =	vpop (erf)  }
0x327: {  	v2 =	vmul.f32 v6, v2  }
0x328: {  	v3 =	vmul.f32 v3, v6  }
0x329: {  	v4 =	vmul.f32 v4, v6;
	[tilespmem:s21+$0xFFFFFFE0] =	vst v2  }
0x32a: {  	v2 =	vmul.f32 v5, v6;
	[tilespmem:s21+$0xFFFFFFF0] =	vst v3  }
0x32b: {  	[tilespmem:s21+$0x0] =	vst v4  }
0x32c: {  	s22 =	rddreg [dreg:$0xc];
	[tilespmem:s21+$0x10] =	vst v2  }
0x32d: {  	[hbm4b:s22+s19] =	stream.strided.scatter [tilespmem:s8], [sflag:$0xD], $0x1400, s20, s19, $0x38;
	[tilespmem:$0x1DC90] =	vst v63  }
0x32e: {  	_ =	swait.ge [sflag:s9], $0x1400  }
0x32f: {  	[sflag:s9] =	ssyncset.done $0x0  }
0x330: {  	s23 =	rddreg [dreg:$0x17];
	[sflag:s9] =	ssyncadd.s32 $0xFFFFEC00  }
0x331: {  	[tilespmem:s15], [sflag:$0xD] =	stream.linear.gather [spmem:s23], $0x1040, $0x38;
	[tilespmem:$0x1DC90] =	vst v63  }
0x332: {  	_ =	swait.ge [sflag:s9], $0x1040  }
0x333: {  	s22 =	sld [smem:$0x7FC]  }
0x334: {  	[sflag:s9] =	ssyncset.done $0x0  }
0x335: {  	[sflag:s9] =	ssyncadd.s32 $0xFFFFEFC0  }
0x336: {  	[tilespmem:s10], [sflag:$0xD] =	stream.linear.gather [spmem:s22], $0x410, $0x38;
	[tilespmem:$0x1DC90] =	vst v63  }
0x337: {  	_ =	swait.ge [sflag:s9], $0x410  }
0x338: {  	[sflag:s9] =	ssyncset.done $0x0  }
0x339: {  	s23 =	simm.s32 $0x0;
	[sflag:s9] =	ssyncadd.s32 $0xFFFFFBF0  }
0x33a: {  	v2 =	vld [tilespmem:s23+$0x1D790];
	_ =	sdelay $0x4  }
0x33b: {  	v2 =	vmax.f32 v2, $1.000000000e+00  }
0x33c: {  	(erf) = vrcp.f32 v2;
	_ =	sdelay $0x3  }
0x33d: {  	s21 =	simm.s32 $0x187B0  }
0x33e: {  	v2 =	vld [tilespmem:s21+$0xFFFFFFE0]  }
0x33f: {  	v3 =	vld [tilespmem:s21+$0xFFFFFFF0]  }
0x340: {  	v61 =	vld [tilespmem:s21+$0x0]  }
0x341: {  	v62 =	vld [tilespmem:s21+$0x10]  }
0x342: {  	v63 =	vpop (erf)  }
0x343: {  	v2 =	vmul.f32 v63, v2  }
0x344: {  	v3 =	vmul.f32 v3, v63  }
0x345: {  	v4 =	vmul.f32 v61, v63;
	[tilespmem:s21+$0xFFFFFFE0] =	vst v2  }
0x346: {  	v2 =	vmul.f32 v62, v63;
	[tilespmem:s21+$0xFFFFFFF0] =	vst v3  }
0x347: {  	[tilespmem:s21+$0x0] =	vst v4  }
0x348: {  	s22 =	simm.s32 $0x80;
	s23 =	simm.s32 $0x10;
	[tilespmem:s21+$0x10] =	vst v2  }
.LBB2_22:
0x349: {  	p0 =	sne.s32 s22, $0x1000;
	v2 =	vld [tilespmem:s23+$0x1D790];
	_ =	sdelay $0x4  }
0x34a: {  	v2 =	vmax.f32 v2, $1.000000000e+00  }
0x34b: {  	(erf) = vrcp.f32 v2;
	_ =	sdelay $0x1  }
0x34c: {  	s21 =	sadd.s32 $0x40, s21  }
0x34d: {  	v2 =	vld [tilespmem:s21+$0xFFFFFFF0]  }
0x34e: {  	v3 =	vld [tilespmem:s21+$0x10]  }
0x34f: {  	v4 =	vld [tilespmem:s21+$0xFFFFFFE0]  }
0x350: {  	v5 =	vld [tilespmem:s21+$0x0];
	_ =	sdelay $0x2  }
0x351: {  	v6 =	vpop (erf)  }
0x352: {  	v4 =	vmul.f32 v6, v4;
	v2 =	vmul.f32 v2, v6  }
.Ltmp10:
0x353: {  	v3 =	vmul.f32 v3, v6;
	v5 =	vmul.f32 v5, v6;
	(pc) =	sbr.rel @p0 .LBB2_22-.Ltmp10, $4  }
0x354: {  	[tilespmem:s21+$0xFFFFFFE0] =	vst v4  }
0x355: {  	[tilespmem:s21+$0xFFFFFFF0] =	vst v2  }
0x356: {  	[tilespmem:s21+$0x0] =	vst v5  }
0x357: {  	s23 =	sshra.s32 s22, $0x2;
	s22 =	sadd.s32 $0x40, s22;
	[tilespmem:s21+$0x10] =	vst v3  }
0x358: {  	v2 =	vld [tilespmem:s23+$0x1D790];
	_ =	sdelay $0x4  }
0x359: {  	v2 =	vmax.f32 v2, $1.000000000e+00  }
0x35a: {  	(erf) = vrcp.f32 v2;
	_ =	sdelay $0x3  }
0x35b: {  	s21 =	sadd.s32 $0x40, s21  }
0x35c: {  	v2 =	vld [tilespmem:s21+$0xFFFFFFE0]  }
0x35d: {  	v3 =	vld [tilespmem:s21+$0xFFFFFFF0]  }
0x35e: {  	v4 =	vld [tilespmem:s21+$0x0]  }
0x35f: {  	v5 =	vld [tilespmem:s21+$0x10]  }
0x360: {  	v6 =	vpop (erf)  }
0x361: {  	v2 =	vmul.f32 v6, v2  }
0x362: {  	v3 =	vmul.f32 v3, v6  }
0x363: {  	v4 =	vmul.f32 v4, v6;
	[tilespmem:s21+$0xFFFFFFE0] =	vst v2  }
0x364: {  	v2 =	vmul.f32 v5, v6;
	[tilespmem:s21+$0xFFFFFFF0] =	vst v3  }
0x365: {  	[tilespmem:s21+$0x0] =	vst v4  }
0x366: {  	s22 =	rddreg [dreg:$0xd];
	[tilespmem:s21+$0x10] =	vst v2  }
0x367: {  	[hbm4b:s22+s19] =	stream.strided.scatter [tilespmem:s15], [sflag:$0xD], $0x1040, s20, s19, $0x38;
	[tilespmem:$0x1DC90] =	vst v63  }
0x368: {  	_ =	swait.ge [sflag:s9], $0x1040  }
0x369: {  	s23 =	sld [smem:$0x7FD];
	_ =	sdelay $0x1  }
0x36a: {  	s5 =	sadd.s32 $0x1, s5  }
0x36b: {  	p0 =	sne.s32 s5, s23  }
.Ltmp11:
0x36c: {  	_ = 	snop;
	(pc) =	sbr.rel @p0 .LBB2_1-.Ltmp11, $3  }
0x36d: {  	_ =	sdelay $0x1  }
0x36e: {  	[sflag:s9] =	ssyncset.done $0x0  }
0x36f: {  	[sflag:s9] =	ssyncadd.s32 $0xFFFFEFC0  }
0x370: {  	_ =	sfence.sel $0x180000  }
0x371: {  	[bflag:$0x0] =	sbarrier.arrive $0xFFFF  }
0x372: {  	_ =	strace $0x90000047  }
0x373: {  	s0 =	stileid.u32;
	[bflag:$0x2] =	sbarrier.arrive $0xFFFF  }
0x374: {  	p0 =	sne.s32 s0, $0x0;
	s0 =	rddreg [dreg:$0x5]  }
0x375: {  	s0 =	sadd.s32 @!p0 $0x100000, s0  }
0x376: {  	[sflag:s0] =	ssyncadd.tile.s32 @!p0 $0x1;
	_ =	shalt  }
.Lfunc_end2:
_tile_overlayer_lowered:
.L_overlay_start_2:
0x377: {  	(tag) =	ssettag $0x2  }
0x378: {  	s0 =	rddreg [dreg:$0x0];
	s2 =	stileid.u32  }
0x379: {  	s1 =	rddreg [dreg:$0x1];
	p0 =	sne.s32 s2, $0x0  }
0x37a: {  	s3 =	rddreg [dreg:$0x2];
	[bflag:$0x3] =	sbarrier.arrive $0xFFFF;
	s2 =	simm.s32 @!p0 $0x1C0D  }
0x37b: {  	[timem:s3], [sflag:s2] =	dma.local @!p0 [hbm:s0], s1  }
0x37c: {  	s0 =	simm.s32 @!p0 $0xD  }
0x37d: {  	_ =	swait.ge @!p0 [sflag:s0], s1  }
0x37e: {  	s1 =	ssub.s32 @!p0 $0x0, s1;
	[sflag:s0] =	ssyncset.done @!p0 $0x0  }
0x37f: {  	[sflag:s0] =	ssyncadd.s32 @!p0 s1  }
0x380: {  	[bflag:$0x3] =	sbarrier.arrive $0xFFFF  }
0x381: {  	_ =	shalt  }

</sc_bundles>
